<compile_context>
chip_gen: v7x
topology: tpu7x:2x2x1
jax: 0.10.2.dev20260603
libtpu: 0.0.44.dev20260713+nightly
codegen_flags: <defaults>
</compile_context>

<pallas_src>
import functools

import jax
import jax.numpy as jnp
from jax import lax
from jax.experimental import pallas as pl
from jax.experimental.pallas import tpu as pltpu
from jax.experimental.pallas import tpu_sc as plsc

N = 10000
E = 320000
D_IN = 128
H = 256
HH = H // 2

NC = 2
NS = 16
LANES = 16

NP = 10240
BR = 2048
ED = E // (NC * NS)
ES = E // NS
KC = 80
NR = NP // NS
RC = KC

_mesh = plsc.VectorSubcoreMesh(
    core_axis_name="c", subcore_axis_name="s", num_cores=NC, num_subcores=NS
)



@functools.partial(
    pl.kernel,
    out_type=jax.ShapeDtypeStruct((NC * NS, NP), jnp.float32),
    mesh=_mesh,
    scratch_types=[
        pltpu.VMEM((NP,), jnp.float32),
        pltpu.VMEM((2000,), jnp.int32),
    ],
    compiler_params=pltpu.CompilerParams(needs_layout_passes=False),
)
def _deg_kernel(dst_hbm, out_hbm, hist, dbuf):
    wid = lax.axis_index("s") * NC + lax.axis_index("c")

    def zero_body(i, _):
        hist[pl.ds(i * LANES, LANES)] = jnp.zeros((LANES,), jnp.float32)
        return _

    lax.fori_loop(0, NP // LANES, zero_body, None)

    ones = jnp.ones((LANES,), jnp.float32)
    ebase = wid * ED

    def outer(i, _):
        pltpu.sync_copy(dst_hbm.at[pl.ds(ebase + i * 2000, 2000)], dbuf)

        def inner(j, _):
            idx = dbuf[pl.ds(j * LANES, LANES)]
            plsc.addupdate_scatter(hist, [idx], ones)
            return _

        lax.fori_loop(0, 2000 // LANES, inner, None)
        return _

    lax.fori_loop(0, ED // 2000, outer, None)
    pltpu.sync_copy(hist, out_hbm.at[wid])



@functools.partial(
    pl.kernel,
    out_type=(
        jax.ShapeDtypeStruct((NP, HH), jnp.float32),
        jax.ShapeDtypeStruct((NP, HH), jnp.float32),
    ),
    mesh=_mesh,
    compiler_params=pltpu.CompilerParams(needs_layout_passes=False),
    scratch_types=[
        pltpu.VMEM_SHARED((NP, HH), jnp.float32),
        pltpu.VMEM((ES,), jnp.int32),
        pltpu.VMEM((KC,), jnp.int32),
        pltpu.VMEM((KC,), jnp.int32),
        pltpu.VMEM((KC, HH), jnp.float32),
        pltpu.VMEM((KC, HH), jnp.float32),
        pltpu.SemaphoreType.DMA,
        pltpu.SemaphoreType.DMA,
        pltpu.SemaphoreType.DMA,
        pltpu.SemaphoreType.DMA,
    ],
)
def _scatter_kernel(glo, ghi, src_hbm, dst_hbm, slo, shi,
                    acc, sidx_all, d0, d1, r0, r1, gs0, gs1, ds0, ds1):
    didx = [d0, d1]
    rows = [r0, r1]
    gsem = [gs0, gs1]
    dsem = [ds0, ds1]
    stage = rows[0]
    c = lax.axis_index("c")
    s = lax.axis_index("s")
    nbase = s * NR
    ebase = s * ES

    def run_half(g_hbm, out_hbm):
        def init_body(i, _):
            off = nbase + i * RC
            pltpu.sync_copy(g_hbm.at[pl.ds(off, RC)], stage)
            pltpu.sync_copy(stage, acc.at[pl.ds(off, RC)])
            return _

        lax.fori_loop(0, NR // RC, init_body, None)
        plsc.subcore_barrier()

        pltpu.sync_copy(src_hbm.at[pl.ds(ebase, ES)], sidx_all)

        def issue(j, b):
            pltpu.async_copy(dst_hbm.at[pl.ds(ebase + j * KC, KC)],
                             didx[b], dsem[b])
            pltpu.async_copy(g_hbm.at[sidx_all.at[pl.ds(j * KC, KC)]],
                             rows[b], gsem[b])

        def do_chunk(i, b, issue_next):
            pltpu.make_async_copy(g_hbm.at[pl.ds(0, KC)],
                                  rows[b], gsem[b]).wait()
            pltpu.make_async_copy(dst_hbm.at[pl.ds(ebase + i * KC, KC)],
                                  didx[b], dsem[b]).wait()
            pltpu.sync_copy(rows[b], acc.at[didx[b]], add=True)
            if issue_next:
                issue(i + 2, b)

        NCH = ES // KC
        issue(0, 0)
        issue(1, 1)

        def group_body(gi, _):
            for b in range(2):
                do_chunk(gi * 2 + b, b, True)
            return _

        lax.fori_loop(0, NCH // 2 - 1, group_body, None)
        do_chunk(NCH - 2, 0, False)
        do_chunk(NCH - 1, 1, False)
        plsc.subcore_barrier()

        def drain_body(i, _):
            off = nbase + i * RC
            pltpu.sync_copy(acc.at[pl.ds(off, RC)], stage)
            pltpu.sync_copy(stage, out_hbm.at[pl.ds(off, RC)])
            return _

        lax.fori_loop(0, NR // RC, drain_body, None)

    @pl.when(c == 0)
    def _():
        run_half(glo, slo)

    @pl.when(c == 1)
    def _():
        run_half(ghi, shi)



def _dinv_block(degp_blk):
    deg = jnp.sum(degp_blk, axis=0) + 1.0
    return lax.rsqrt(deg)


def _tc1_body(x_ref, w_ref, degp_ref, glo_ref, ghi_ref):
    dinv = _dinv_block(degp_ref[...])
    h = jnp.dot(x_ref[...], w_ref[...], preferred_element_type=jnp.float32)
    g = h * dinv[:, None]
    glo_ref[...] = g[:, :HH]
    ghi_ref[...] = g[:, HH:]


def _tc2_body(slo_ref, shi_ref, degp_ref, b_ref, w_ref, glo_ref, ghi_ref):
    dinv = _dinv_block(degp_ref[...])
    b = b_ref[...]
    alo = jax.nn.relu(slo_ref[...] * dinv[:, None] + b[:, :HH])
    ahi = jax.nn.relu(shi_ref[...] * dinv[:, None] + b[:, HH:])
    w = w_ref[...]
    h = (jnp.dot(alo, w[:HH, :], preferred_element_type=jnp.float32)
         + jnp.dot(ahi, w[HH:, :], preferred_element_type=jnp.float32))
    g = h * dinv[:, None]
    glo_ref[...] = g[:, :HH]
    ghi_ref[...] = g[:, HH:]


def _tc3_body(slo_ref, shi_ref, degp_ref, b2_ref, w_ref, b3_ref, out_ref):
    dinv = _dinv_block(degp_ref[...])
    b2 = b2_ref[...]
    alo = jax.nn.relu(slo_ref[...] * dinv[:, None] + b2[:, :HH])
    ahi = jax.nn.relu(shi_ref[...] * dinv[:, None] + b2[:, HH:])
    w = w_ref[...]
    out_ref[...] = (jnp.dot(alo, w[:HH, :], preferred_element_type=jnp.float32)
                    + jnp.dot(ahi, w[HH:, :], preferred_element_type=jnp.float32)
                    + b3_ref[...])


_GRID = (pl.cdiv(N, BR),)
_row_spec = lambda w: pl.BlockSpec((BR, w), lambda i: (i, 0))
_degp_spec = pl.BlockSpec((NC * NS, BR), lambda i: (0, i))
_full_spec = lambda a, b: pl.BlockSpec((a, b), lambda i: (0, 0))


def _tc1(x, W1, degp):
    return pl.pallas_call(
        _tc1_body,
        grid=_GRID,
        in_specs=[_row_spec(D_IN), _full_spec(D_IN, H), _degp_spec],
        out_specs=[_row_spec(HH), _row_spec(HH)],
        out_shape=[jax.ShapeDtypeStruct((NP, HH), jnp.float32)] * 2,
    )(x, W1, degp)


def _tc2(slo, shi, degp, b1, W2):
    return pl.pallas_call(
        _tc2_body,
        grid=_GRID,
        in_specs=[_row_spec(HH), _row_spec(HH), _degp_spec,
                  _full_spec(1, H), _full_spec(H, H)],
        out_specs=[_row_spec(HH), _row_spec(HH)],
        out_shape=[jax.ShapeDtypeStruct((NP, HH), jnp.float32)] * 2,
    )(slo, shi, degp, b1, W2)


def _tc3(slo, shi, degp, b2, W3, b3):
    return pl.pallas_call(
        _tc3_body,
        grid=_GRID,
        in_specs=[_row_spec(HH), _row_spec(HH), _degp_spec,
                  _full_spec(1, H), _full_spec(H, H), _full_spec(1, H)],
        out_specs=_row_spec(H),
        out_shape=jax.ShapeDtypeStruct((N, H), jnp.float32),
    )(slo, shi, degp, b2, W3, b3)


def kernel(x, edge_index, W1, b1, W2, b2, W3, b3):
    src = edge_index[0]
    dst = edge_index[1]
    b1r = b1.reshape(1, H)
    b2r = b2.reshape(1, H)
    b3r = b3.reshape(1, H)

    degp = _deg_kernel(dst)
    glo, ghi = _tc1(x, W1, degp)
    slo, shi = _scatter_kernel(glo, ghi, src, dst)
    glo2, ghi2 = _tc2(slo, shi, degp, b1r, W2)
    slo2, shi2 = _scatter_kernel(glo2, ghi2, src, dst)
    return _tc3(slo2, shi2, degp, b2r, W3, b3r)

# --- scband reference (transcript-rebuilt; emitter-appended) ---
"""Pipeline reference for scband-graph-qnn-65481071403863 (READ-ONLY COPY).

The authoritative reference and input builder live on the scoring server;
editing this copy changes nothing except your own understanding.
"""

import jax, jax.numpy as jnp
import numpy as np

N = 10000
E = 320000
D_IN = 128
H = 256


def setup_inputs(seed: int = 0) -> dict:
    key = jax.random.key(seed)
    ks = jax.random.split(key, 9)
    x = jax.random.normal(ks[0], (N, D_IN), dtype=jnp.float32)
    edge_index = jax.random.randint(ks[1], (2, E), 0, N, dtype=jnp.int32)
    W1 = jax.random.normal(ks[2], (D_IN, H), dtype=jnp.float32) * (1.0 / np.sqrt(D_IN))
    b1 = jnp.zeros((H,), dtype=jnp.float32)
    W2 = jax.random.normal(ks[3], (H, H), dtype=jnp.float32) * (1.0 / np.sqrt(H))
    b2 = jnp.zeros((H,), dtype=jnp.float32)
    W3 = jax.random.normal(ks[4], (H, H), dtype=jnp.float32) * (1.0 / np.sqrt(H))
    b3 = jnp.zeros((H,), dtype=jnp.float32)
    return {"x": x, "edge_index": edge_index, "W1": W1, "b1": b1, "W2": W2, "b2": b2, "W3": W3, "b3": b3}


def _gcn_layer(x, edge_index, W, b):
    # Standard GCNConv: add self-loops, symmetric D^{-1/2} A D^{-1/2} normalization,
    # linear transform, scatter-add aggregation over destination nodes.
    num_nodes = x.shape[0]
    loop = jnp.arange(num_nodes, dtype=edge_index.dtype)
    src = jnp.concatenate([edge_index[0], loop])
    dst = jnp.concatenate([edge_index[1], loop])
    ones = jnp.ones_like(src, dtype=x.dtype)
    deg = jax.ops.segment_sum(ones, dst, num_segments=num_nodes)
    deg_inv_sqrt = jnp.where(deg > 0, jax.lax.rsqrt(deg), 0.0)
    norm = deg_inv_sqrt[src] * deg_inv_sqrt[dst]
    h = x @ W
    msg = jnp.take(h, src, axis=0) * norm[:, None]
    out = jax.ops.segment_sum(msg, dst, num_segments=num_nodes)
    return out + b


def reference(x, edge_index, W1, b1, W2, b2, W3, b3):
    h = jax.nn.relu(_gcn_layer(x, edge_index, W1, b1))
    h = jax.nn.relu(_gcn_layer(h, edge_index, W2, b2))
    return h @ W3 + b3

if __name__ == "__main__":
    import jax
    _d = setup_inputs()
    print(jax.jit(kernel)(*tuple(_d.values())))

</pallas_src>

<mosaic_0001>
#map = affine_map<(d0, d1) -> (0, 0)>
#map1 = affine_map<(d0, d1) -> (0)>
module attributes {stable_mosaic.version = 14 : i64} {
  func.func @_scatter_kernel(%arg0: i32, %arg1: i32, %arg2: memref<10240x128xf32, #tpu.memory_space<hbm>>, %arg3: memref<10240x128xf32, #tpu.memory_space<hbm>>, %arg4: memref<320000xi32, #tpu.memory_space<hbm>>, %arg5: memref<320000xi32, #tpu.memory_space<hbm>>, %arg6: memref<10240x128xf32, #tpu.memory_space<hbm>>, %arg7: memref<10240x128xf32, #tpu.memory_space<hbm>>, %arg8: memref<10240x128xf32, #tpu.memory_space<vmem_shared>>, %arg9: memref<20000xi32, #tpu.memory_space<vmem>>, %arg10: memref<80xi32, #tpu.memory_space<vmem>>, %arg11: memref<80xi32, #tpu.memory_space<vmem>>, %arg12: memref<80x128xf32, #tpu.memory_space<vmem>>, %arg13: memref<80x128xf32, #tpu.memory_space<vmem>>, %arg14: memref<!tpu.dma_semaphore, #tpu.memory_space<semaphore_mem>>, %arg15: memref<!tpu.dma_semaphore, #tpu.memory_space<semaphore_mem>>, %arg16: memref<!tpu.dma_semaphore, #tpu.memory_space<semaphore_mem>>, %arg17: memref<!tpu.dma_semaphore, #tpu.memory_space<semaphore_mem>>) attributes {dimension_semantics = [#tpu.dimension_semantics<core_parallel>, #tpu.dimension_semantics<subcore_parallel>], iteration_bounds = array<i64: 2, 16>, scalar_prefetch = 0 : i64, scratch_operands = 10 : i64, tpu.core_type = #tpu.core_type<sc_vector_subcore>, window_params = [{transform_indices = #map}, {transform_indices = #map}, {transform_indices = #map1}, {transform_indices = #map1}, {transform_indices = #map}, {transform_indices = #map}]} {
    %mul3A = arith.constant 640 : i32
    %mul3A_0 = arith.muli %arg1, %mul3A : i32
    %mul3A_1 = arith.constant 20000 : i32
    %mul3A_2 = arith.muli %arg1, %mul3A_1 : i32
    %eq3A = arith.constant 0 : i32
    %eq3A_3 = arith.cmpi eq, %arg0, %eq3A : i32
    %convert_element_type3A = arith.extui %eq3A_3 : i1 to i32
    %cond3A = arith.constant 0 : i32
    %cond3A_4 = arith.cmpi ne, %convert_element_type3A, %cond3A : i32
    scf.if %cond3A_4 {
      %scan3A = arith.constant 0 : i32
      %scan3A_10 = arith.constant 8 : i32
      %scan3A_11 = arith.addi %scan3A, %scan3A_10 : i32
      %scan3A_12 = arith.constant 1 : i32
      scf.for %scan3A_60 = %scan3A to %scan3A_11 step %scan3A_12  : i32 {
        %mul3A_61 = arith.constant 80 : i32
        %mul3A_62 = arith.muli %scan3A_60, %mul3A_61 : i32
        %add3A_63 = arith.addi %mul3A_0, %mul3A_62 : i32
        "tpu.region"() ({
          %run_scoped3A = tpu.sem_alloc : memref<!tpu.dma_semaphore, #tpu.memory_space<semaphore_mem>>
          %dma_start3A_64 = arith.constant 0 : i32
          %dma_start3A_65 = tpu.memref_slice %arg2[%add3A_63, %dma_start3A_64] : memref<10240x128xf32, #tpu.memory_space<hbm>> -> memref<80x128xf32, #tpu.memory_space<hbm>>
          %dma_start3A_66 = arith.constant 0 : i32
          %dma_start3A_67 = tpu.memref_slice %arg2[%add3A_63, %dma_start3A_66] : memref<10240x128xf32, #tpu.memory_space<hbm>> -> memref<80x128xf32, #tpu.memory_space<hbm>>
          tpu.enqueue_dma source(%dma_start3A_67 : memref<80x128xf32, #tpu.memory_space<hbm>>) target(%arg12 : memref<80x128xf32, #tpu.memory_space<vmem>>) target_semaphore(%run_scoped3A : memref<!tpu.dma_semaphore, #tpu.memory_space<semaphore_mem>>)
          %dma_wait3A_68 = arith.constant 0 : i32
          %dma_wait3A_69 = tpu.memref_slice %arg2[%add3A_63, %dma_wait3A_68] : memref<10240x128xf32, #tpu.memory_space<hbm>> -> memref<80x128xf32, #tpu.memory_space<hbm>>
          %dma_wait3A_70 = arith.constant 0 : i32
          %dma_wait3A_71 = tpu.memref_slice %arg2[%add3A_63, %dma_wait3A_70] : memref<10240x128xf32, #tpu.memory_space<hbm>> -> memref<80x128xf32, #tpu.memory_space<hbm>>
          tpu.wait_dma2 semaphore(%run_scoped3A : memref<!tpu.dma_semaphore, #tpu.memory_space<semaphore_mem>>) src(%dma_wait3A_71 : memref<80x128xf32, #tpu.memory_space<hbm>>) dst(%arg12 : memref<80x128xf32, #tpu.memory_space<vmem>>)
          tpu.yield
        }) : () -> ()
        "tpu.region"() ({
          %run_scoped3A = tpu.sem_alloc : memref<!tpu.dma_semaphore, #tpu.memory_space<semaphore_mem>>
          %dma_start3A_64 = arith.constant 0 : i32
          %dma_start3A_65 = tpu.memref_slice %arg8[%add3A_63, %dma_start3A_64] : memref<10240x128xf32, #tpu.memory_space<vmem_shared>> -> memref<80x128xf32, #tpu.memory_space<vmem_shared>>
          %dma_start3A_66 = arith.constant 0 : i32
          %dma_start3A_67 = tpu.memref_slice %arg8[%add3A_63, %dma_start3A_66] : memref<10240x128xf32, #tpu.memory_space<vmem_shared>> -> memref<80x128xf32, #tpu.memory_space<vmem_shared>>
          tpu.enqueue_dma source(%arg12 : memref<80x128xf32, #tpu.memory_space<vmem>>) target(%dma_start3A_67 : memref<80x128xf32, #tpu.memory_space<vmem_shared>>) target_semaphore(%run_scoped3A : memref<!tpu.dma_semaphore, #tpu.memory_space<semaphore_mem>>)
          %dma_wait3A_68 = arith.constant 0 : i32
          %dma_wait3A_69 = tpu.memref_slice %arg8[%add3A_63, %dma_wait3A_68] : memref<10240x128xf32, #tpu.memory_space<vmem_shared>> -> memref<80x128xf32, #tpu.memory_space<vmem_shared>>
          %dma_wait3A_70 = arith.constant 0 : i32
          %dma_wait3A_71 = tpu.memref_slice %arg8[%add3A_63, %dma_wait3A_70] : memref<10240x128xf32, #tpu.memory_space<vmem_shared>> -> memref<80x128xf32, #tpu.memory_space<vmem_shared>>
          tpu.wait_dma2 semaphore(%run_scoped3A : memref<!tpu.dma_semaphore, #tpu.memory_space<semaphore_mem>>) src(%arg12 : memref<80x128xf32, #tpu.memory_space<vmem>>) dst(%dma_wait3A_71 : memref<80x128xf32, #tpu.memory_space<vmem_shared>>)
          tpu.yield
        }) : () -> ()
      }
      %scan3A_13 = arith.constant 8 : i32
      %barrier3A = arith.constant 0 : index
      tpu.barrier barrier_id(%barrier3A)
      "tpu.region"() ({
        %run_scoped3A = tpu.sem_alloc : memref<!tpu.dma_semaphore, #tpu.memory_space<semaphore_mem>>
        %dma_start3A_60 = tpu.memref_slice %arg4[%mul3A_2] : memref<320000xi32, #tpu.memory_space<hbm>> -> memref<20000xi32, #tpu.memory_space<hbm>>
        %dma_start3A_61 = tpu.memref_slice %arg4[%mul3A_2] : memref<320000xi32, #tpu.memory_space<hbm>> -> memref<20000xi32, #tpu.memory_space<hbm>>
        tpu.enqueue_dma source(%dma_start3A_61 : memref<20000xi32, #tpu.memory_space<hbm>>) target(%arg9 : memref<20000xi32, #tpu.memory_space<vmem>>) target_semaphore(%run_scoped3A : memref<!tpu.dma_semaphore, #tpu.memory_space<semaphore_mem>>)
        %dma_wait3A_62 = tpu.memref_slice %arg4[%mul3A_2] : memref<320000xi32, #tpu.memory_space<hbm>> -> memref<20000xi32, #tpu.memory_space<hbm>>
        %dma_wait3A_63 = tpu.memref_slice %arg4[%mul3A_2] : memref<320000xi32, #tpu.memory_space<hbm>> -> memref<20000xi32, #tpu.memory_space<hbm>>
        tpu.wait_dma2 semaphore(%run_scoped3A : memref<!tpu.dma_semaphore, #tpu.memory_space<semaphore_mem>>) src(%dma_wait3A_63 : memref<20000xi32, #tpu.memory_space<hbm>>) dst(%arg9 : memref<20000xi32, #tpu.memory_space<vmem>>)
        tpu.yield
      }) : () -> ()
      %add3A = arith.constant 0 : i32
      %add3A_14 = arith.addi %mul3A_2, %add3A : i32
      %dma_start3A = tpu.memref_slice %arg5[%add3A_14] : memref<320000xi32, #tpu.memory_space<hbm>> -> memref<80xi32, #tpu.memory_space<hbm>>
      %dma_start3A_15 = tpu.memref_slice %arg5[%add3A_14] : memref<320000xi32, #tpu.memory_space<hbm>> -> memref<80xi32, #tpu.memory_space<hbm>>
      tpu.enqueue_dma source(%dma_start3A_15 : memref<80xi32, #tpu.memory_space<hbm>>) target(%arg10 : memref<80xi32, #tpu.memory_space<vmem>>) target_semaphore(%arg16 : memref<!tpu.dma_semaphore, #tpu.memory_space<semaphore_mem>>)
      %dma_start3A_16 = arith.constant 0 : i32
      %dma_start3A_17 = tpu.memref_slice %arg9[%dma_start3A_16] : memref<20000xi32, #tpu.memory_space<vmem>> -> memref<80xi32, #tpu.memory_space<vmem>>
      %dma_start3A_18 = arith.constant 0 : i32
      %dma_start3A_19 = arith.constant 0 : i32
      %dma_start3A_20 = tpu.memref_slice %arg2[%dma_start3A_18, %dma_start3A_19] : memref<10240x128xf32, #tpu.memory_space<hbm>> -> memref<10240x128xf32, #tpu.memory_space<hbm>>
      tpu.enqueue_indirect_dma source(%dma_start3A_20 : memref<10240x128xf32, #tpu.memory_space<hbm>>) target(%arg12 : memref<80x128xf32, #tpu.memory_space<vmem>>) offsets(%dma_start3A_17 : memref<80xi32, #tpu.memory_space<vmem>>) semaphore(%arg14 : memref<!tpu.dma_semaphore, #tpu.memory_space<semaphore_mem>>)
      %add3A_21 = arith.constant 80 : i32
      %add3A_22 = arith.addi %mul3A_2, %add3A_21 : i32
      %dma_start3A_23 = tpu.memref_slice %arg5[%add3A_22] : memref<320000xi32, #tpu.memory_space<hbm>> -> memref<80xi32, #tpu.memory_space<hbm>>
      %dma_start3A_24 = tpu.memref_slice %arg5[%add3A_22] : memref<320000xi32, #tpu.memory_space<hbm>> -> memref<80xi32, #tpu.memory_space<hbm>>
      tpu.enqueue_dma source(%dma_start3A_24 : memref<80xi32, #tpu.memory_space<hbm>>) target(%arg11 : memref<80xi32, #tpu.memory_space<vmem>>) target_semaphore(%arg17 : memref<!tpu.dma_semaphore, #tpu.memory_space<semaphore_mem>>)
      %dma_start3A_25 = arith.constant 80 : i32
      %dma_start3A_26 = tpu.memref_slice %arg9[%dma_start3A_25] : memref<20000xi32, #tpu.memory_space<vmem>> -> memref<80xi32, #tpu.memory_space<vmem>>
      %dma_start3A_27 = arith.constant 0 : i32
      %dma_start3A_28 = arith.constant 0 : i32
      %dma_start3A_29 = tpu.memref_slice %arg2[%dma_start3A_27, %dma_start3A_28] : memref<10240x128xf32, #tpu.memory_space<hbm>> -> memref<10240x128xf32, #tpu.memory_space<hbm>>
      tpu.enqueue_indirect_dma source(%dma_start3A_29 : memref<10240x128xf32, #tpu.memory_space<hbm>>) target(%arg13 : memref<80x128xf32, #tpu.memory_space<vmem>>) offsets(%dma_start3A_26 : memref<80xi32, #tpu.memory_space<vmem>>) semaphore(%arg15 : memref<!tpu.dma_semaphore, #tpu.memory_space<semaphore_mem>>)
      %scan3A_30 = arith.constant 0 : i32
      %scan3A_31 = arith.constant 124 : i32
      %scan3A_32 = arith.addi %scan3A_30, %scan3A_31 : i32
      %scan3A_33 = arith.constant 1 : i32
      scf.for %scan3A_60 = %scan3A_30 to %scan3A_32 step %scan3A_33  : i32 {
        %mul3A_61 = arith.constant 2 : i32
        %mul3A_62 = arith.muli %scan3A_60, %mul3A_61 : i32
        %add3A_63 = arith.constant 0 : i32
        %add3A_64 = arith.addi %mul3A_62, %add3A_63 : i32
        %dma_wait3A_65 = arith.constant 0 : i32
        %dma_wait3A_66 = arith.constant 0 : i32
        %dma_wait3A_67 = tpu.memref_slice %arg2[%dma_wait3A_65, %dma_wait3A_66] : memref<10240x128xf32, #tpu.memory_space<hbm>> -> memref<80x128xf32, #tpu.memory_space<hbm>>
        %dma_wait3A_68 = arith.constant 0 : i32
        %dma_wait3A_69 = arith.constant 0 : i32
        %dma_wait3A_70 = tpu.memref_slice %arg2[%dma_wait3A_68, %dma_wait3A_69] : memref<10240x128xf32, #tpu.memory_space<hbm>> -> memref<80x128xf32, #tpu.memory_space<hbm>>
        tpu.wait_dma2 semaphore(%arg14 : memref<!tpu.dma_semaphore, #tpu.memory_space<semaphore_mem>>) src(%dma_wait3A_70 : memref<80x128xf32, #tpu.memory_space<hbm>>) dst(%arg12 : memref<80x128xf32, #tpu.memory_space<vmem>>)
        %mul3A_71 = arith.constant 80 : i32
        %mul3A_72 = arith.muli %add3A_64, %mul3A_71 : i32
        %add3A_73 = arith.addi %mul3A_2, %mul3A_72 : i32
        %dma_wait3A_74 = tpu.memref_slice %arg5[%add3A_73] : memref<320000xi32, #tpu.memory_space<hbm>> -> memref<80xi32, #tpu.memory_space<hbm>>
        %dma_wait3A_75 = tpu.memref_slice %arg5[%add3A_73] : memref<320000xi32, #tpu.memory_space<hbm>> -> memref<80xi32, #tpu.memory_space<hbm>>
        tpu.wait_dma2 semaphore(%arg16 : memref<!tpu.dma_semaphore, #tpu.memory_space<semaphore_mem>>) src(%dma_wait3A_75 : memref<80xi32, #tpu.memory_space<hbm>>) dst(%arg10 : memref<80xi32, #tpu.memory_space<vmem>>)
        "tpu.region"() ({
          %run_scoped3A = tpu.sem_alloc : memref<!tpu.dma_semaphore, #tpu.memory_space<semaphore_mem>>
          %dma_start3A_117 = arith.constant 0 : i32
          %dma_start3A_118 = arith.constant 0 : i32
          %dma_start3A_119 = tpu.memref_slice %arg8[%dma_start3A_117, %dma_start3A_118] : memref<10240x128xf32, #tpu.memory_space<vmem_shared>> -> memref<10240x128xf32, #tpu.memory_space<vmem_shared>>
          tpu.enqueue_indirect_dma source(%arg12 : memref<80x128xf32, #tpu.memory_space<vmem>>) target(%dma_start3A_119 : memref<10240x128xf32, #tpu.memory_space<vmem_shared>>) offsets(%arg10 : memref<80xi32, #tpu.memory_space<vmem>>) semaphore(%run_scoped3A : memref<!tpu.dma_semaphore, #tpu.memory_space<semaphore_mem>>) {add = true}
          %dma_wait3A_120 = arith.constant 0 : i32
          %dma_wait3A_121 = arith.constant 0 : i32
          %dma_wait3A_122 = tpu.memref_slice %arg8[%dma_wait3A_120, %dma_wait3A_121] : memref<10240x128xf32, #tpu.memory_space<vmem_shared>> -> memref<10240x128xf32, #tpu.memory_space<vmem_shared>>
          tpu.wait_indirect_dma semaphore(%run_scoped3A : memref<!tpu.dma_semaphore, #tpu.memory_space<semaphore_mem>>) src(%arg12 : memref<80x128xf32, #tpu.memory_space<vmem>>) dst(%dma_wait3A_122 : memref<10240x128xf32, #tpu.memory_space<vmem_shared>>)
          tpu.yield
        }) : () -> ()
        %add3A_76 = arith.constant 2 : i32
        %add3A_77 = arith.addi %add3A_64, %add3A_76 : i32
        %mul3A_78 = arith.constant 80 : i32
        %mul3A_79 = arith.muli %add3A_77, %mul3A_78 : i32
        %add3A_80 = arith.addi %mul3A_2, %mul3A_79 : i32
        %dma_start3A_81 = tpu.memref_slice %arg5[%add3A_80] : memref<320000xi32, #tpu.memory_space<hbm>> -> memref<80xi32, #tpu.memory_space<hbm>>
        %dma_start3A_82 = tpu.memref_slice %arg5[%add3A_80] : memref<320000xi32, #tpu.memory_space<hbm>> -> memref<80xi32, #tpu.memory_space<hbm>>
        tpu.enqueue_dma source(%dma_start3A_82 : memref<80xi32, #tpu.memory_space<hbm>>) target(%arg10 : memref<80xi32, #tpu.memory_space<vmem>>) target_semaphore(%arg16 : memref<!tpu.dma_semaphore, #tpu.memory_space<semaphore_mem>>)
        %mul3A_83 = arith.constant 80 : i32
        %mul3A_84 = arith.muli %add3A_77, %mul3A_83 : i32
        %dma_start3A_85 = tpu.memref_slice %arg9[%mul3A_84] : memref<20000xi32, #tpu.memory_space<vmem>> -> memref<80xi32, #tpu.memory_space<vmem>>
        %dma_start3A_86 = arith.constant 0 : i32
        %dma_start3A_87 = arith.constant 0 : i32
        %dma_start3A_88 = tpu.memref_slice %arg2[%dma_start3A_86, %dma_start3A_87] : memref<10240x128xf32, #tpu.memory_space<hbm>> -> memref<10240x128xf32, #tpu.memory_space<hbm>>
        tpu.enqueue_indirect_dma source(%dma_start3A_88 : memref<10240x128xf32, #tpu.memory_space<hbm>>) target(%arg12 : memref<80x128xf32, #tpu.memory_space<vmem>>) offsets(%dma_start3A_85 : memref<80xi32, #tpu.memory_space<vmem>>) semaphore(%arg14 : memref<!tpu.dma_semaphore, #tpu.memory_space<semaphore_mem>>)
        %mul3A_89 = arith.constant 2 : i32
        %mul3A_90 = arith.muli %scan3A_60, %mul3A_89 : i32
        %add3A_91 = arith.constant 1 : i32
        %add3A_92 = arith.addi %mul3A_90, %add3A_91 : i32
        %dma_wait3A_93 = arith.constant 0 : i32
        %dma_wait3A_94 = arith.constant 0 : i32
        %dma_wait3A_95 = tpu.memref_slice %arg2[%dma_wait3A_93, %dma_wait3A_94] : memref<10240x128xf32, #tpu.memory_space<hbm>> -> memref<80x128xf32, #tpu.memory_space<hbm>>
        %dma_wait3A_96 = arith.constant 0 : i32
        %dma_wait3A_97 = arith.constant 0 : i32
        %dma_wait3A_98 = tpu.memref_slice %arg2[%dma_wait3A_96, %dma_wait3A_97] : memref<10240x128xf32, #tpu.memory_space<hbm>> -> memref<80x128xf32, #tpu.memory_space<hbm>>
        tpu.wait_dma2 semaphore(%arg15 : memref<!tpu.dma_semaphore, #tpu.memory_space<semaphore_mem>>) src(%dma_wait3A_98 : memref<80x128xf32, #tpu.memory_space<hbm>>) dst(%arg13 : memref<80x128xf32, #tpu.memory_space<vmem>>)
        %mul3A_99 = arith.constant 80 : i32
        %mul3A_100 = arith.muli %add3A_92, %mul3A_99 : i32
        %add3A_101 = arith.addi %mul3A_2, %mul3A_100 : i32
        %dma_wait3A_102 = tpu.memref_slice %arg5[%add3A_101] : memref<320000xi32, #tpu.memory_space<hbm>> -> memref<80xi32, #tpu.memory_space<hbm>>
        %dma_wait3A_103 = tpu.memref_slice %arg5[%add3A_101] : memref<320000xi32, #tpu.memory_space<hbm>> -> memref<80xi32, #tpu.memory_space<hbm>>
        tpu.wait_dma2 semaphore(%arg17 : memref<!tpu.dma_semaphore, #tpu.memory_space<semaphore_mem>>) src(%dma_wait3A_103 : memref<80xi32, #tpu.memory_space<hbm>>) dst(%arg11 : memref<80xi32, #tpu.memory_space<vmem>>)
        "tpu.region"() ({
          %run_scoped3A = tpu.sem_alloc : memref<!tpu.dma_semaphore, #tpu.memory_space<semaphore_mem>>
          %dma_start3A_117 = arith.constant 0 : i32
          %dma_start3A_118 = arith.constant 0 : i32
          %dma_start3A_119 = tpu.memref_slice %arg8[%dma_start3A_117, %dma_start3A_118] : memref<10240x128xf32, #tpu.memory_space<vmem_shared>> -> memref<10240x128xf32, #tpu.memory_space<vmem_shared>>
          tpu.enqueue_indirect_dma source(%arg13 : memref<80x128xf32, #tpu.memory_space<vmem>>) target(%dma_start3A_119 : memref<10240x128xf32, #tpu.memory_space<vmem_shared>>) offsets(%arg11 : memref<80xi32, #tpu.memory_space<vmem>>) semaphore(%run_scoped3A : memref<!tpu.dma_semaphore, #tpu.memory_space<semaphore_mem>>) {add = true}
          %dma_wait3A_120 = arith.constant 0 : i32
          %dma_wait3A_121 = arith.constant 0 : i32
          %dma_wait3A_122 = tpu.memref_slice %arg8[%dma_wait3A_120, %dma_wait3A_121] : memref<10240x128xf32, #tpu.memory_space<vmem_shared>> -> memref<10240x128xf32, #tpu.memory_space<vmem_shared>>
          tpu.wait_indirect_dma semaphore(%run_scoped3A : memref<!tpu.dma_semaphore, #tpu.memory_space<semaphore_mem>>) src(%arg13 : memref<80x128xf32, #tpu.memory_space<vmem>>) dst(%dma_wait3A_122 : memref<10240x128xf32, #tpu.memory_space<vmem_shared>>)
          tpu.yield
        }) : () -> ()
        %add3A_104 = arith.constant 2 : i32
        %add3A_105 = arith.addi %add3A_92, %add3A_104 : i32
        %mul3A_106 = arith.constant 80 : i32
        %mul3A_107 = arith.muli %add3A_105, %mul3A_106 : i32
        %add3A_108 = arith.addi %mul3A_2, %mul3A_107 : i32
        %dma_start3A_109 = tpu.memref_slice %arg5[%add3A_108] : memref<320000xi32, #tpu.memory_space<hbm>> -> memref<80xi32, #tpu.memory_space<hbm>>
        %dma_start3A_110 = tpu.memref_slice %arg5[%add3A_108] : memref<320000xi32, #tpu.memory_space<hbm>> -> memref<80xi32, #tpu.memory_space<hbm>>
        tpu.enqueue_dma source(%dma_start3A_110 : memref<80xi32, #tpu.memory_space<hbm>>) target(%arg11 : memref<80xi32, #tpu.memory_space<vmem>>) target_semaphore(%arg17 : memref<!tpu.dma_semaphore, #tpu.memory_space<semaphore_mem>>)
        %mul3A_111 = arith.constant 80 : i32
        %mul3A_112 = arith.muli %add3A_105, %mul3A_111 : i32
        %dma_start3A_113 = tpu.memref_slice %arg9[%mul3A_112] : memref<20000xi32, #tpu.memory_space<vmem>> -> memref<80xi32, #tpu.memory_space<vmem>>
        %dma_start3A_114 = arith.constant 0 : i32
        %dma_start3A_115 = arith.constant 0 : i32
        %dma_start3A_116 = tpu.memref_slice %arg2[%dma_start3A_114, %dma_start3A_115] : memref<10240x128xf32, #tpu.memory_space<hbm>> -> memref<10240x128xf32, #tpu.memory_space<hbm>>
        tpu.enqueue_indirect_dma source(%dma_start3A_116 : memref<10240x128xf32, #tpu.memory_space<hbm>>) target(%arg13 : memref<80x128xf32, #tpu.memory_space<vmem>>) offsets(%dma_start3A_113 : memref<80xi32, #tpu.memory_space<vmem>>) semaphore(%arg15 : memref<!tpu.dma_semaphore, #tpu.memory_space<semaphore_mem>>)
      }
      %scan3A_34 = arith.constant 124 : i32
      %dma_wait3A = arith.constant 0 : i32
      %dma_wait3A_35 = arith.constant 0 : i32
      %dma_wait3A_36 = tpu.memref_slice %arg2[%dma_wait3A, %dma_wait3A_35] : memref<10240x128xf32, #tpu.memory_space<hbm>> -> memref<80x128xf32, #tpu.memory_space<hbm>>
      %dma_wait3A_37 = arith.constant 0 : i32
      %dma_wait3A_38 = arith.constant 0 : i32
      %dma_wait3A_39 = tpu.memref_slice %arg2[%dma_wait3A_37, %dma_wait3A_38] : memref<10240x128xf32, #tpu.memory_space<hbm>> -> memref<80x128xf32, #tpu.memory_space<hbm>>
      tpu.wait_dma2 semaphore(%arg14 : memref<!tpu.dma_semaphore, #tpu.memory_space<semaphore_mem>>) src(%dma_wait3A_39 : memref<80x128xf32, #tpu.memory_space<hbm>>) dst(%arg12 : memref<80x128xf32, #tpu.memory_space<vmem>>)
      %add3A_40 = arith.constant 19840 : i32
      %add3A_41 = arith.addi %mul3A_2, %add3A_40 : i32
      %dma_wait3A_42 = tpu.memref_slice %arg5[%add3A_41] : memref<320000xi32, #tpu.memory_space<hbm>> -> memref<80xi32, #tpu.memory_space<hbm>>
      %dma_wait3A_43 = tpu.memref_slice %arg5[%add3A_41] : memref<320000xi32, #tpu.memory_space<hbm>> -> memref<80xi32, #tpu.memory_space<hbm>>
      tpu.wait_dma2 semaphore(%arg16 : memref<!tpu.dma_semaphore, #tpu.memory_space<semaphore_mem>>) src(%dma_wait3A_43 : memref<80xi32, #tpu.memory_space<hbm>>) dst(%arg10 : memref<80xi32, #tpu.memory_space<vmem>>)
      "tpu.region"() ({
        %run_scoped3A = tpu.sem_alloc : memref<!tpu.dma_semaphore, #tpu.memory_space<semaphore_mem>>
        %dma_start3A_60 = arith.constant 0 : i32
        %dma_start3A_61 = arith.constant 0 : i32
        %dma_start3A_62 = tpu.memref_slice %arg8[%dma_start3A_60, %dma_start3A_61] : memref<10240x128xf32, #tpu.memory_space<vmem_shared>> -> memref<10240x128xf32, #tpu.memory_space<vmem_shared>>
        tpu.enqueue_indirect_dma source(%arg12 : memref<80x128xf32, #tpu.memory_space<vmem>>) target(%dma_start3A_62 : memref<10240x128xf32, #tpu.memory_space<vmem_shared>>) offsets(%arg10 : memref<80xi32, #tpu.memory_space<vmem>>) semaphore(%run_scoped3A : memref<!tpu.dma_semaphore, #tpu.memory_space<semaphore_mem>>) {add = true}
        %dma_wait3A_63 = arith.constant 0 : i32
        %dma_wait3A_64 = arith.constant 0 : i32
        %dma_wait3A_65 = tpu.memref_slice %arg8[%dma_wait3A_63, %dma_wait3A_64] : memref<10240x128xf32, #tpu.memory_space<vmem_shared>> -> memref<10240x128xf32, #tpu.memory_space<vmem_shared>>
        tpu.wait_indirect_dma semaphore(%run_scoped3A : memref<!tpu.dma_semaphore, #tpu.memory_space<semaphore_mem>>) src(%arg12 : memref<80x128xf32, #tpu.memory_space<vmem>>) dst(%dma_wait3A_65 : memref<10240x128xf32, #tpu.memory_space<vmem_shared>>)
        tpu.yield
      }) : () -> ()
      %dma_wait3A_44 = arith.constant 0 : i32
      %dma_wait3A_45 = arith.constant 0 : i32
      %dma_wait3A_46 = tpu.memref_slice %arg2[%dma_wait3A_44, %dma_wait3A_45] : memref<10240x128xf32, #tpu.memory_space<hbm>> -> memref<80x128xf32, #tpu.memory_space<hbm>>
      %dma_wait3A_47 = arith.constant 0 : i32
      %dma_wait3A_48 = arith.constant 0 : i32
      %dma_wait3A_49 = tpu.memref_slice %arg2[%dma_wait3A_47, %dma_wait3A_48] : memref<10240x128xf32, #tpu.memory_space<hbm>> -> memref<80x128xf32, #tpu.memory_space<hbm>>
      tpu.wait_dma2 semaphore(%arg15 : memref<!tpu.dma_semaphore, #tpu.memory_space<semaphore_mem>>) src(%dma_wait3A_49 : memref<80x128xf32, #tpu.memory_space<hbm>>) dst(%arg13 : memref<80x128xf32, #tpu.memory_space<vmem>>)
      %add3A_50 = arith.constant 19920 : i32
      %add3A_51 = arith.addi %mul3A_2, %add3A_50 : i32
      %dma_wait3A_52 = tpu.memref_slice %arg5[%add3A_51] : memref<320000xi32, #tpu.memory_space<hbm>> -> memref<80xi32, #tpu.memory_space<hbm>>
      %dma_wait3A_53 = tpu.memref_slice %arg5[%add3A_51] : memref<320000xi32, #tpu.memory_space<hbm>> -> memref<80xi32, #tpu.memory_space<hbm>>
      tpu.wait_dma2 semaphore(%arg17 : memref<!tpu.dma_semaphore, #tpu.memory_space<semaphore_mem>>) src(%dma_wait3A_53 : memref<80xi32, #tpu.memory_space<hbm>>) dst(%arg11 : memref<80xi32, #tpu.memory_space<vmem>>)
      "tpu.region"() ({
        %run_scoped3A = tpu.sem_alloc : memref<!tpu.dma_semaphore, #tpu.memory_space<semaphore_mem>>
        %dma_start3A_60 = arith.constant 0 : i32
        %dma_start3A_61 = arith.constant 0 : i32
        %dma_start3A_62 = tpu.memref_slice %arg8[%dma_start3A_60, %dma_start3A_61] : memref<10240x128xf32, #tpu.memory_space<vmem_shared>> -> memref<10240x128xf32, #tpu.memory_space<vmem_shared>>
        tpu.enqueue_indirect_dma source(%arg13 : memref<80x128xf32, #tpu.memory_space<vmem>>) target(%dma_start3A_62 : memref<10240x128xf32, #tpu.memory_space<vmem_shared>>) offsets(%arg11 : memref<80xi32, #tpu.memory_space<vmem>>) semaphore(%run_scoped3A : memref<!tpu.dma_semaphore, #tpu.memory_space<semaphore_mem>>) {add = true}
        %dma_wait3A_63 = arith.constant 0 : i32
        %dma_wait3A_64 = arith.constant 0 : i32
        %dma_wait3A_65 = tpu.memref_slice %arg8[%dma_wait3A_63, %dma_wait3A_64] : memref<10240x128xf32, #tpu.memory_space<vmem_shared>> -> memref<10240x128xf32, #tpu.memory_space<vmem_shared>>
        tpu.wait_indirect_dma semaphore(%run_scoped3A : memref<!tpu.dma_semaphore, #tpu.memory_space<semaphore_mem>>) src(%arg13 : memref<80x128xf32, #tpu.memory_space<vmem>>) dst(%dma_wait3A_65 : memref<10240x128xf32, #tpu.memory_space<vmem_shared>>)
        tpu.yield
      }) : () -> ()
      %barrier3A_54 = arith.constant 0 : index
      tpu.barrier barrier_id(%barrier3A_54)
      %scan3A_55 = arith.constant 0 : i32
      %scan3A_56 = arith.constant 8 : i32
      %scan3A_57 = arith.addi %scan3A_55, %scan3A_56 : i32
      %scan3A_58 = arith.constant 1 : i32
      scf.for %scan3A_60 = %scan3A_55 to %scan3A_57 step %scan3A_58  : i32 {
        %mul3A_61 = arith.constant 80 : i32
        %mul3A_62 = arith.muli %scan3A_60, %mul3A_61 : i32
        %add3A_63 = arith.addi %mul3A_0, %mul3A_62 : i32
        "tpu.region"() ({
          %run_scoped3A = tpu.sem_alloc : memref<!tpu.dma_semaphore, #tpu.memory_space<semaphore_mem>>
          %dma_start3A_64 = arith.constant 0 : i32
          %dma_start3A_65 = tpu.memref_slice %arg8[%add3A_63, %dma_start3A_64] : memref<10240x128xf32, #tpu.memory_space<vmem_shared>> -> memref<80x128xf32, #tpu.memory_space<vmem_shared>>
          %dma_start3A_66 = arith.constant 0 : i32
          %dma_start3A_67 = tpu.memref_slice %arg8[%add3A_63, %dma_start3A_66] : memref<10240x128xf32, #tpu.memory_space<vmem_shared>> -> memref<80x128xf32, #tpu.memory_space<vmem_shared>>
          tpu.enqueue_dma source(%dma_start3A_67 : memref<80x128xf32, #tpu.memory_space<vmem_shared>>) target(%arg12 : memref<80x128xf32, #tpu.memory_space<vmem>>) target_semaphore(%run_scoped3A : memref<!tpu.dma_semaphore, #tpu.memory_space<semaphore_mem>>)
          %dma_wait3A_68 = arith.constant 0 : i32
          %dma_wait3A_69 = tpu.memref_slice %arg8[%add3A_63, %dma_wait3A_68] : memref<10240x128xf32, #tpu.memory_space<vmem_shared>> -> memref<80x128xf32, #tpu.memory_space<vmem_shared>>
          %dma_wait3A_70 = arith.constant 0 : i32
          %dma_wait3A_71 = tpu.memref_slice %arg8[%add3A_63, %dma_wait3A_70] : memref<10240x128xf32, #tpu.memory_space<vmem_shared>> -> memref<80x128xf32, #tpu.memory_space<vmem_shared>>
          tpu.wait_dma2 semaphore(%run_scoped3A : memref<!tpu.dma_semaphore, #tpu.memory_space<semaphore_mem>>) src(%dma_wait3A_71 : memref<80x128xf32, #tpu.memory_space<vmem_shared>>) dst(%arg12 : memref<80x128xf32, #tpu.memory_space<vmem>>)
          tpu.yield
        }) : () -> ()
        "tpu.region"() ({
          %run_scoped3A = tpu.sem_alloc : memref<!tpu.dma_semaphore, #tpu.memory_space<semaphore_mem>>
          %dma_start3A_64 = arith.constant 0 : i32
          %dma_start3A_65 = tpu.memref_slice %arg6[%add3A_63, %dma_start3A_64] : memref<10240x128xf32, #tpu.memory_space<hbm>> -> memref<80x128xf32, #tpu.memory_space<hbm>>
          %dma_start3A_66 = arith.constant 0 : i32
          %dma_start3A_67 = tpu.memref_slice %arg6[%add3A_63, %dma_start3A_66] : memref<10240x128xf32, #tpu.memory_space<hbm>> -> memref<80x128xf32, #tpu.memory_space<hbm>>
          tpu.enqueue_dma source(%arg12 : memref<80x128xf32, #tpu.memory_space<vmem>>) target(%dma_start3A_67 : memref<80x128xf32, #tpu.memory_space<hbm>>) target_semaphore(%run_scoped3A : memref<!tpu.dma_semaphore, #tpu.memory_space<semaphore_mem>>)
          %dma_wait3A_68 = arith.constant 0 : i32
          %dma_wait3A_69 = tpu.memref_slice %arg6[%add3A_63, %dma_wait3A_68] : memref<10240x128xf32, #tpu.memory_space<hbm>> -> memref<80x128xf32, #tpu.memory_space<hbm>>
          %dma_wait3A_70 = arith.constant 0 : i32
          %dma_wait3A_71 = tpu.memref_slice %arg6[%add3A_63, %dma_wait3A_70] : memref<10240x128xf32, #tpu.memory_space<hbm>> -> memref<80x128xf32, #tpu.memory_space<hbm>>
          tpu.wait_dma2 semaphore(%run_scoped3A : memref<!tpu.dma_semaphore, #tpu.memory_space<semaphore_mem>>) src(%arg12 : memref<80x128xf32, #tpu.memory_space<vmem>>) dst(%dma_wait3A_71 : memref<80x128xf32, #tpu.memory_space<hbm>>)
          tpu.yield
        }) : () -> ()
      }
      %scan3A_59 = arith.constant 8 : i32
    } else {
    }
    %eq3A_5 = arith.constant 1 : i32
    %eq3A_6 = arith.cmpi eq, %arg0, %eq3A_5 : i32
    %convert_element_type3A_7 = arith.extui %eq3A_6 : i1 to i32
    %cond3A_8 = arith.constant 0 : i32
    %cond3A_9 = arith.cmpi ne, %convert_element_type3A_7, %cond3A_8 : i32
    scf.if %cond3A_9 {
      %scan3A = arith.constant 0 : i32
      %scan3A_10 = arith.constant 8 : i32
      %scan3A_11 = arith.addi %scan3A, %scan3A_10 : i32
      %scan3A_12 = arith.constant 1 : i32
      scf.for %scan3A_60 = %scan3A to %scan3A_11 step %scan3A_12  : i32 {
        %mul3A_61 = arith.constant 80 : i32
        %mul3A_62 = arith.muli %scan3A_60, %mul3A_61 : i32
        %add3A_63 = arith.addi %mul3A_0, %mul3A_62 : i32
        "tpu.region"() ({
          %run_scoped3A = tpu.sem_alloc : memref<!tpu.dma_semaphore, #tpu.memory_space<semaphore_mem>>
          %dma_start3A_64 = arith.constant 0 : i32
          %dma_start3A_65 = tpu.memref_slice %arg3[%add3A_63, %dma_start3A_64] : memref<10240x128xf32, #tpu.memory_space<hbm>> -> memref<80x128xf32, #tpu.memory_space<hbm>>
          %dma_start3A_66 = arith.constant 0 : i32
          %dma_start3A_67 = tpu.memref_slice %arg3[%add3A_63, %dma_start3A_66] : memref<10240x128xf32, #tpu.memory_space<hbm>> -> memref<80x128xf32, #tpu.memory_space<hbm>>
          tpu.enqueue_dma source(%dma_start3A_67 : memref<80x128xf32, #tpu.memory_space<hbm>>) target(%arg12 : memref<80x128xf32, #tpu.memory_space<vmem>>) target_semaphore(%run_scoped3A : memref<!tpu.dma_semaphore, #tpu.memory_space<semaphore_mem>>)
          %dma_wait3A_68 = arith.constant 0 : i32
          %dma_wait3A_69 = tpu.memref_slice %arg3[%add3A_63, %dma_wait3A_68] : memref<10240x128xf32, #tpu.memory_space<hbm>> -> memref<80x128xf32, #tpu.memory_space<hbm>>
          %dma_wait3A_70 = arith.constant 0 : i32
          %dma_wait3A_71 = tpu.memref_slice %arg3[%add3A_63, %dma_wait3A_70] : memref<10240x128xf32, #tpu.memory_space<hbm>> -> memref<80x128xf32, #tpu.memory_space<hbm>>
          tpu.wait_dma2 semaphore(%run_scoped3A : memref<!tpu.dma_semaphore, #tpu.memory_space<semaphore_mem>>) src(%dma_wait3A_71 : memref<80x128xf32, #tpu.memory_space<hbm>>) dst(%arg12 : memref<80x128xf32, #tpu.memory_space<vmem>>)
          tpu.yield
        }) : () -> ()
        "tpu.region"() ({
          %run_scoped3A = tpu.sem_alloc : memref<!tpu.dma_semaphore, #tpu.memory_space<semaphore_mem>>
          %dma_start3A_64 = arith.constant 0 : i32
          %dma_start3A_65 = tpu.memref_slice %arg8[%add3A_63, %dma_start3A_64] : memref<10240x128xf32, #tpu.memory_space<vmem_shared>> -> memref<80x128xf32, #tpu.memory_space<vmem_shared>>
          %dma_start3A_66 = arith.constant 0 : i32
          %dma_start3A_67 = tpu.memref_slice %arg8[%add3A_63, %dma_start3A_66] : memref<10240x128xf32, #tpu.memory_space<vmem_shared>> -> memref<80x128xf32, #tpu.memory_space<vmem_shared>>
          tpu.enqueue_dma source(%arg12 : memref<80x128xf32, #tpu.memory_space<vmem>>) target(%dma_start3A_67 : memref<80x128xf32, #tpu.memory_space<vmem_shared>>) target_semaphore(%run_scoped3A : memref<!tpu.dma_semaphore, #tpu.memory_space<semaphore_mem>>)
          %dma_wait3A_68 = arith.constant 0 : i32
          %dma_wait3A_69 = tpu.memref_slice %arg8[%add3A_63, %dma_wait3A_68] : memref<10240x128xf32, #tpu.memory_space<vmem_shared>> -> memref<80x128xf32, #tpu.memory_space<vmem_shared>>
          %dma_wait3A_70 = arith.constant 0 : i32
          %dma_wait3A_71 = tpu.memref_slice %arg8[%add3A_63, %dma_wait3A_70] : memref<10240x128xf32, #tpu.memory_space<vmem_shared>> -> memref<80x128xf32, #tpu.memory_space<vmem_shared>>
          tpu.wait_dma2 semaphore(%run_scoped3A : memref<!tpu.dma_semaphore, #tpu.memory_space<semaphore_mem>>) src(%arg12 : memref<80x128xf32, #tpu.memory_space<vmem>>) dst(%dma_wait3A_71 : memref<80x128xf32, #tpu.memory_space<vmem_shared>>)
          tpu.yield
        }) : () -> ()
      }
      %scan3A_13 = arith.constant 8 : i32
      %barrier3A = arith.constant 0 : index
      tpu.barrier barrier_id(%barrier3A)
      "tpu.region"() ({
        %run_scoped3A = tpu.sem_alloc : memref<!tpu.dma_semaphore, #tpu.memory_space<semaphore_mem>>
        %dma_start3A_60 = tpu.memref_slice %arg4[%mul3A_2] : memref<320000xi32, #tpu.memory_space<hbm>> -> memref<20000xi32, #tpu.memory_space<hbm>>
        %dma_start3A_61 = tpu.memref_slice %arg4[%mul3A_2] : memref<320000xi32, #tpu.memory_space<hbm>> -> memref<20000xi32, #tpu.memory_space<hbm>>
        tpu.enqueue_dma source(%dma_start3A_61 : memref<20000xi32, #tpu.memory_space<hbm>>) target(%arg9 : memref<20000xi32, #tpu.memory_space<vmem>>) target_semaphore(%run_scoped3A : memref<!tpu.dma_semaphore, #tpu.memory_space<semaphore_mem>>)
        %dma_wait3A_62 = tpu.memref_slice %arg4[%mul3A_2] : memref<320000xi32, #tpu.memory_space<hbm>> -> memref<20000xi32, #tpu.memory_space<hbm>>
        %dma_wait3A_63 = tpu.memref_slice %arg4[%mul3A_2] : memref<320000xi32, #tpu.memory_space<hbm>> -> memref<20000xi32, #tpu.memory_space<hbm>>
        tpu.wait_dma2 semaphore(%run_scoped3A : memref<!tpu.dma_semaphore, #tpu.memory_space<semaphore_mem>>) src(%dma_wait3A_63 : memref<20000xi32, #tpu.memory_space<hbm>>) dst(%arg9 : memref<20000xi32, #tpu.memory_space<vmem>>)
        tpu.yield
      }) : () -> ()
      %add3A = arith.constant 0 : i32
      %add3A_14 = arith.addi %mul3A_2, %add3A : i32
      %dma_start3A = tpu.memref_slice %arg5[%add3A_14] : memref<320000xi32, #tpu.memory_space<hbm>> -> memref<80xi32, #tpu.memory_space<hbm>>
      %dma_start3A_15 = tpu.memref_slice %arg5[%add3A_14] : memref<320000xi32, #tpu.memory_space<hbm>> -> memref<80xi32, #tpu.memory_space<hbm>>
      tpu.enqueue_dma source(%dma_start3A_15 : memref<80xi32, #tpu.memory_space<hbm>>) target(%arg10 : memref<80xi32, #tpu.memory_space<vmem>>) target_semaphore(%arg16 : memref<!tpu.dma_semaphore, #tpu.memory_space<semaphore_mem>>)
      %dma_start3A_16 = arith.constant 0 : i32
      %dma_start3A_17 = tpu.memref_slice %arg9[%dma_start3A_16] : memref<20000xi32, #tpu.memory_space<vmem>> -> memref<80xi32, #tpu.memory_space<vmem>>
      %dma_start3A_18 = arith.constant 0 : i32
      %dma_start3A_19 = arith.constant 0 : i32
      %dma_start3A_20 = tpu.memref_slice %arg3[%dma_start3A_18, %dma_start3A_19] : memref<10240x128xf32, #tpu.memory_space<hbm>> -> memref<10240x128xf32, #tpu.memory_space<hbm>>
      tpu.enqueue_indirect_dma source(%dma_start3A_20 : memref<10240x128xf32, #tpu.memory_space<hbm>>) target(%arg12 : memref<80x128xf32, #tpu.memory_space<vmem>>) offsets(%dma_start3A_17 : memref<80xi32, #tpu.memory_space<vmem>>) semaphore(%arg14 : memref<!tpu.dma_semaphore, #tpu.memory_space<semaphore_mem>>)
      %add3A_21 = arith.constant 80 : i32
      %add3A_22 = arith.addi %mul3A_2, %add3A_21 : i32
      %dma_start3A_23 = tpu.memref_slice %arg5[%add3A_22] : memref<320000xi32, #tpu.memory_space<hbm>> -> memref<80xi32, #tpu.memory_space<hbm>>
      %dma_start3A_24 = tpu.memref_slice %arg5[%add3A_22] : memref<320000xi32, #tpu.memory_space<hbm>> -> memref<80xi32, #tpu.memory_space<hbm>>
      tpu.enqueue_dma source(%dma_start3A_24 : memref<80xi32, #tpu.memory_space<hbm>>) target(%arg11 : memref<80xi32, #tpu.memory_space<vmem>>) target_semaphore(%arg17 : memref<!tpu.dma_semaphore, #tpu.memory_space<semaphore_mem>>)
      %dma_start3A_25 = arith.constant 80 : i32
      %dma_start3A_26 = tpu.memref_slice %arg9[%dma_start3A_25] : memref<20000xi32, #tpu.memory_space<vmem>> -> memref<80xi32, #tpu.memory_space<vmem>>
      %dma_start3A_27 = arith.constant 0 : i32
      %dma_start3A_28 = arith.constant 0 : i32
      %dma_start3A_29 = tpu.memref_slice %arg3[%dma_start3A_27, %dma_start3A_28] : memref<10240x128xf32, #tpu.memory_space<hbm>> -> memref<10240x128xf32, #tpu.memory_space<hbm>>
      tpu.enqueue_indirect_dma source(%dma_start3A_29 : memref<10240x128xf32, #tpu.memory_space<hbm>>) target(%arg13 : memref<80x128xf32, #tpu.memory_space<vmem>>) offsets(%dma_start3A_26 : memref<80xi32, #tpu.memory_space<vmem>>) semaphore(%arg15 : memref<!tpu.dma_semaphore, #tpu.memory_space<semaphore_mem>>)
      %scan3A_30 = arith.constant 0 : i32
      %scan3A_31 = arith.constant 124 : i32
      %scan3A_32 = arith.addi %scan3A_30, %scan3A_31 : i32
      %scan3A_33 = arith.constant 1 : i32
      scf.for %scan3A_60 = %scan3A_30 to %scan3A_32 step %scan3A_33  : i32 {
        %mul3A_61 = arith.constant 2 : i32
        %mul3A_62 = arith.muli %scan3A_60, %mul3A_61 : i32
        %add3A_63 = arith.constant 0 : i32
        %add3A_64 = arith.addi %mul3A_62, %add3A_63 : i32
        %dma_wait3A_65 = arith.constant 0 : i32
        %dma_wait3A_66 = arith.constant 0 : i32
        %dma_wait3A_67 = tpu.memref_slice %arg3[%dma_wait3A_65, %dma_wait3A_66] : memref<10240x128xf32, #tpu.memory_space<hbm>> -> memref<80x128xf32, #tpu.memory_space<hbm>>
        %dma_wait3A_68 = arith.constant 0 : i32
        %dma_wait3A_69 = arith.constant 0 : i32
        %dma_wait3A_70 = tpu.memref_slice %arg3[%dma_wait3A_68, %dma_wait3A_69] : memref<10240x128xf32, #tpu.memory_space<hbm>> -> memref<80x128xf32, #tpu.memory_space<hbm>>
        tpu.wait_dma2 semaphore(%arg14 : memref<!tpu.dma_semaphore, #tpu.memory_space<semaphore_mem>>) src(%dma_wait3A_70 : memref<80x128xf32, #tpu.memory_space<hbm>>) dst(%arg12 : memref<80x128xf32, #tpu.memory_space<vmem>>)
        %mul3A_71 = arith.constant 80 : i32
        %mul3A_72 = arith.muli %add3A_64, %mul3A_71 : i32
        %add3A_73 = arith.addi %mul3A_2, %mul3A_72 : i32
        %dma_wait3A_74 = tpu.memref_slice %arg5[%add3A_73] : memref<320000xi32, #tpu.memory_space<hbm>> -> memref<80xi32, #tpu.memory_space<hbm>>
        %dma_wait3A_75 = tpu.memref_slice %arg5[%add3A_73] : memref<320000xi32, #tpu.memory_space<hbm>> -> memref<80xi32, #tpu.memory_space<hbm>>
        tpu.wait_dma2 semaphore(%arg16 : memref<!tpu.dma_semaphore, #tpu.memory_space<semaphore_mem>>) src(%dma_wait3A_75 : memref<80xi32, #tpu.memory_space<hbm>>) dst(%arg10 : memref<80xi32, #tpu.memory_space<vmem>>)
        "tpu.region"() ({
          %run_scoped3A = tpu.sem_alloc : memref<!tpu.dma_semaphore, #tpu.memory_space<semaphore_mem>>
          %dma_start3A_117 = arith.constant 0 : i32
          %dma_start3A_118 = arith.constant 0 : i32
          %dma_start3A_119 = tpu.memref_slice %arg8[%dma_start3A_117, %dma_start3A_118] : memref<10240x128xf32, #tpu.memory_space<vmem_shared>> -> memref<10240x128xf32, #tpu.memory_space<vmem_shared>>
          tpu.enqueue_indirect_dma source(%arg12 : memref<80x128xf32, #tpu.memory_space<vmem>>) target(%dma_start3A_119 : memref<10240x128xf32, #tpu.memory_space<vmem_shared>>) offsets(%arg10 : memref<80xi32, #tpu.memory_space<vmem>>) semaphore(%run_scoped3A : memref<!tpu.dma_semaphore, #tpu.memory_space<semaphore_mem>>) {add = true}
          %dma_wait3A_120 = arith.constant 0 : i32
          %dma_wait3A_121 = arith.constant 0 : i32
          %dma_wait3A_122 = tpu.memref_slice %arg8[%dma_wait3A_120, %dma_wait3A_121] : memref<10240x128xf32, #tpu.memory_space<vmem_shared>> -> memref<10240x128xf32, #tpu.memory_space<vmem_shared>>
          tpu.wait_indirect_dma semaphore(%run_scoped3A : memref<!tpu.dma_semaphore, #tpu.memory_space<semaphore_mem>>) src(%arg12 : memref<80x128xf32, #tpu.memory_space<vmem>>) dst(%dma_wait3A_122 : memref<10240x128xf32, #tpu.memory_space<vmem_shared>>)
          tpu.yield
        }) : () -> ()
        %add3A_76 = arith.constant 2 : i32
        %add3A_77 = arith.addi %add3A_64, %add3A_76 : i32
        %mul3A_78 = arith.constant 80 : i32
        %mul3A_79 = arith.muli %add3A_77, %mul3A_78 : i32
        %add3A_80 = arith.addi %mul3A_2, %mul3A_79 : i32
        %dma_start3A_81 = tpu.memref_slice %arg5[%add3A_80] : memref<320000xi32, #tpu.memory_space<hbm>> -> memref<80xi32, #tpu.memory_space<hbm>>
        %dma_start3A_82 = tpu.memref_slice %arg5[%add3A_80] : memref<320000xi32, #tpu.memory_space<hbm>> -> memref<80xi32, #tpu.memory_space<hbm>>
        tpu.enqueue_dma source(%dma_start3A_82 : memref<80xi32, #tpu.memory_space<hbm>>) target(%arg10 : memref<80xi32, #tpu.memory_space<vmem>>) target_semaphore(%arg16 : memref<!tpu.dma_semaphore, #tpu.memory_space<semaphore_mem>>)
        %mul3A_83 = arith.constant 80 : i32
        %mul3A_84 = arith.muli %add3A_77, %mul3A_83 : i32
        %dma_start3A_85 = tpu.memref_slice %arg9[%mul3A_84] : memref<20000xi32, #tpu.memory_space<vmem>> -> memref<80xi32, #tpu.memory_space<vmem>>
        %dma_start3A_86 = arith.constant 0 : i32
        %dma_start3A_87 = arith.constant 0 : i32
        %dma_start3A_88 = tpu.memref_slice %arg3[%dma_start3A_86, %dma_start3A_87] : memref<10240x128xf32, #tpu.memory_space<hbm>> -> memref<10240x128xf32, #tpu.memory_space<hbm>>
        tpu.enqueue_indirect_dma source(%dma_start3A_88 : memref<10240x128xf32, #tpu.memory_space<hbm>>) target(%arg12 : memref<80x128xf32, #tpu.memory_space<vmem>>) offsets(%dma_start3A_85 : memref<80xi32, #tpu.memory_space<vmem>>) semaphore(%arg14 : memref<!tpu.dma_semaphore, #tpu.memory_space<semaphore_mem>>)
        %mul3A_89 = arith.constant 2 : i32
        %mul3A_90 = arith.muli %scan3A_60, %mul3A_89 : i32
        %add3A_91 = arith.constant 1 : i32
        %add3A_92 = arith.addi %mul3A_90, %add3A_91 : i32
        %dma_wait3A_93 = arith.constant 0 : i32
        %dma_wait3A_94 = arith.constant 0 : i32
        %dma_wait3A_95 = tpu.memref_slice %arg3[%dma_wait3A_93, %dma_wait3A_94] : memref<10240x128xf32, #tpu.memory_space<hbm>> -> memref<80x128xf32, #tpu.memory_space<hbm>>
        %dma_wait3A_96 = arith.constant 0 : i32
        %dma_wait3A_97 = arith.constant 0 : i32
        %dma_wait3A_98 = tpu.memref_slice %arg3[%dma_wait3A_96, %dma_wait3A_97] : memref<10240x128xf32, #tpu.memory_space<hbm>> -> memref<80x128xf32, #tpu.memory_space<hbm>>
        tpu.wait_dma2 semaphore(%arg15 : memref<!tpu.dma_semaphore, #tpu.memory_space<semaphore_mem>>) src(%dma_wait3A_98 : memref<80x128xf32, #tpu.memory_space<hbm>>) dst(%arg13 : memref<80x128xf32, #tpu.memory_space<vmem>>)
        %mul3A_99 = arith.constant 80 : i32
        %mul3A_100 = arith.muli %add3A_92, %mul3A_99 : i32
        %add3A_101 = arith.addi %mul3A_2, %mul3A_100 : i32
        %dma_wait3A_102 = tpu.memref_slice %arg5[%add3A_101] : memref<320000xi32, #tpu.memory_space<hbm>> -> memref<80xi32, #tpu.memory_space<hbm>>
        %dma_wait3A_103 = tpu.memref_slice %arg5[%add3A_101] : memref<320000xi32, #tpu.memory_space<hbm>> -> memref<80xi32, #tpu.memory_space<hbm>>
        tpu.wait_dma2 semaphore(%arg17 : memref<!tpu.dma_semaphore, #tpu.memory_space<semaphore_mem>>) src(%dma_wait3A_103 : memref<80xi32, #tpu.memory_space<hbm>>) dst(%arg11 : memref<80xi32, #tpu.memory_space<vmem>>)
        "tpu.region"() ({
          %run_scoped3A = tpu.sem_alloc : memref<!tpu.dma_semaphore, #tpu.memory_space<semaphore_mem>>
          %dma_start3A_117 = arith.constant 0 : i32
          %dma_start3A_118 = arith.constant 0 : i32
          %dma_start3A_119 = tpu.memref_slice %arg8[%dma_start3A_117, %dma_start3A_118] : memref<10240x128xf32, #tpu.memory_space<vmem_shared>> -> memref<10240x128xf32, #tpu.memory_space<vmem_shared>>
          tpu.enqueue_indirect_dma source(%arg13 : memref<80x128xf32, #tpu.memory_space<vmem>>) target(%dma_start3A_119 : memref<10240x128xf32, #tpu.memory_space<vmem_shared>>) offsets(%arg11 : memref<80xi32, #tpu.memory_space<vmem>>) semaphore(%run_scoped3A : memref<!tpu.dma_semaphore, #tpu.memory_space<semaphore_mem>>) {add = true}
          %dma_wait3A_120 = arith.constant 0 : i32
          %dma_wait3A_121 = arith.constant 0 : i32
          %dma_wait3A_122 = tpu.memref_slice %arg8[%dma_wait3A_120, %dma_wait3A_121] : memref<10240x128xf32, #tpu.memory_space<vmem_shared>> -> memref<10240x128xf32, #tpu.memory_space<vmem_shared>>
          tpu.wait_indirect_dma semaphore(%run_scoped3A : memref<!tpu.dma_semaphore, #tpu.memory_space<semaphore_mem>>) src(%arg13 : memref<80x128xf32, #tpu.memory_space<vmem>>) dst(%dma_wait3A_122 : memref<10240x128xf32, #tpu.memory_space<vmem_shared>>)
          tpu.yield
        }) : () -> ()
        %add3A_104 = arith.constant 2 : i32
        %add3A_105 = arith.addi %add3A_92, %add3A_104 : i32
        %mul3A_106 = arith.constant 80 : i32
        %mul3A_107 = arith.muli %add3A_105, %mul3A_106 : i32
        %add3A_108 = arith.addi %mul3A_2, %mul3A_107 : i32
        %dma_start3A_109 = tpu.memref_slice %arg5[%add3A_108] : memref<320000xi32, #tpu.memory_space<hbm>> -> memref<80xi32, #tpu.memory_space<hbm>>
        %dma_start3A_110 = tpu.memref_slice %arg5[%add3A_108] : memref<320000xi32, #tpu.memory_space<hbm>> -> memref<80xi32, #tpu.memory_space<hbm>>
        tpu.enqueue_dma source(%dma_start3A_110 : memref<80xi32, #tpu.memory_space<hbm>>) target(%arg11 : memref<80xi32, #tpu.memory_space<vmem>>) target_semaphore(%arg17 : memref<!tpu.dma_semaphore, #tpu.memory_space<semaphore_mem>>)
        %mul3A_111 = arith.constant 80 : i32
        %mul3A_112 = arith.muli %add3A_105, %mul3A_111 : i32
        %dma_start3A_113 = tpu.memref_slice %arg9[%mul3A_112] : memref<20000xi32, #tpu.memory_space<vmem>> -> memref<80xi32, #tpu.memory_space<vmem>>
        %dma_start3A_114 = arith.constant 0 : i32
        %dma_start3A_115 = arith.constant 0 : i32
        %dma_start3A_116 = tpu.memref_slice %arg3[%dma_start3A_114, %dma_start3A_115] : memref<10240x128xf32, #tpu.memory_space<hbm>> -> memref<10240x128xf32, #tpu.memory_space<hbm>>
        tpu.enqueue_indirect_dma source(%dma_start3A_116 : memref<10240x128xf32, #tpu.memory_space<hbm>>) target(%arg13 : memref<80x128xf32, #tpu.memory_space<vmem>>) offsets(%dma_start3A_113 : memref<80xi32, #tpu.memory_space<vmem>>) semaphore(%arg15 : memref<!tpu.dma_semaphore, #tpu.memory_space<semaphore_mem>>)
      }
      %scan3A_34 = arith.constant 124 : i32
      %dma_wait3A = arith.constant 0 : i32
      %dma_wait3A_35 = arith.constant 0 : i32
      %dma_wait3A_36 = tpu.memref_slice %arg3[%dma_wait3A, %dma_wait3A_35] : memref<10240x128xf32, #tpu.memory_space<hbm>> -> memref<80x128xf32, #tpu.memory_space<hbm>>
      %dma_wait3A_37 = arith.constant 0 : i32
      %dma_wait3A_38 = arith.constant 0 : i32
      %dma_wait3A_39 = tpu.memref_slice %arg3[%dma_wait3A_37, %dma_wait3A_38] : memref<10240x128xf32, #tpu.memory_space<hbm>> -> memref<80x128xf32, #tpu.memory_space<hbm>>
      tpu.wait_dma2 semaphore(%arg14 : memref<!tpu.dma_semaphore, #tpu.memory_space<semaphore_mem>>) src(%dma_wait3A_39 : memref<80x128xf32, #tpu.memory_space<hbm>>) dst(%arg12 : memref<80x128xf32, #tpu.memory_space<vmem>>)
      %add3A_40 = arith.constant 19840 : i32
      %add3A_41 = arith.addi %mul3A_2, %add3A_40 : i32
      %dma_wait3A_42 = tpu.memref_slice %arg5[%add3A_41] : memref<320000xi32, #tpu.memory_space<hbm>> -> memref<80xi32, #tpu.memory_space<hbm>>
      %dma_wait3A_43 = tpu.memref_slice %arg5[%add3A_41] : memref<320000xi32, #tpu.memory_space<hbm>> -> memref<80xi32, #tpu.memory_space<hbm>>
      tpu.wait_dma2 semaphore(%arg16 : memref<!tpu.dma_semaphore, #tpu.memory_space<semaphore_mem>>) src(%dma_wait3A_43 : memref<80xi32, #tpu.memory_space<hbm>>) dst(%arg10 : memref<80xi32, #tpu.memory_space<vmem>>)
      "tpu.region"() ({
        %run_scoped3A = tpu.sem_alloc : memref<!tpu.dma_semaphore, #tpu.memory_space<semaphore_mem>>
        %dma_start3A_60 = arith.constant 0 : i32
        %dma_start3A_61 = arith.constant 0 : i32
        %dma_start3A_62 = tpu.memref_slice %arg8[%dma_start3A_60, %dma_start3A_61] : memref<10240x128xf32, #tpu.memory_space<vmem_shared>> -> memref<10240x128xf32, #tpu.memory_space<vmem_shared>>
        tpu.enqueue_indirect_dma source(%arg12 : memref<80x128xf32, #tpu.memory_space<vmem>>) target(%dma_start3A_62 : memref<10240x128xf32, #tpu.memory_space<vmem_shared>>) offsets(%arg10 : memref<80xi32, #tpu.memory_space<vmem>>) semaphore(%run_scoped3A : memref<!tpu.dma_semaphore, #tpu.memory_space<semaphore_mem>>) {add = true}
        %dma_wait3A_63 = arith.constant 0 : i32
        %dma_wait3A_64 = arith.constant 0 : i32
        %dma_wait3A_65 = tpu.memref_slice %arg8[%dma_wait3A_63, %dma_wait3A_64] : memref<10240x128xf32, #tpu.memory_space<vmem_shared>> -> memref<10240x128xf32, #tpu.memory_space<vmem_shared>>
        tpu.wait_indirect_dma semaphore(%run_scoped3A : memref<!tpu.dma_semaphore, #tpu.memory_space<semaphore_mem>>) src(%arg12 : memref<80x128xf32, #tpu.memory_space<vmem>>) dst(%dma_wait3A_65 : memref<10240x128xf32, #tpu.memory_space<vmem_shared>>)
        tpu.yield
      }) : () -> ()
      %dma_wait3A_44 = arith.constant 0 : i32
      %dma_wait3A_45 = arith.constant 0 : i32
      %dma_wait3A_46 = tpu.memref_slice %arg3[%dma_wait3A_44, %dma_wait3A_45] : memref<10240x128xf32, #tpu.memory_space<hbm>> -> memref<80x128xf32, #tpu.memory_space<hbm>>
      %dma_wait3A_47 = arith.constant 0 : i32
      %dma_wait3A_48 = arith.constant 0 : i32
      %dma_wait3A_49 = tpu.memref_slice %arg3[%dma_wait3A_47, %dma_wait3A_48] : memref<10240x128xf32, #tpu.memory_space<hbm>> -> memref<80x128xf32, #tpu.memory_space<hbm>>
      tpu.wait_dma2 semaphore(%arg15 : memref<!tpu.dma_semaphore, #tpu.memory_space<semaphore_mem>>) src(%dma_wait3A_49 : memref<80x128xf32, #tpu.memory_space<hbm>>) dst(%arg13 : memref<80x128xf32, #tpu.memory_space<vmem>>)
      %add3A_50 = arith.constant 19920 : i32
      %add3A_51 = arith.addi %mul3A_2, %add3A_50 : i32
      %dma_wait3A_52 = tpu.memref_slice %arg5[%add3A_51] : memref<320000xi32, #tpu.memory_space<hbm>> -> memref<80xi32, #tpu.memory_space<hbm>>
      %dma_wait3A_53 = tpu.memref_slice %arg5[%add3A_51] : memref<320000xi32, #tpu.memory_space<hbm>> -> memref<80xi32, #tpu.memory_space<hbm>>
      tpu.wait_dma2 semaphore(%arg17 : memref<!tpu.dma_semaphore, #tpu.memory_space<semaphore_mem>>) src(%dma_wait3A_53 : memref<80xi32, #tpu.memory_space<hbm>>) dst(%arg11 : memref<80xi32, #tpu.memory_space<vmem>>)
      "tpu.region"() ({
        %run_scoped3A = tpu.sem_alloc : memref<!tpu.dma_semaphore, #tpu.memory_space<semaphore_mem>>
        %dma_start3A_60 = arith.constant 0 : i32
        %dma_start3A_61 = arith.constant 0 : i32
        %dma_start3A_62 = tpu.memref_slice %arg8[%dma_start3A_60, %dma_start3A_61] : memref<10240x128xf32, #tpu.memory_space<vmem_shared>> -> memref<10240x128xf32, #tpu.memory_space<vmem_shared>>
        tpu.enqueue_indirect_dma source(%arg13 : memref<80x128xf32, #tpu.memory_space<vmem>>) target(%dma_start3A_62 : memref<10240x128xf32, #tpu.memory_space<vmem_shared>>) offsets(%arg11 : memref<80xi32, #tpu.memory_space<vmem>>) semaphore(%run_scoped3A : memref<!tpu.dma_semaphore, #tpu.memory_space<semaphore_mem>>) {add = true}
        %dma_wait3A_63 = arith.constant 0 : i32
        %dma_wait3A_64 = arith.constant 0 : i32
        %dma_wait3A_65 = tpu.memref_slice %arg8[%dma_wait3A_63, %dma_wait3A_64] : memref<10240x128xf32, #tpu.memory_space<vmem_shared>> -> memref<10240x128xf32, #tpu.memory_space<vmem_shared>>
        tpu.wait_indirect_dma semaphore(%run_scoped3A : memref<!tpu.dma_semaphore, #tpu.memory_space<semaphore_mem>>) src(%arg13 : memref<80x128xf32, #tpu.memory_space<vmem>>) dst(%dma_wait3A_65 : memref<10240x128xf32, #tpu.memory_space<vmem_shared>>)
        tpu.yield
      }) : () -> ()
      %barrier3A_54 = arith.constant 0 : index
      tpu.barrier barrier_id(%barrier3A_54)
      %scan3A_55 = arith.constant 0 : i32
      %scan3A_56 = arith.constant 8 : i32
      %scan3A_57 = arith.addi %scan3A_55, %scan3A_56 : i32
      %scan3A_58 = arith.constant 1 : i32
      scf.for %scan3A_60 = %scan3A_55 to %scan3A_57 step %scan3A_58  : i32 {
        %mul3A_61 = arith.constant 80 : i32
        %mul3A_62 = arith.muli %scan3A_60, %mul3A_61 : i32
        %add3A_63 = arith.addi %mul3A_0, %mul3A_62 : i32
        "tpu.region"() ({
          %run_scoped3A = tpu.sem_alloc : memref<!tpu.dma_semaphore, #tpu.memory_space<semaphore_mem>>
          %dma_start3A_64 = arith.constant 0 : i32
          %dma_start3A_65 = tpu.memref_slice %arg8[%add3A_63, %dma_start3A_64] : memref<10240x128xf32, #tpu.memory_space<vmem_shared>> -> memref<80x128xf32, #tpu.memory_space<vmem_shared>>
          %dma_start3A_66 = arith.constant 0 : i32
          %dma_start3A_67 = tpu.memref_slice %arg8[%add3A_63, %dma_start3A_66] : memref<10240x128xf32, #tpu.memory_space<vmem_shared>> -> memref<80x128xf32, #tpu.memory_space<vmem_shared>>
          tpu.enqueue_dma source(%dma_start3A_67 : memref<80x128xf32, #tpu.memory_space<vmem_shared>>) target(%arg12 : memref<80x128xf32, #tpu.memory_space<vmem>>) target_semaphore(%run_scoped3A : memref<!tpu.dma_semaphore, #tpu.memory_space<semaphore_mem>>)
          %dma_wait3A_68 = arith.constant 0 : i32
          %dma_wait3A_69 = tpu.memref_slice %arg8[%add3A_63, %dma_wait3A_68] : memref<10240x128xf32, #tpu.memory_space<vmem_shared>> -> memref<80x128xf32, #tpu.memory_space<vmem_shared>>
          %dma_wait3A_70 = arith.constant 0 : i32
          %dma_wait3A_71 = tpu.memref_slice %arg8[%add3A_63, %dma_wait3A_70] : memref<10240x128xf32, #tpu.memory_space<vmem_shared>> -> memref<80x128xf32, #tpu.memory_space<vmem_shared>>
          tpu.wait_dma2 semaphore(%run_scoped3A : memref<!tpu.dma_semaphore, #tpu.memory_space<semaphore_mem>>) src(%dma_wait3A_71 : memref<80x128xf32, #tpu.memory_space<vmem_shared>>) dst(%arg12 : memref<80x128xf32, #tpu.memory_space<vmem>>)
          tpu.yield
        }) : () -> ()
        "tpu.region"() ({
          %run_scoped3A = tpu.sem_alloc : memref<!tpu.dma_semaphore, #tpu.memory_space<semaphore_mem>>
          %dma_start3A_64 = arith.constant 0 : i32
          %dma_start3A_65 = tpu.memref_slice %arg7[%add3A_63, %dma_start3A_64] : memref<10240x128xf32, #tpu.memory_space<hbm>> -> memref<80x128xf32, #tpu.memory_space<hbm>>
          %dma_start3A_66 = arith.constant 0 : i32
          %dma_start3A_67 = tpu.memref_slice %arg7[%add3A_63, %dma_start3A_66] : memref<10240x128xf32, #tpu.memory_space<hbm>> -> memref<80x128xf32, #tpu.memory_space<hbm>>
          tpu.enqueue_dma source(%arg12 : memref<80x128xf32, #tpu.memory_space<vmem>>) target(%dma_start3A_67 : memref<80x128xf32, #tpu.memory_space<hbm>>) target_semaphore(%run_scoped3A : memref<!tpu.dma_semaphore, #tpu.memory_space<semaphore_mem>>)
          %dma_wait3A_68 = arith.constant 0 : i32
          %dma_wait3A_69 = tpu.memref_slice %arg7[%add3A_63, %dma_wait3A_68] : memref<10240x128xf32, #tpu.memory_space<hbm>> -> memref<80x128xf32, #tpu.memory_space<hbm>>
          %dma_wait3A_70 = arith.constant 0 : i32
          %dma_wait3A_71 = tpu.memref_slice %arg7[%add3A_63, %dma_wait3A_70] : memref<10240x128xf32, #tpu.memory_space<hbm>> -> memref<80x128xf32, #tpu.memory_space<hbm>>
          tpu.wait_dma2 semaphore(%run_scoped3A : memref<!tpu.dma_semaphore, #tpu.memory_space<semaphore_mem>>) src(%arg12 : memref<80x128xf32, #tpu.memory_space<vmem>>) dst(%dma_wait3A_71 : memref<80x128xf32, #tpu.memory_space<hbm>>)
          tpu.yield
        }) : () -> ()
      }
      %scan3A_59 = arith.constant 8 : i32
    } else {
    }
    return
  }
}

#map = affine_map<(d0, d1) -> (0)>
#map1 = affine_map<(d0, d1) -> (0, 0)>
module attributes {stable_mosaic.version = 14 : i64} {
  func.func @_deg_kernel(%arg0: i32, %arg1: i32, %arg2: memref<320000xi32, #tpu.memory_space<hbm>>, %arg3: memref<32x10240xf32, #tpu.memory_space<hbm>>, %arg4: memref<10240xf32, #tpu.memory_space<vmem>>, %arg5: memref<2000xi32, #tpu.memory_space<vmem>>) attributes {dimension_semantics = [#tpu.dimension_semantics<core_parallel>, #tpu.dimension_semantics<subcore_parallel>], iteration_bounds = array<i64: 2, 16>, scalar_prefetch = 0 : i64, scratch_operands = 2 : i64, tpu.core_type = #tpu.core_type<sc_vector_subcore>, window_params = [{transform_indices = #map}, {transform_indices = #map1}]} {
    %mul3A = arith.constant 2 : i32
    %mul3A_0 = arith.muli %arg1, %mul3A : i32
    %add3A = arith.addi %mul3A_0, %arg0 : i32
    %scan3A = arith.constant 0 : i32
    %scan3A_1 = arith.constant 640 : i32
    %scan3A_2 = arith.addi %scan3A, %scan3A_1 : i32
    %scan3A_3 = arith.constant 1 : i32
    scf.for %scan3A_13 = %scan3A to %scan3A_2 step %scan3A_3  : i32 {
      %broadcast_in_dim3A_14 = arith.constant 0.000000e+00 : f32
      %broadcast_in_dim3A_15 = vector.broadcast %broadcast_in_dim3A_14 : f32 to vector<16xf32>
      %mul3A_16 = arith.constant 16 : i32
      %mul3A_17 = arith.muli %scan3A_13, %mul3A_16 : i32
      %swap3A = arith.index_cast %mul3A_17 : i32 to index
      %swap3A_18 = tpu.vector_load %arg4[%swap3A] {strides = array<i32>} : memref<10240xf32, #tpu.memory_space<vmem>>, vector<16xf32>,
      tpu.vector_store %arg4[%swap3A], %broadcast_in_dim3A_15 {strides = array<i32>} : memref<10240xf32, #tpu.memory_space<vmem>>, vector<16xf32>,
    }
    %scan3A_4 = arith.constant 640 : i32
    %broadcast_in_dim3A = arith.constant 1.000000e+00 : f32
    %broadcast_in_dim3A_5 = vector.broadcast %broadcast_in_dim3A : f32 to vector<16xf32>
    %mul3A_6 = arith.constant 10000 : i32
    %mul3A_7 = arith.muli %add3A, %mul3A_6 : i32
    %scan3A_8 = arith.constant 0 : i32
    %scan3A_9 = arith.constant 5 : i32
    %scan3A_10 = arith.addi %scan3A_8, %scan3A_9 : i32
    %scan3A_11 = arith.constant 1 : i32
    scf.for %scan3A_13 = %scan3A_8 to %scan3A_10 step %scan3A_11  : i32 {
      %mul3A_14 = arith.constant 2000 : i32
      %mul3A_15 = arith.muli %scan3A_13, %mul3A_14 : i32
      %add3A_16 = arith.addi %mul3A_7, %mul3A_15 : i32
      "tpu.region"() ({
        %run_scoped3A = tpu.sem_alloc : memref<!tpu.dma_semaphore, #tpu.memory_space<semaphore_mem>>
        %dma_start3A = tpu.memref_slice %arg2[%add3A_16] : memref<320000xi32, #tpu.memory_space<hbm>> -> memref<2000xi32, #tpu.memory_space<hbm>>
        %dma_start3A_22 = tpu.memref_slice %arg2[%add3A_16] : memref<320000xi32, #tpu.memory_space<hbm>> -> memref<2000xi32, #tpu.memory_space<hbm>>
        tpu.enqueue_dma source(%dma_start3A_22 : memref<2000xi32, #tpu.memory_space<hbm>>) target(%arg5 : memref<2000xi32, #tpu.memory_space<vmem>>) target_semaphore(%run_scoped3A : memref<!tpu.dma_semaphore, #tpu.memory_space<semaphore_mem>>)
        %dma_wait3A = tpu.memref_slice %arg2[%add3A_16] : memref<320000xi32, #tpu.memory_space<hbm>> -> memref<2000xi32, #tpu.memory_space<hbm>>
        %dma_wait3A_23 = tpu.memref_slice %arg2[%add3A_16] : memref<320000xi32, #tpu.memory_space<hbm>> -> memref<2000xi32, #tpu.memory_space<hbm>>
        tpu.wait_dma2 semaphore(%run_scoped3A : memref<!tpu.dma_semaphore, #tpu.memory_space<semaphore_mem>>) src(%dma_wait3A_23 : memref<2000xi32, #tpu.memory_space<hbm>>) dst(%arg5 : memref<2000xi32, #tpu.memory_space<vmem>>)
        tpu.yield
      }) : () -> ()
      %scan3A_17 = arith.constant 0 : i32
      %scan3A_18 = arith.constant 125 : i32
      %scan3A_19 = arith.addi %scan3A_17, %scan3A_18 : i32
      %scan3A_20 = arith.constant 1 : i32
      scf.for %scan3A_22 = %scan3A_17 to %scan3A_19 step %scan3A_20  : i32 {
        %mul3A_23 = arith.constant 16 : i32
        %mul3A_24 = arith.muli %scan3A_22, %mul3A_23 : i32
        %get3A = arith.index_cast %mul3A_24 : i32 to index
        %get3A_25 = tpu.vector_load %arg5[%get3A] {strides = array<i32>} : memref<2000xi32, #tpu.memory_space<vmem>>, vector<16xi32>,
        tpu.vector_store_idx %arg4[%get3A_25], %broadcast_in_dim3A_5 {add = true} : memref<10240xf32, #tpu.memory_space<vmem>>[vector<16xi32>], vector<16xf32>,
      }
      %scan3A_21 = arith.constant 125 : i32
    }
    %scan3A_12 = arith.constant 5 : i32
    "tpu.region"() ({
      %run_scoped3A = tpu.sem_alloc : memref<!tpu.dma_semaphore, #tpu.memory_space<semaphore_mem>>
      %dma_start3A = arith.constant 0 : i32
      %dma_start3A_13 = tpu.memref_slice %arg3[%add3A, %dma_start3A] : memref<32x10240xf32, #tpu.memory_space<hbm>> -> memref<1x10240xf32, #tpu.memory_space<hbm>>
      %dma_start3A_14 = tpu.memref_squeeze %dma_start3A_13 : memref<1x10240xf32, #tpu.memory_space<hbm>> -> memref<10240xf32, #tpu.memory_space<hbm>>
      %dma_start3A_15 = arith.constant 0 : i32
      %dma_start3A_16 = tpu.memref_slice %arg3[%add3A, %dma_start3A_15] : memref<32x10240xf32, #tpu.memory_space<hbm>> -> memref<1x10240xf32, #tpu.memory_space<hbm>>
      %dma_start3A_17 = tpu.memref_squeeze %dma_start3A_16 : memref<1x10240xf32, #tpu.memory_space<hbm>> -> memref<10240xf32, #tpu.memory_space<hbm>>
      tpu.enqueue_dma source(%arg4 : memref<10240xf32, #tpu.memory_space<vmem>>) target(%dma_start3A_17 : memref<10240xf32, #tpu.memory_space<hbm>>) target_semaphore(%run_scoped3A : memref<!tpu.dma_semaphore, #tpu.memory_space<semaphore_mem>>)
      %dma_wait3A = arith.constant 0 : i32
      %dma_wait3A_18 = tpu.memref_slice %arg3[%add3A, %dma_wait3A] : memref<32x10240xf32, #tpu.memory_space<hbm>> -> memref<1x10240xf32, #tpu.memory_space<hbm>>
      %dma_wait3A_19 = tpu.memref_squeeze %dma_wait3A_18 : memref<1x10240xf32, #tpu.memory_space<hbm>> -> memref<10240xf32, #tpu.memory_space<hbm>>
      %dma_wait3A_20 = arith.constant 0 : i32
      %dma_wait3A_21 = tpu.memref_slice %arg3[%add3A, %dma_wait3A_20] : memref<32x10240xf32, #tpu.memory_space<hbm>> -> memref<1x10240xf32, #tpu.memory_space<hbm>>
      %dma_wait3A_22 = tpu.memref_squeeze %dma_wait3A_21 : memref<1x10240xf32, #tpu.memory_space<hbm>> -> memref<10240xf32, #tpu.memory_space<hbm>>
      tpu.wait_dma2 semaphore(%run_scoped3A : memref<!tpu.dma_semaphore, #tpu.memory_space<semaphore_mem>>) src(%arg4 : memref<10240xf32, #tpu.memory_space<vmem>>) dst(%dma_wait3A_22 : memref<10240xf32, #tpu.memory_space<hbm>>)
      tpu.yield
    }) : () -> ()
    return
  }
}

#map = affine_map<(d0, d1) -> (0, 0)>
#map1 = affine_map<(d0, d1) -> (0)>
module attributes {stable_mosaic.version = 14 : i64} {
  func.func @_scatter_kernel(%arg0: i32, %arg1: i32, %arg2: memref<10240x128xf32, #tpu.memory_space<hbm>>, %arg3: memref<10240x128xf32, #tpu.memory_space<hbm>>, %arg4: memref<320000xi32, #tpu.memory_space<hbm>>, %arg5: memref<320000xi32, #tpu.memory_space<hbm>>, %arg6: memref<10240x128xf32, #tpu.memory_space<hbm>>, %arg7: memref<10240x128xf32, #tpu.memory_space<hbm>>, %arg8: memref<10240x128xf32, #tpu.memory_space<vmem_shared>>, %arg9: memref<20000xi32, #tpu.memory_space<vmem>>, %arg10: memref<80xi32, #tpu.memory_space<vmem>>, %arg11: memref<80xi32, #tpu.memory_space<vmem>>, %arg12: memref<80x128xf32, #tpu.memory_space<vmem>>, %arg13: memref<80x128xf32, #tpu.memory_space<vmem>>, %arg14: memref<!tpu.dma_semaphore, #tpu.memory_space<semaphore_mem>>, %arg15: memref<!tpu.dma_semaphore, #tpu.memory_space<semaphore_mem>>, %arg16: memref<!tpu.dma_semaphore, #tpu.memory_space<semaphore_mem>>, %arg17: memref<!tpu.dma_semaphore, #tpu.memory_space<semaphore_mem>>) attributes {dimension_semantics = [#tpu.dimension_semantics<core_parallel>, #tpu.dimension_semantics<subcore_parallel>], iteration_bounds = array<i64: 2, 16>, scalar_prefetch = 0 : i64, scratch_operands = 10 : i64, tpu.core_type = #tpu.core_type<sc_vector_subcore>, window_params = [{transform_indices = #map}, {transform_indices = #map}, {transform_indices = #map1}, {transform_indices = #map1}, {transform_indices = #map}, {transform_indices = #map}]} {
    %mul3A = arith.constant 640 : i32
    %mul3A_0 = arith.muli %arg1, %mul3A : i32
    %mul3A_1 = arith.constant 20000 : i32
    %mul3A_2 = arith.muli %arg1, %mul3A_1 : i32
    %eq3A = arith.constant 0 : i32
    %eq3A_3 = arith.cmpi eq, %arg0, %eq3A : i32
    %convert_element_type3A = arith.extui %eq3A_3 : i1 to i32
    %cond3A = arith.constant 0 : i32
    %cond3A_4 = arith.cmpi ne, %convert_element_type3A, %cond3A : i32
    scf.if %cond3A_4 {
      %scan3A = arith.constant 0 : i32
      %scan3A_10 = arith.constant 8 : i32
      %scan3A_11 = arith.addi %scan3A, %scan3A_10 : i32
      %scan3A_12 = arith.constant 1 : i32
      scf.for %scan3A_60 = %scan3A to %scan3A_11 step %scan3A_12  : i32 {
        %mul3A_61 = arith.constant 80 : i32
        %mul3A_62 = arith.muli %scan3A_60, %mul3A_61 : i32
        %add3A_63 = arith.addi %mul3A_0, %mul3A_62 : i32
        "tpu.region"() ({
          %run_scoped3A = tpu.sem_alloc : memref<!tpu.dma_semaphore, #tpu.memory_space<semaphore_mem>>
          %dma_start3A_64 = arith.constant 0 : i32
          %dma_start3A_65 = tpu.memref_slice %arg2[%add3A_63, %dma_start3A_64] : memref<10240x128xf32, #tpu.memory_space<hbm>> -> memref<80x128xf32, #tpu.memory_space<hbm>>
          %dma_start3A_66 = arith.constant 0 : i32
          %dma_start3A_67 = tpu.memref_slice %arg2[%add3A_63, %dma_start3A_66] : memref<10240x128xf32, #tpu.memory_space<hbm>> -> memref<80x128xf32, #tpu.memory_space<hbm>>
          tpu.enqueue_dma source(%dma_start3A_67 : memref<80x128xf32, #tpu.memory_space<hbm>>) target(%arg12 : memref<80x128xf32, #tpu.memory_space<vmem>>) target_semaphore(%run_scoped3A : memref<!tpu.dma_semaphore, #tpu.memory_space<semaphore_mem>>)
          %dma_wait3A_68 = arith.constant 0 : i32
          %dma_wait3A_69 = tpu.memref_slice %arg2[%add3A_63, %dma_wait3A_68] : memref<10240x128xf32, #tpu.memory_space<hbm>> -> memref<80x128xf32, #tpu.memory_space<hbm>>
          %dma_wait3A_70 = arith.constant 0 : i32
          %dma_wait3A_71 = tpu.memref_slice %arg2[%add3A_63, %dma_wait3A_70] : memref<10240x128xf32, #tpu.memory_space<hbm>> -> memref<80x128xf32, #tpu.memory_space<hbm>>
          tpu.wait_dma2 semaphore(%run_scoped3A : memref<!tpu.dma_semaphore, #tpu.memory_space<semaphore_mem>>) src(%dma_wait3A_71 : memref<80x128xf32, #tpu.memory_space<hbm>>) dst(%arg12 : memref<80x128xf32, #tpu.memory_space<vmem>>)
          tpu.yield
        }) : () -> ()
        "tpu.region"() ({
          %run_scoped3A = tpu.sem_alloc : memref<!tpu.dma_semaphore, #tpu.memory_space<semaphore_mem>>
          %dma_start3A_64 = arith.constant 0 : i32
          %dma_start3A_65 = tpu.memref_slice %arg8[%add3A_63, %dma_start3A_64] : memref<10240x128xf32, #tpu.memory_space<vmem_shared>> -> memref<80x128xf32, #tpu.memory_space<vmem_shared>>
          %dma_start3A_66 = arith.constant 0 : i32
          %dma_start3A_67 = tpu.memref_slice %arg8[%add3A_63, %dma_start3A_66] : memref<10240x128xf32, #tpu.memory_space<vmem_shared>> -> memref<80x128xf32, #tpu.memory_space<vmem_shared>>
          tpu.enqueue_dma source(%arg12 : memref<80x128xf32, #tpu.memory_space<vmem>>) target(%dma_start3A_67 : memref<80x128xf32, #tpu.memory_space<vmem_shared>>) target_semaphore(%run_scoped3A : memref<!tpu.dma_semaphore, #tpu.memory_space<semaphore_mem>>)
          %dma_wait3A_68 = arith.constant 0 : i32
          %dma_wait3A_69 = tpu.memref_slice %arg8[%add3A_63, %dma_wait3A_68] : memref<10240x128xf32, #tpu.memory_space<vmem_shared>> -> memref<80x128xf32, #tpu.memory_space<vmem_shared>>
          %dma_wait3A_70 = arith.constant 0 : i32
          %dma_wait3A_71 = tpu.memref_slice %arg8[%add3A_63, %dma_wait3A_70] : memref<10240x128xf32, #tpu.memory_space<vmem_shared>> -> memref<80x128xf32, #tpu.memory_space<vmem_shared>>
          tpu.wait_dma2 semaphore(%run_scoped3A : memref<!tpu.dma_semaphore, #tpu.memory_space<semaphore_mem>>) src(%arg12 : memref<80x128xf32, #tpu.memory_space<vmem>>) dst(%dma_wait3A_71 : memref<80x128xf32, #tpu.memory_space<vmem_shared>>)
          tpu.yield
        }) : () -> ()
      }
      %scan3A_13 = arith.constant 8 : i32
      %barrier3A = arith.constant 0 : index
      tpu.barrier barrier_id(%barrier3A)
      "tpu.region"() ({
        %run_scoped3A = tpu.sem_alloc : memref<!tpu.dma_semaphore, #tpu.memory_space<semaphore_mem>>
        %dma_start3A_60 = tpu.memref_slice %arg4[%mul3A_2] : memref<320000xi32, #tpu.memory_space<hbm>> -> memref<20000xi32, #tpu.memory_space<hbm>>
        %dma_start3A_61 = tpu.memref_slice %arg4[%mul3A_2] : memref<320000xi32, #tpu.memory_space<hbm>> -> memref<20000xi32, #tpu.memory_space<hbm>>
        tpu.enqueue_dma source(%dma_start3A_61 : memref<20000xi32, #tpu.memory_space<hbm>>) target(%arg9 : memref<20000xi32, #tpu.memory_space<vmem>>) target_semaphore(%run_scoped3A : memref<!tpu.dma_semaphore, #tpu.memory_space<semaphore_mem>>)
        %dma_wait3A_62 = tpu.memref_slice %arg4[%mul3A_2] : memref<320000xi32, #tpu.memory_space<hbm>> -> memref<20000xi32, #tpu.memory_space<hbm>>
        %dma_wait3A_63 = tpu.memref_slice %arg4[%mul3A_2] : memref<320000xi32, #tpu.memory_space<hbm>> -> memref<20000xi32, #tpu.memory_space<hbm>>
        tpu.wait_dma2 semaphore(%run_scoped3A : memref<!tpu.dma_semaphore, #tpu.memory_space<semaphore_mem>>) src(%dma_wait3A_63 : memref<20000xi32, #tpu.memory_space<hbm>>) dst(%arg9 : memref<20000xi32, #tpu.memory_space<vmem>>)
        tpu.yield
      }) : () -> ()
      %add3A = arith.constant 0 : i32
      %add3A_14 = arith.addi %mul3A_2, %add3A : i32
      %dma_start3A = tpu.memref_slice %arg5[%add3A_14] : memref<320000xi32, #tpu.memory_space<hbm>> -> memref<80xi32, #tpu.memory_space<hbm>>
      %dma_start3A_15 = tpu.memref_slice %arg5[%add3A_14] : memref<320000xi32, #tpu.memory_space<hbm>> -> memref<80xi32, #tpu.memory_space<hbm>>
      tpu.enqueue_dma source(%dma_start3A_15 : memref<80xi32, #tpu.memory_space<hbm>>) target(%arg10 : memref<80xi32, #tpu.memory_space<vmem>>) target_semaphore(%arg16 : memref<!tpu.dma_semaphore, #tpu.memory_space<semaphore_mem>>)
      %dma_start3A_16 = arith.constant 0 : i32
      %dma_start3A_17 = tpu.memref_slice %arg9[%dma_start3A_16] : memref<20000xi32, #tpu.memory_space<vmem>> -> memref<80xi32, #tpu.memory_space<vmem>>
      %dma_start3A_18 = arith.constant 0 : i32
      %dma_start3A_19 = arith.constant 0 : i32
      %dma_start3A_20 = tpu.memref_slice %arg2[%dma_start3A_18, %dma_start3A_19] : memref<10240x128xf32, #tpu.memory_space<hbm>> -> memref<10240x128xf32, #tpu.memory_space<hbm>>
      tpu.enqueue_indirect_dma source(%dma_start3A_20 : memref<10240x128xf32, #tpu.memory_space<hbm>>) target(%arg12 : memref<80x128xf32, #tpu.memory_space<vmem>>) offsets(%dma_start3A_17 : memref<80xi32, #tpu.memory_space<vmem>>) semaphore(%arg14 : memref<!tpu.dma_semaphore, #tpu.memory_space<semaphore_mem>>)
      %add3A_21 = arith.constant 80 : i32
      %add3A_22 = arith.addi %mul3A_2, %add3A_21 : i32
      %dma_start3A_23 = tpu.memref_slice %arg5[%add3A_22] : memref<320000xi32, #tpu.memory_space<hbm>> -> memref<80xi32, #tpu.memory_space<hbm>>
      %dma_start3A_24 = tpu.memref_slice %arg5[%add3A_22] : memref<320000xi32, #tpu.memory_space<hbm>> -> memref<80xi32, #tpu.memory_space<hbm>>
      tpu.enqueue_dma source(%dma_start3A_24 : memref<80xi32, #tpu.memory_space<hbm>>) target(%arg11 : memref<80xi32, #tpu.memory_space<vmem>>) target_semaphore(%arg17 : memref<!tpu.dma_semaphore, #tpu.memory_space<semaphore_mem>>)
      %dma_start3A_25 = arith.constant 80 : i32
      %dma_start3A_26 = tpu.memref_slice %arg9[%dma_start3A_25] : memref<20000xi32, #tpu.memory_space<vmem>> -> memref<80xi32, #tpu.memory_space<vmem>>
      %dma_start3A_27 = arith.constant 0 : i32
      %dma_start3A_28 = arith.constant 0 : i32
      %dma_start3A_29 = tpu.memref_slice %arg2[%dma_start3A_27, %dma_start3A_28] : memref<10240x128xf32, #tpu.memory_space<hbm>> -> memref<10240x128xf32, #tpu.memory_space<hbm>>
      tpu.enqueue_indirect_dma source(%dma_start3A_29 : memref<10240x128xf32, #tpu.memory_space<hbm>>) target(%arg13 : memref<80x128xf32, #tpu.memory_space<vmem>>) offsets(%dma_start3A_26 : memref<80xi32, #tpu.memory_space<vmem>>) semaphore(%arg15 : memref<!tpu.dma_semaphore, #tpu.memory_space<semaphore_mem>>)
      %scan3A_30 = arith.constant 0 : i32
      %scan3A_31 = arith.constant 124 : i32
      %scan3A_32 = arith.addi %scan3A_30, %scan3A_31 : i32
      %scan3A_33 = arith.constant 1 : i32
      scf.for %scan3A_60 = %scan3A_30 to %scan3A_32 step %scan3A_33  : i32 {
        %mul3A_61 = arith.constant 2 : i32
        %mul3A_62 = arith.muli %scan3A_60, %mul3A_61 : i32
        %add3A_63 = arith.constant 0 : i32
        %add3A_64 = arith.addi %mul3A_62, %add3A_63 : i32
        %dma_wait3A_65 = arith.constant 0 : i32
        %dma_wait3A_66 = arith.constant 0 : i32
        %dma_wait3A_67 = tpu.memref_slice %arg2[%dma_wait3A_65, %dma_wait3A_66] : memref<10240x128xf32, #tpu.memory_space<hbm>> -> memref<80x128xf32, #tpu.memory_space<hbm>>
        %dma_wait3A_68 = arith.constant 0 : i32
        %dma_wait3A_69 = arith.constant 0 : i32
        %dma_wait3A_70 = tpu.memref_slice %arg2[%dma_wait3A_68, %dma_wait3A_69] : memref<10240x128xf32, #tpu.memory_space<hbm>> -> memref<80x128xf32, #tpu.memory_space<hbm>>
        tpu.wait_dma2 semaphore(%arg14 : memref<!tpu.dma_semaphore, #tpu.memory_space<semaphore_mem>>) src(%dma_wait3A_70 : memref<80x128xf32, #tpu.memory_space<hbm>>) dst(%arg12 : memref<80x128xf32, #tpu.memory_space<vmem>>)
        %mul3A_71 = arith.constant 80 : i32
        %mul3A_72 = arith.muli %add3A_64, %mul3A_71 : i32
        %add3A_73 = arith.addi %mul3A_2, %mul3A_72 : i32
        %dma_wait3A_74 = tpu.memref_slice %arg5[%add3A_73] : memref<320000xi32, #tpu.memory_space<hbm>> -> memref<80xi32, #tpu.memory_space<hbm>>
        %dma_wait3A_75 = tpu.memref_slice %arg5[%add3A_73] : memref<320000xi32, #tpu.memory_space<hbm>> -> memref<80xi32, #tpu.memory_space<hbm>>
        tpu.wait_dma2 semaphore(%arg16 : memref<!tpu.dma_semaphore, #tpu.memory_space<semaphore_mem>>) src(%dma_wait3A_75 : memref<80xi32, #tpu.memory_space<hbm>>) dst(%arg10 : memref<80xi32, #tpu.memory_space<vmem>>)
        "tpu.region"() ({
          %run_scoped3A = tpu.sem_alloc : memref<!tpu.dma_semaphore, #tpu.memory_space<semaphore_mem>>
          %dma_start3A_117 = arith.constant 0 : i32
          %dma_start3A_118 = arith.constant 0 : i32
          %dma_start3A_119 = tpu.memref_slice %arg8[%dma_start3A_117, %dma_start3A_118] : memref<10240x128xf32, #tpu.memory_space<vmem_shared>> -> memref<10240x128xf32, #tpu.memory_space<vmem_shared>>
          tpu.enqueue_indirect_dma source(%arg12 : memref<80x128xf32, #tpu.memory_space<vmem>>) target(%dma_start3A_119 : memref<10240x128xf32, #tpu.memory_space<vmem_shared>>) offsets(%arg10 : memref<80xi32, #tpu.memory_space<vmem>>) semaphore(%run_scoped3A : memref<!tpu.dma_semaphore, #tpu.memory_space<semaphore_mem>>) {add = true}
          %dma_wait3A_120 = arith.constant 0 : i32
          %dma_wait3A_121 = arith.constant 0 : i32
          %dma_wait3A_122 = tpu.memref_slice %arg8[%dma_wait3A_120, %dma_wait3A_121] : memref<10240x128xf32, #tpu.memory_space<vmem_shared>> -> memref<10240x128xf32, #tpu.memory_space<vmem_shared>>
          tpu.wait_indirect_dma semaphore(%run_scoped3A : memref<!tpu.dma_semaphore, #tpu.memory_space<semaphore_mem>>) src(%arg12 : memref<80x128xf32, #tpu.memory_space<vmem>>) dst(%dma_wait3A_122 : memref<10240x128xf32, #tpu.memory_space<vmem_shared>>)
          tpu.yield
        }) : () -> ()
        %add3A_76 = arith.constant 2 : i32
        %add3A_77 = arith.addi %add3A_64, %add3A_76 : i32
        %mul3A_78 = arith.constant 80 : i32
        %mul3A_79 = arith.muli %add3A_77, %mul3A_78 : i32
        %add3A_80 = arith.addi %mul3A_2, %mul3A_79 : i32
        %dma_start3A_81 = tpu.memref_slice %arg5[%add3A_80] : memref<320000xi32, #tpu.memory_space<hbm>> -> memref<80xi32, #tpu.memory_space<hbm>>
        %dma_start3A_82 = tpu.memref_slice %arg5[%add3A_80] : memref<320000xi32, #tpu.memory_space<hbm>> -> memref<80xi32, #tpu.memory_space<hbm>>
        tpu.enqueue_dma source(%dma_start3A_82 : memref<80xi32, #tpu.memory_space<hbm>>) target(%arg10 : memref<80xi32, #tpu.memory_space<vmem>>) target_semaphore(%arg16 : memref<!tpu.dma_semaphore, #tpu.memory_space<semaphore_mem>>)
        %mul3A_83 = arith.constant 80 : i32
        %mul3A_84 = arith.muli %add3A_77, %mul3A_83 : i32
        %dma_start3A_85 = tpu.memref_slice %arg9[%mul3A_84] : memref<20000xi32, #tpu.memory_space<vmem>> -> memref<80xi32, #tpu.memory_space<vmem>>
        %dma_start3A_86 = arith.constant 0 : i32
        %dma_start3A_87 = arith.constant 0 : i32
        %dma_start3A_88 = tpu.memref_slice %arg2[%dma_start3A_86, %dma_start3A_87] : memref<10240x128xf32, #tpu.memory_space<hbm>> -> memref<10240x128xf32, #tpu.memory_space<hbm>>
        tpu.enqueue_indirect_dma source(%dma_start3A_88 : memref<10240x128xf32, #tpu.memory_space<hbm>>) target(%arg12 : memref<80x128xf32, #tpu.memory_space<vmem>>) offsets(%dma_start3A_85 : memref<80xi32, #tpu.memory_space<vmem>>) semaphore(%arg14 : memref<!tpu.dma_semaphore, #tpu.memory_space<semaphore_mem>>)
        %mul3A_89 = arith.constant 2 : i32
        %mul3A_90 = arith.muli %scan3A_60, %mul3A_89 : i32
        %add3A_91 = arith.constant 1 : i32
        %add3A_92 = arith.addi %mul3A_90, %add3A_91 : i32
        %dma_wait3A_93 = arith.constant 0 : i32
        %dma_wait3A_94 = arith.constant 0 : i32
        %dma_wait3A_95 = tpu.memref_slice %arg2[%dma_wait3A_93, %dma_wait3A_94] : memref<10240x128xf32, #tpu.memory_space<hbm>> -> memref<80x128xf32, #tpu.memory_space<hbm>>
        %dma_wait3A_96 = arith.constant 0 : i32
        %dma_wait3A_97 = arith.constant 0 : i32
        %dma_wait3A_98 = tpu.memref_slice %arg2[%dma_wait3A_96, %dma_wait3A_97] : memref<10240x128xf32, #tpu.memory_space<hbm>> -> memref<80x128xf32, #tpu.memory_space<hbm>>
        tpu.wait_dma2 semaphore(%arg15 : memref<!tpu.dma_semaphore, #tpu.memory_space<semaphore_mem>>) src(%dma_wait3A_98 : memref<80x128xf32, #tpu.memory_space<hbm>>) dst(%arg13 : memref<80x128xf32, #tpu.memory_space<vmem>>)
        %mul3A_99 = arith.constant 80 : i32
        %mul3A_100 = arith.muli %add3A_92, %mul3A_99 : i32
        %add3A_101 = arith.addi %mul3A_2, %mul3A_100 : i32
        %dma_wait3A_102 = tpu.memref_slice %arg5[%add3A_101] : memref<320000xi32, #tpu.memory_space<hbm>> -> memref<80xi32, #tpu.memory_space<hbm>>
        %dma_wait3A_103 = tpu.memref_slice %arg5[%add3A_101] : memref<320000xi32, #tpu.memory_space<hbm>> -> memref<80xi32, #tpu.memory_space<hbm>>
        tpu.wait_dma2 semaphore(%arg17 : memref<!tpu.dma_semaphore, #tpu.memory_space<semaphore_mem>>) src(%dma_wait3A_103 : memref<80xi32, #tpu.memory_space<hbm>>) dst(%arg11 : memref<80xi32, #tpu.memory_space<vmem>>)
        "tpu.region"() ({
          %run_scoped3A = tpu.sem_alloc : memref<!tpu.dma_semaphore, #tpu.memory_space<semaphore_mem>>
          %dma_start3A_117 = arith.constant 0 : i32
          %dma_start3A_118 = arith.constant 0 : i32
          %dma_start3A_119 = tpu.memref_slice %arg8[%dma_start3A_117, %dma_start3A_118] : memref<10240x128xf32, #tpu.memory_space<vmem_shared>> -> memref<10240x128xf32, #tpu.memory_space<vmem_shared>>
          tpu.enqueue_indirect_dma source(%arg13 : memref<80x128xf32, #tpu.memory_space<vmem>>) target(%dma_start3A_119 : memref<10240x128xf32, #tpu.memory_space<vmem_shared>>) offsets(%arg11 : memref<80xi32, #tpu.memory_space<vmem>>) semaphore(%run_scoped3A : memref<!tpu.dma_semaphore, #tpu.memory_space<semaphore_mem>>) {add = true}
          %dma_wait3A_120 = arith.constant 0 : i32
          %dma_wait3A_121 = arith.constant 0 : i32
          %dma_wait3A_122 = tpu.memref_slice %arg8[%dma_wait3A_120, %dma_wait3A_121] : memref<10240x128xf32, #tpu.memory_space<vmem_shared>> -> memref<10240x128xf32, #tpu.memory_space<vmem_shared>>
          tpu.wait_indirect_dma semaphore(%run_scoped3A : memref<!tpu.dma_semaphore, #tpu.memory_space<semaphore_mem>>) src(%arg13 : memref<80x128xf32, #tpu.memory_space<vmem>>) dst(%dma_wait3A_122 : memref<10240x128xf32, #tpu.memory_space<vmem_shared>>)
          tpu.yield
        }) : () -> ()
        %add3A_104 = arith.constant 2 : i32
        %add3A_105 = arith.addi %add3A_92, %add3A_104 : i32
        %mul3A_106 = arith.constant 80 : i32
        %mul3A_107 = arith.muli %add3A_105, %mul3A_106 : i32
        %add3A_108 = arith.addi %mul3A_2, %mul3A_107 : i32
        %dma_start3A_109 = tpu.memref_slice %arg5[%add3A_108] : memref<320000xi32, #tpu.memory_space<hbm>> -> memref<80xi32, #tpu.memory_space<hbm>>
        %dma_start3A_110 = tpu.memref_slice %arg5[%add3A_108] : memref<320000xi32, #tpu.memory_space<hbm>> -> memref<80xi32, #tpu.memory_space<hbm>>
        tpu.enqueue_dma source(%dma_start3A_110 : memref<80xi32, #tpu.memory_space<hbm>>) target(%arg11 : memref<80xi32, #tpu.memory_space<vmem>>) target_semaphore(%arg17 : memref<!tpu.dma_semaphore, #tpu.memory_space<semaphore_mem>>)
        %mul3A_111 = arith.constant 80 : i32
        %mul3A_112 = arith.muli %add3A_105, %mul3A_111 : i32
        %dma_start3A_113 = tpu.memref_slice %arg9[%mul3A_112] : memref<20000xi32, #tpu.memory_space<vmem>> -> memref<80xi32, #tpu.memory_space<vmem>>
        %dma_start3A_114 = arith.constant 0 : i32
        %dma_start3A_115 = arith.constant 0 : i32
        %dma_start3A_116 = tpu.memref_slice %arg2[%dma_start3A_114, %dma_start3A_115] : memref<10240x128xf32, #tpu.memory_space<hbm>> -> memref<10240x128xf32, #tpu.memory_space<hbm>>
        tpu.enqueue_indirect_dma source(%dma_start3A_116 : memref<10240x128xf32, #tpu.memory_space<hbm>>) target(%arg13 : memref<80x128xf32, #tpu.memory_space<vmem>>) offsets(%dma_start3A_113 : memref<80xi32, #tpu.memory_space<vmem>>) semaphore(%arg15 : memref<!tpu.dma_semaphore, #tpu.memory_space<semaphore_mem>>)
      }
      %scan3A_34 = arith.constant 124 : i32
      %dma_wait3A = arith.constant 0 : i32
      %dma_wait3A_35 = arith.constant 0 : i32
      %dma_wait3A_36 = tpu.memref_slice %arg2[%dma_wait3A, %dma_wait3A_35] : memref<10240x128xf32, #tpu.memory_space<hbm>> -> memref<80x128xf32, #tpu.memory_space<hbm>>
      %dma_wait3A_37 = arith.constant 0 : i32
      %dma_wait3A_38 = arith.constant 0 : i32
      %dma_wait3A_39 = tpu.memref_slice %arg2[%dma_wait3A_37, %dma_wait3A_38] : memref<10240x128xf32, #tpu.memory_space<hbm>> -> memref<80x128xf32, #tpu.memory_space<hbm>>
      tpu.wait_dma2 semaphore(%arg14 : memref<!tpu.dma_semaphore, #tpu.memory_space<semaphore_mem>>) src(%dma_wait3A_39 : memref<80x128xf32, #tpu.memory_space<hbm>>) dst(%arg12 : memref<80x128xf32, #tpu.memory_space<vmem>>)
      %add3A_40 = arith.constant 19840 : i32
      %add3A_41 = arith.addi %mul3A_2, %add3A_40 : i32
      %dma_wait3A_42 = tpu.memref_slice %arg5[%add3A_41] : memref<320000xi32, #tpu.memory_space<hbm>> -> memref<80xi32, #tpu.memory_space<hbm>>
      %dma_wait3A_43 = tpu.memref_slice %arg5[%add3A_41] : memref<320000xi32, #tpu.memory_space<hbm>> -> memref<80xi32, #tpu.memory_space<hbm>>
      tpu.wait_dma2 semaphore(%arg16 : memref<!tpu.dma_semaphore, #tpu.memory_space<semaphore_mem>>) src(%dma_wait3A_43 : memref<80xi32, #tpu.memory_space<hbm>>) dst(%arg10 : memref<80xi32, #tpu.memory_space<vmem>>)
      "tpu.region"() ({
        %run_scoped3A = tpu.sem_alloc : memref<!tpu.dma_semaphore, #tpu.memory_space<semaphore_mem>>
        %dma_start3A_60 = arith.constant 0 : i32
        %dma_start3A_61 = arith.constant 0 : i32
        %dma_start3A_62 = tpu.memref_slice %arg8[%dma_start3A_60, %dma_start3A_61] : memref<10240x128xf32, #tpu.memory_space<vmem_shared>> -> memref<10240x128xf32, #tpu.memory_space<vmem_shared>>
        tpu.enqueue_indirect_dma source(%arg12 : memref<80x128xf32, #tpu.memory_space<vmem>>) target(%dma_start3A_62 : memref<10240x128xf32, #tpu.memory_space<vmem_shared>>) offsets(%arg10 : memref<80xi32, #tpu.memory_space<vmem>>) semaphore(%run_scoped3A : memref<!tpu.dma_semaphore, #tpu.memory_space<semaphore_mem>>) {add = true}
        %dma_wait3A_63 = arith.constant 0 : i32
        %dma_wait3A_64 = arith.constant 0 : i32
        %dma_wait3A_65 = tpu.memref_slice %arg8[%dma_wait3A_63, %dma_wait3A_64] : memref<10240x128xf32, #tpu.memory_space<vmem_shared>> -> memref<10240x128xf32, #tpu.memory_space<vmem_shared>>
        tpu.wait_indirect_dma semaphore(%run_scoped3A : memref<!tpu.dma_semaphore, #tpu.memory_space<semaphore_mem>>) src(%arg12 : memref<80x128xf32, #tpu.memory_space<vmem>>) dst(%dma_wait3A_65 : memref<10240x128xf32, #tpu.memory_space<vmem_shared>>)
        tpu.yield
      }) : () -> ()
      %dma_wait3A_44 = arith.constant 0 : i32
      %dma_wait3A_45 = arith.constant 0 : i32
      %dma_wait3A_46 = tpu.memref_slice %arg2[%dma_wait3A_44, %dma_wait3A_45] : memref<10240x128xf32, #tpu.memory_space<hbm>> -> memref<80x128xf32, #tpu.memory_space<hbm>>
      %dma_wait3A_47 = arith.constant 0 : i32
      %dma_wait3A_48 = arith.constant 0 : i32
      %dma_wait3A_49 = tpu.memref_slice %arg2[%dma_wait3A_47, %dma_wait3A_48] : memref<10240x128xf32, #tpu.memory_space<hbm>> -> memref<80x128xf32, #tpu.memory_space<hbm>>
      tpu.wait_dma2 semaphore(%arg15 : memref<!tpu.dma_semaphore, #tpu.memory_space<semaphore_mem>>) src(%dma_wait3A_49 : memref<80x128xf32, #tpu.memory_space<hbm>>) dst(%arg13 : memref<80x128xf32, #tpu.memory_space<vmem>>)
      %add3A_50 = arith.constant 19920 : i32
      %add3A_51 = arith.addi %mul3A_2, %add3A_50 : i32
      %dma_wait3A_52 = tpu.memref_slice %arg5[%add3A_51] : memref<320000xi32, #tpu.memory_space<hbm>> -> memref<80xi32, #tpu.memory_space<hbm>>
      %dma_wait3A_53 = tpu.memref_slice %arg5[%add3A_51] : memref<320000xi32, #tpu.memory_space<hbm>> -> memref<80xi32, #tpu.memory_space<hbm>>
      tpu.wait_dma2 semaphore(%arg17 : memref<!tpu.dma_semaphore, #tpu.memory_space<semaphore_mem>>) src(%dma_wait3A_53 : memref<80xi32, #tpu.memory_space<hbm>>) dst(%arg11 : memref<80xi32, #tpu.memory_space<vmem>>)
      "tpu.region"() ({
        %run_scoped3A = tpu.sem_alloc : memref<!tpu.dma_semaphore, #tpu.memory_space<semaphore_mem>>
        %dma_start3A_60 = arith.constant 0 : i32
        %dma_start3A_61 = arith.constant 0 : i32
        %dma_start3A_62 = tpu.memref_slice %arg8[%dma_start3A_60, %dma_start3A_61] : memref<10240x128xf32, #tpu.memory_space<vmem_shared>> -> memref<10240x128xf32, #tpu.memory_space<vmem_shared>>
        tpu.enqueue_indirect_dma source(%arg13 : memref<80x128xf32, #tpu.memory_space<vmem>>) target(%dma_start3A_62 : memref<10240x128xf32, #tpu.memory_space<vmem_shared>>) offsets(%arg11 : memref<80xi32, #tpu.memory_space<vmem>>) semaphore(%run_scoped3A : memref<!tpu.dma_semaphore, #tpu.memory_space<semaphore_mem>>) {add = true}
        %dma_wait3A_63 = arith.constant 0 : i32
        %dma_wait3A_64 = arith.constant 0 : i32
        %dma_wait3A_65 = tpu.memref_slice %arg8[%dma_wait3A_63, %dma_wait3A_64] : memref<10240x128xf32, #tpu.memory_space<vmem_shared>> -> memref<10240x128xf32, #tpu.memory_space<vmem_shared>>
        tpu.wait_indirect_dma semaphore(%run_scoped3A : memref<!tpu.dma_semaphore, #tpu.memory_space<semaphore_mem>>) src(%arg13 : memref<80x128xf32, #tpu.memory_space<vmem>>) dst(%dma_wait3A_65 : memref<10240x128xf32, #tpu.memory_space<vmem_shared>>)
        tpu.yield
      }) : () -> ()
      %barrier3A_54 = arith.constant 0 : index
      tpu.barrier barrier_id(%barrier3A_54)
      %scan3A_55 = arith.constant 0 : i32
      %scan3A_56 = arith.constant 8 : i32
      %scan3A_57 = arith.addi %scan3A_55, %scan3A_56 : i32
      %scan3A_58 = arith.constant 1 : i32
      scf.for %scan3A_60 = %scan3A_55 to %scan3A_57 step %scan3A_58  : i32 {
        %mul3A_61 = arith.constant 80 : i32
        %mul3A_62 = arith.muli %scan3A_60, %mul3A_61 : i32
        %add3A_63 = arith.addi %mul3A_0, %mul3A_62 : i32
        "tpu.region"() ({
          %run_scoped3A = tpu.sem_alloc : memref<!tpu.dma_semaphore, #tpu.memory_space<semaphore_mem>>
          %dma_start3A_64 = arith.constant 0 : i32
          %dma_start3A_65 = tpu.memref_slice %arg8[%add3A_63, %dma_start3A_64] : memref<10240x128xf32, #tpu.memory_space<vmem_shared>> -> memref<80x128xf32, #tpu.memory_space<vmem_shared>>
          %dma_start3A_66 = arith.constant 0 : i32
          %dma_start3A_67 = tpu.memref_slice %arg8[%add3A_63, %dma_start3A_66] : memref<10240x128xf32, #tpu.memory_space<vmem_shared>> -> memref<80x128xf32, #tpu.memory_space<vmem_shared>>
          tpu.enqueue_dma source(%dma_start3A_67 : memref<80x128xf32, #tpu.memory_space<vmem_shared>>) target(%arg12 : memref<80x128xf32, #tpu.memory_space<vmem>>) target_semaphore(%run_scoped3A : memref<!tpu.dma_semaphore, #tpu.memory_space<semaphore_mem>>)
          %dma_wait3A_68 = arith.constant 0 : i32
          %dma_wait3A_69 = tpu.memref_slice %arg8[%add3A_63, %dma_wait3A_68] : memref<10240x128xf32, #tpu.memory_space<vmem_shared>> -> memref<80x128xf32, #tpu.memory_space<vmem_shared>>
          %dma_wait3A_70 = arith.constant 0 : i32
          %dma_wait3A_71 = tpu.memref_slice %arg8[%add3A_63, %dma_wait3A_70] : memref<10240x128xf32, #tpu.memory_space<vmem_shared>> -> memref<80x128xf32, #tpu.memory_space<vmem_shared>>
          tpu.wait_dma2 semaphore(%run_scoped3A : memref<!tpu.dma_semaphore, #tpu.memory_space<semaphore_mem>>) src(%dma_wait3A_71 : memref<80x128xf32, #tpu.memory_space<vmem_shared>>) dst(%arg12 : memref<80x128xf32, #tpu.memory_space<vmem>>)
          tpu.yield
        }) : () -> ()
        "tpu.region"() ({
          %run_scoped3A = tpu.sem_alloc : memref<!tpu.dma_semaphore, #tpu.memory_space<semaphore_mem>>
          %dma_start3A_64 = arith.constant 0 : i32
          %dma_start3A_65 = tpu.memref_slice %arg6[%add3A_63, %dma_start3A_64] : memref<10240x128xf32, #tpu.memory_space<hbm>> -> memref<80x128xf32, #tpu.memory_space<hbm>>
          %dma_start3A_66 = arith.constant 0 : i32
          %dma_start3A_67 = tpu.memref_slice %arg6[%add3A_63, %dma_start3A_66] : memref<10240x128xf32, #tpu.memory_space<hbm>> -> memref<80x128xf32, #tpu.memory_space<hbm>>
          tpu.enqueue_dma source(%arg12 : memref<80x128xf32, #tpu.memory_space<vmem>>) target(%dma_start3A_67 : memref<80x128xf32, #tpu.memory_space<hbm>>) target_semaphore(%run_scoped3A : memref<!tpu.dma_semaphore, #tpu.memory_space<semaphore_mem>>)
          %dma_wait3A_68 = arith.constant 0 : i32
          %dma_wait3A_69 = tpu.memref_slice %arg6[%add3A_63, %dma_wait3A_68] : memref<10240x128xf32, #tpu.memory_space<hbm>> -> memref<80x128xf32, #tpu.memory_space<hbm>>
          %dma_wait3A_70 = arith.constant 0 : i32
          %dma_wait3A_71 = tpu.memref_slice %arg6[%add3A_63, %dma_wait3A_70] : memref<10240x128xf32, #tpu.memory_space<hbm>> -> memref<80x128xf32, #tpu.memory_space<hbm>>
          tpu.wait_dma2 semaphore(%run_scoped3A : memref<!tpu.dma_semaphore, #tpu.memory_space<semaphore_mem>>) src(%arg12 : memref<80x128xf32, #tpu.memory_space<vmem>>) dst(%dma_wait3A_71 : memref<80x128xf32, #tpu.memory_space<hbm>>)
          tpu.yield
        }) : () -> ()
      }
      %scan3A_59 = arith.constant 8 : i32
    } else {
    }
    %eq3A_5 = arith.constant 1 : i32
    %eq3A_6 = arith.cmpi eq, %arg0, %eq3A_5 : i32
    %convert_element_type3A_7 = arith.extui %eq3A_6 : i1 to i32
    %cond3A_8 = arith.constant 0 : i32
    %cond3A_9 = arith.cmpi ne, %convert_element_type3A_7, %cond3A_8 : i32
    scf.if %cond3A_9 {
      %scan3A = arith.constant 0 : i32
      %scan3A_10 = arith.constant 8 : i32
      %scan3A_11 = arith.addi %scan3A, %scan3A_10 : i32
      %scan3A_12 = arith.constant 1 : i32
      scf.for %scan3A_60 = %scan3A to %scan3A_11 step %scan3A_12  : i32 {
        %mul3A_61 = arith.constant 80 : i32
        %mul3A_62 = arith.muli %scan3A_60, %mul3A_61 : i32
        %add3A_63 = arith.addi %mul3A_0, %mul3A_62 : i32
        "tpu.region"() ({
          %run_scoped3A = tpu.sem_alloc : memref<!tpu.dma_semaphore, #tpu.memory_space<semaphore_mem>>
          %dma_start3A_64 = arith.constant 0 : i32
          %dma_start3A_65 = tpu.memref_slice %arg3[%add3A_63, %dma_start3A_64] : memref<10240x128xf32, #tpu.memory_space<hbm>> -> memref<80x128xf32, #tpu.memory_space<hbm>>
          %dma_start3A_66 = arith.constant 0 : i32
          %dma_start3A_67 = tpu.memref_slice %arg3[%add3A_63, %dma_start3A_66] : memref<10240x128xf32, #tpu.memory_space<hbm>> -> memref<80x128xf32, #tpu.memory_space<hbm>>
          tpu.enqueue_dma source(%dma_start3A_67 : memref<80x128xf32, #tpu.memory_space<hbm>>) target(%arg12 : memref<80x128xf32, #tpu.memory_space<vmem>>) target_semaphore(%run_scoped3A : memref<!tpu.dma_semaphore, #tpu.memory_space<semaphore_mem>>)
          %dma_wait3A_68 = arith.constant 0 : i32
          %dma_wait3A_69 = tpu.memref_slice %arg3[%add3A_63, %dma_wait3A_68] : memref<10240x128xf32, #tpu.memory_space<hbm>> -> memref<80x128xf32, #tpu.memory_space<hbm>>
          %dma_wait3A_70 = arith.constant 0 : i32
          %dma_wait3A_71 = tpu.memref_slice %arg3[%add3A_63, %dma_wait3A_70] : memref<10240x128xf32, #tpu.memory_space<hbm>> -> memref<80x128xf32, #tpu.memory_space<hbm>>
          tpu.wait_dma2 semaphore(%run_scoped3A : memref<!tpu.dma_semaphore, #tpu.memory_space<semaphore_mem>>) src(%dma_wait3A_71 : memref<80x128xf32, #tpu.memory_space<hbm>>) dst(%arg12 : memref<80x128xf32, #tpu.memory_space<vmem>>)
          tpu.yield
        }) : () -> ()
        "tpu.region"() ({
          %run_scoped3A = tpu.sem_alloc : memref<!tpu.dma_semaphore, #tpu.memory_space<semaphore_mem>>
          %dma_start3A_64 = arith.constant 0 : i32
          %dma_start3A_65 = tpu.memref_slice %arg8[%add3A_63, %dma_start3A_64] : memref<10240x128xf32, #tpu.memory_space<vmem_shared>> -> memref<80x128xf32, #tpu.memory_space<vmem_shared>>
          %dma_start3A_66 = arith.constant 0 : i32
          %dma_start3A_67 = tpu.memref_slice %arg8[%add3A_63, %dma_start3A_66] : memref<10240x128xf32, #tpu.memory_space<vmem_shared>> -> memref<80x128xf32, #tpu.memory_space<vmem_shared>>
          tpu.enqueue_dma source(%arg12 : memref<80x128xf32, #tpu.memory_space<vmem>>) target(%dma_start3A_67 : memref<80x128xf32, #tpu.memory_space<vmem_shared>>) target_semaphore(%run_scoped3A : memref<!tpu.dma_semaphore, #tpu.memory_space<semaphore_mem>>)
          %dma_wait3A_68 = arith.constant 0 : i32
          %dma_wait3A_69 = tpu.memref_slice %arg8[%add3A_63, %dma_wait3A_68] : memref<10240x128xf32, #tpu.memory_space<vmem_shared>> -> memref<80x128xf32, #tpu.memory_space<vmem_shared>>
          %dma_wait3A_70 = arith.constant 0 : i32
          %dma_wait3A_71 = tpu.memref_slice %arg8[%add3A_63, %dma_wait3A_70] : memref<10240x128xf32, #tpu.memory_space<vmem_shared>> -> memref<80x128xf32, #tpu.memory_space<vmem_shared>>
          tpu.wait_dma2 semaphore(%run_scoped3A : memref<!tpu.dma_semaphore, #tpu.memory_space<semaphore_mem>>) src(%arg12 : memref<80x128xf32, #tpu.memory_space<vmem>>) dst(%dma_wait3A_71 : memref<80x128xf32, #tpu.memory_space<vmem_shared>>)
          tpu.yield
        }) : () -> ()
      }
      %scan3A_13 = arith.constant 8 : i32
      %barrier3A = arith.constant 0 : index
      tpu.barrier barrier_id(%barrier3A)
      "tpu.region"() ({
        %run_scoped3A = tpu.sem_alloc : memref<!tpu.dma_semaphore, #tpu.memory_space<semaphore_mem>>
        %dma_start3A_60 = tpu.memref_slice %arg4[%mul3A_2] : memref<320000xi32, #tpu.memory_space<hbm>> -> memref<20000xi32, #tpu.memory_space<hbm>>
        %dma_start3A_61 = tpu.memref_slice %arg4[%mul3A_2] : memref<320000xi32, #tpu.memory_space<hbm>> -> memref<20000xi32, #tpu.memory_space<hbm>>
        tpu.enqueue_dma source(%dma_start3A_61 : memref<20000xi32, #tpu.memory_space<hbm>>) target(%arg9 : memref<20000xi32, #tpu.memory_space<vmem>>) target_semaphore(%run_scoped3A : memref<!tpu.dma_semaphore, #tpu.memory_space<semaphore_mem>>)
        %dma_wait3A_62 = tpu.memref_slice %arg4[%mul3A_2] : memref<320000xi32, #tpu.memory_space<hbm>> -> memref<20000xi32, #tpu.memory_space<hbm>>
        %dma_wait3A_63 = tpu.memref_slice %arg4[%mul3A_2] : memref<320000xi32, #tpu.memory_space<hbm>> -> memref<20000xi32, #tpu.memory_space<hbm>>
        tpu.wait_dma2 semaphore(%run_scoped3A : memref<!tpu.dma_semaphore, #tpu.memory_space<semaphore_mem>>) src(%dma_wait3A_63 : memref<20000xi32, #tpu.memory_space<hbm>>) dst(%arg9 : memref<20000xi32, #tpu.memory_space<vmem>>)
        tpu.yield
      }) : () -> ()
      %add3A = arith.constant 0 : i32
      %add3A_14 = arith.addi %mul3A_2, %add3A : i32
      %dma_start3A = tpu.memref_slice %arg5[%add3A_14] : memref<320000xi32, #tpu.memory_space<hbm>> -> memref<80xi32, #tpu.memory_space<hbm>>
      %dma_start3A_15 = tpu.memref_slice %arg5[%add3A_14] : memref<320000xi32, #tpu.memory_space<hbm>> -> memref<80xi32, #tpu.memory_space<hbm>>
      tpu.enqueue_dma source(%dma_start3A_15 : memref<80xi32, #tpu.memory_space<hbm>>) target(%arg10 : memref<80xi32, #tpu.memory_space<vmem>>) target_semaphore(%arg16 : memref<!tpu.dma_semaphore, #tpu.memory_space<semaphore_mem>>)
      %dma_start3A_16 = arith.constant 0 : i32
      %dma_start3A_17 = tpu.memref_slice %arg9[%dma_start3A_16] : memref<20000xi32, #tpu.memory_space<vmem>> -> memref<80xi32, #tpu.memory_space<vmem>>
      %dma_start3A_18 = arith.constant 0 : i32
      %dma_start3A_19 = arith.constant 0 : i32
      %dma_start3A_20 = tpu.memref_slice %arg3[%dma_start3A_18, %dma_start3A_19] : memref<10240x128xf32, #tpu.memory_space<hbm>> -> memref<10240x128xf32, #tpu.memory_space<hbm>>
      tpu.enqueue_indirect_dma source(%dma_start3A_20 : memref<10240x128xf32, #tpu.memory_space<hbm>>) target(%arg12 : memref<80x128xf32, #tpu.memory_space<vmem>>) offsets(%dma_start3A_17 : memref<80xi32, #tpu.memory_space<vmem>>) semaphore(%arg14 : memref<!tpu.dma_semaphore, #tpu.memory_space<semaphore_mem>>)
      %add3A_21 = arith.constant 80 : i32
      %add3A_22 = arith.addi %mul3A_2, %add3A_21 : i32
      %dma_start3A_23 = tpu.memref_slice %arg5[%add3A_22] : memref<320000xi32, #tpu.memory_space<hbm>> -> memref<80xi32, #tpu.memory_space<hbm>>
      %dma_start3A_24 = tpu.memref_slice %arg5[%add3A_22] : memref<320000xi32, #tpu.memory_space<hbm>> -> memref<80xi32, #tpu.memory_space<hbm>>
      tpu.enqueue_dma source(%dma_start3A_24 : memref<80xi32, #tpu.memory_space<hbm>>) target(%arg11 : memref<80xi32, #tpu.memory_space<vmem>>) target_semaphore(%arg17 : memref<!tpu.dma_semaphore, #tpu.memory_space<semaphore_mem>>)
      %dma_start3A_25 = arith.constant 80 : i32
      %dma_start3A_26 = tpu.memref_slice %arg9[%dma_start3A_25] : memref<20000xi32, #tpu.memory_space<vmem>> -> memref<80xi32, #tpu.memory_space<vmem>>
      %dma_start3A_27 = arith.constant 0 : i32
      %dma_start3A_28 = arith.constant 0 : i32
      %dma_start3A_29 = tpu.memref_slice %arg3[%dma_start3A_27, %dma_start3A_28] : memref<10240x128xf32, #tpu.memory_space<hbm>> -> memref<10240x128xf32, #tpu.memory_space<hbm>>
      tpu.enqueue_indirect_dma source(%dma_start3A_29 : memref<10240x128xf32, #tpu.memory_space<hbm>>) target(%arg13 : memref<80x128xf32, #tpu.memory_space<vmem>>) offsets(%dma_start3A_26 : memref<80xi32, #tpu.memory_space<vmem>>) semaphore(%arg15 : memref<!tpu.dma_semaphore, #tpu.memory_space<semaphore_mem>>)
      %scan3A_30 = arith.constant 0 : i32
      %scan3A_31 = arith.constant 124 : i32
      %scan3A_32 = arith.addi %scan3A_30, %scan3A_31 : i32
      %scan3A_33 = arith.constant 1 : i32
      scf.for %scan3A_60 = %scan3A_30 to %scan3A_32 step %scan3A_33  : i32 {
        %mul3A_61 = arith.constant 2 : i32
        %mul3A_62 = arith.muli %scan3A_60, %mul3A_61 : i32
        %add3A_63 = arith.constant 0 : i32
        %add3A_64 = arith.addi %mul3A_62, %add3A_63 : i32
        %dma_wait3A_65 = arith.constant 0 : i32
        %dma_wait3A_66 = arith.constant 0 : i32
        %dma_wait3A_67 = tpu.memref_slice %arg3[%dma_wait3A_65, %dma_wait3A_66] : memref<10240x128xf32, #tpu.memory_space<hbm>> -> memref<80x128xf32, #tpu.memory_space<hbm>>
        %dma_wait3A_68 = arith.constant 0 : i32
        %dma_wait3A_69 = arith.constant 0 : i32
        %dma_wait3A_70 = tpu.memref_slice %arg3[%dma_wait3A_68, %dma_wait3A_69] : memref<10240x128xf32, #tpu.memory_space<hbm>> -> memref<80x128xf32, #tpu.memory_space<hbm>>
        tpu.wait_dma2 semaphore(%arg14 : memref<!tpu.dma_semaphore, #tpu.memory_space<semaphore_mem>>) src(%dma_wait3A_70 : memref<80x128xf32, #tpu.memory_space<hbm>>) dst(%arg12 : memref<80x128xf32, #tpu.memory_space<vmem>>)
        %mul3A_71 = arith.constant 80 : i32
        %mul3A_72 = arith.muli %add3A_64, %mul3A_71 : i32
        %add3A_73 = arith.addi %mul3A_2, %mul3A_72 : i32
        %dma_wait3A_74 = tpu.memref_slice %arg5[%add3A_73] : memref<320000xi32, #tpu.memory_space<hbm>> -> memref<80xi32, #tpu.memory_space<hbm>>
        %dma_wait3A_75 = tpu.memref_slice %arg5[%add3A_73] : memref<320000xi32, #tpu.memory_space<hbm>> -> memref<80xi32, #tpu.memory_space<hbm>>
        tpu.wait_dma2 semaphore(%arg16 : memref<!tpu.dma_semaphore, #tpu.memory_space<semaphore_mem>>) src(%dma_wait3A_75 : memref<80xi32, #tpu.memory_space<hbm>>) dst(%arg10 : memref<80xi32, #tpu.memory_space<vmem>>)
        "tpu.region"() ({
          %run_scoped3A = tpu.sem_alloc : memref<!tpu.dma_semaphore, #tpu.memory_space<semaphore_mem>>
          %dma_start3A_117 = arith.constant 0 : i32
          %dma_start3A_118 = arith.constant 0 : i32
          %dma_start3A_119 = tpu.memref_slice %arg8[%dma_start3A_117, %dma_start3A_118] : memref<10240x128xf32, #tpu.memory_space<vmem_shared>> -> memref<10240x128xf32, #tpu.memory_space<vmem_shared>>
          tpu.enqueue_indirect_dma source(%arg12 : memref<80x128xf32, #tpu.memory_space<vmem>>) target(%dma_start3A_119 : memref<10240x128xf32, #tpu.memory_space<vmem_shared>>) offsets(%arg10 : memref<80xi32, #tpu.memory_space<vmem>>) semaphore(%run_scoped3A : memref<!tpu.dma_semaphore, #tpu.memory_space<semaphore_mem>>) {add = true}
          %dma_wait3A_120 = arith.constant 0 : i32
          %dma_wait3A_121 = arith.constant 0 : i32
          %dma_wait3A_122 = tpu.memref_slice %arg8[%dma_wait3A_120, %dma_wait3A_121] : memref<10240x128xf32, #tpu.memory_space<vmem_shared>> -> memref<10240x128xf32, #tpu.memory_space<vmem_shared>>
          tpu.wait_indirect_dma semaphore(%run_scoped3A : memref<!tpu.dma_semaphore, #tpu.memory_space<semaphore_mem>>) src(%arg12 : memref<80x128xf32, #tpu.memory_space<vmem>>) dst(%dma_wait3A_122 : memref<10240x128xf32, #tpu.memory_space<vmem_shared>>)
          tpu.yield
        }) : () -> ()
        %add3A_76 = arith.constant 2 : i32
        %add3A_77 = arith.addi %add3A_64, %add3A_76 : i32
        %mul3A_78 = arith.constant 80 : i32
        %mul3A_79 = arith.muli %add3A_77, %mul3A_78 : i32
        %add3A_80 = arith.addi %mul3A_2, %mul3A_79 : i32
        %dma_start3A_81 = tpu.memref_slice %arg5[%add3A_80] : memref<320000xi32, #tpu.memory_space<hbm>> -> memref<80xi32, #tpu.memory_space<hbm>>
        %dma_start3A_82 = tpu.memref_slice %arg5[%add3A_80] : memref<320000xi32, #tpu.memory_space<hbm>> -> memref<80xi32, #tpu.memory_space<hbm>>
        tpu.enqueue_dma source(%dma_start3A_82 : memref<80xi32, #tpu.memory_space<hbm>>) target(%arg10 : memref<80xi32, #tpu.memory_space<vmem>>) target_semaphore(%arg16 : memref<!tpu.dma_semaphore, #tpu.memory_space<semaphore_mem>>)
        %mul3A_83 = arith.constant 80 : i32
        %mul3A_84 = arith.muli %add3A_77, %mul3A_83 : i32
        %dma_start3A_85 = tpu.memref_slice %arg9[%mul3A_84] : memref<20000xi32, #tpu.memory_space<vmem>> -> memref<80xi32, #tpu.memory_space<vmem>>
        %dma_start3A_86 = arith.constant 0 : i32
        %dma_start3A_87 = arith.constant 0 : i32
        %dma_start3A_88 = tpu.memref_slice %arg3[%dma_start3A_86, %dma_start3A_87] : memref<10240x128xf32, #tpu.memory_space<hbm>> -> memref<10240x128xf32, #tpu.memory_space<hbm>>
        tpu.enqueue_indirect_dma source(%dma_start3A_88 : memref<10240x128xf32, #tpu.memory_space<hbm>>) target(%arg12 : memref<80x128xf32, #tpu.memory_space<vmem>>) offsets(%dma_start3A_85 : memref<80xi32, #tpu.memory_space<vmem>>) semaphore(%arg14 : memref<!tpu.dma_semaphore, #tpu.memory_space<semaphore_mem>>)
        %mul3A_89 = arith.constant 2 : i32
        %mul3A_90 = arith.muli %scan3A_60, %mul3A_89 : i32
        %add3A_91 = arith.constant 1 : i32
        %add3A_92 = arith.addi %mul3A_90, %add3A_91 : i32
        %dma_wait3A_93 = arith.constant 0 : i32
        %dma_wait3A_94 = arith.constant 0 : i32
        %dma_wait3A_95 = tpu.memref_slice %arg3[%dma_wait3A_93, %dma_wait3A_94] : memref<10240x128xf32, #tpu.memory_space<hbm>> -> memref<80x128xf32, #tpu.memory_space<hbm>>
        %dma_wait3A_96 = arith.constant 0 : i32
        %dma_wait3A_97 = arith.constant 0 : i32
        %dma_wait3A_98 = tpu.memref_slice %arg3[%dma_wait3A_96, %dma_wait3A_97] : memref<10240x128xf32, #tpu.memory_space<hbm>> -> memref<80x128xf32, #tpu.memory_space<hbm>>
        tpu.wait_dma2 semaphore(%arg15 : memref<!tpu.dma_semaphore, #tpu.memory_space<semaphore_mem>>) src(%dma_wait3A_98 : memref<80x128xf32, #tpu.memory_space<hbm>>) dst(%arg13 : memref<80x128xf32, #tpu.memory_space<vmem>>)
        %mul3A_99 = arith.constant 80 : i32
        %mul3A_100 = arith.muli %add3A_92, %mul3A_99 : i32
        %add3A_101 = arith.addi %mul3A_2, %mul3A_100 : i32
        %dma_wait3A_102 = tpu.memref_slice %arg5[%add3A_101] : memref<320000xi32, #tpu.memory_space<hbm>> -> memref<80xi32, #tpu.memory_space<hbm>>
        %dma_wait3A_103 = tpu.memref_slice %arg5[%add3A_101] : memref<320000xi32, #tpu.memory_space<hbm>> -> memref<80xi32, #tpu.memory_space<hbm>>
        tpu.wait_dma2 semaphore(%arg17 : memref<!tpu.dma_semaphore, #tpu.memory_space<semaphore_mem>>) src(%dma_wait3A_103 : memref<80xi32, #tpu.memory_space<hbm>>) dst(%arg11 : memref<80xi32, #tpu.memory_space<vmem>>)
        "tpu.region"() ({
          %run_scoped3A = tpu.sem_alloc : memref<!tpu.dma_semaphore, #tpu.memory_space<semaphore_mem>>
          %dma_start3A_117 = arith.constant 0 : i32
          %dma_start3A_118 = arith.constant 0 : i32
          %dma_start3A_119 = tpu.memref_slice %arg8[%dma_start3A_117, %dma_start3A_118] : memref<10240x128xf32, #tpu.memory_space<vmem_shared>> -> memref<10240x128xf32, #tpu.memory_space<vmem_shared>>
          tpu.enqueue_indirect_dma source(%arg13 : memref<80x128xf32, #tpu.memory_space<vmem>>) target(%dma_start3A_119 : memref<10240x128xf32, #tpu.memory_space<vmem_shared>>) offsets(%arg11 : memref<80xi32, #tpu.memory_space<vmem>>) semaphore(%run_scoped3A : memref<!tpu.dma_semaphore, #tpu.memory_space<semaphore_mem>>) {add = true}
          %dma_wait3A_120 = arith.constant 0 : i32
          %dma_wait3A_121 = arith.constant 0 : i32
          %dma_wait3A_122 = tpu.memref_slice %arg8[%dma_wait3A_120, %dma_wait3A_121] : memref<10240x128xf32, #tpu.memory_space<vmem_shared>> -> memref<10240x128xf32, #tpu.memory_space<vmem_shared>>
          tpu.wait_indirect_dma semaphore(%run_scoped3A : memref<!tpu.dma_semaphore, #tpu.memory_space<semaphore_mem>>) src(%arg13 : memref<80x128xf32, #tpu.memory_space<vmem>>) dst(%dma_wait3A_122 : memref<10240x128xf32, #tpu.memory_space<vmem_shared>>)
          tpu.yield
        }) : () -> ()
        %add3A_104 = arith.constant 2 : i32
        %add3A_105 = arith.addi %add3A_92, %add3A_104 : i32
        %mul3A_106 = arith.constant 80 : i32
        %mul3A_107 = arith.muli %add3A_105, %mul3A_106 : i32
        %add3A_108 = arith.addi %mul3A_2, %mul3A_107 : i32
        %dma_start3A_109 = tpu.memref_slice %arg5[%add3A_108] : memref<320000xi32, #tpu.memory_space<hbm>> -> memref<80xi32, #tpu.memory_space<hbm>>
        %dma_start3A_110 = tpu.memref_slice %arg5[%add3A_108] : memref<320000xi32, #tpu.memory_space<hbm>> -> memref<80xi32, #tpu.memory_space<hbm>>
        tpu.enqueue_dma source(%dma_start3A_110 : memref<80xi32, #tpu.memory_space<hbm>>) target(%arg11 : memref<80xi32, #tpu.memory_space<vmem>>) target_semaphore(%arg17 : memref<!tpu.dma_semaphore, #tpu.memory_space<semaphore_mem>>)
        %mul3A_111 = arith.constant 80 : i32
        %mul3A_112 = arith.muli %add3A_105, %mul3A_111 : i32
        %dma_start3A_113 = tpu.memref_slice %arg9[%mul3A_112] : memref<20000xi32, #tpu.memory_space<vmem>> -> memref<80xi32, #tpu.memory_space<vmem>>
        %dma_start3A_114 = arith.constant 0 : i32
        %dma_start3A_115 = arith.constant 0 : i32
        %dma_start3A_116 = tpu.memref_slice %arg3[%dma_start3A_114, %dma_start3A_115] : memref<10240x128xf32, #tpu.memory_space<hbm>> -> memref<10240x128xf32, #tpu.memory_space<hbm>>
        tpu.enqueue_indirect_dma source(%dma_start3A_116 : memref<10240x128xf32, #tpu.memory_space<hbm>>) target(%arg13 : memref<80x128xf32, #tpu.memory_space<vmem>>) offsets(%dma_start3A_113 : memref<80xi32, #tpu.memory_space<vmem>>) semaphore(%arg15 : memref<!tpu.dma_semaphore, #tpu.memory_space<semaphore_mem>>)
      }
      %scan3A_34 = arith.constant 124 : i32
      %dma_wait3A = arith.constant 0 : i32
      %dma_wait3A_35 = arith.constant 0 : i32
      %dma_wait3A_36 = tpu.memref_slice %arg3[%dma_wait3A, %dma_wait3A_35] : memref<10240x128xf32, #tpu.memory_space<hbm>> -> memref<80x128xf32, #tpu.memory_space<hbm>>
      %dma_wait3A_37 = arith.constant 0 : i32
      %dma_wait3A_38 = arith.constant 0 : i32
      %dma_wait3A_39 = tpu.memref_slice %arg3[%dma_wait3A_37, %dma_wait3A_38] : memref<10240x128xf32, #tpu.memory_space<hbm>> -> memref<80x128xf32, #tpu.memory_space<hbm>>
      tpu.wait_dma2 semaphore(%arg14 : memref<!tpu.dma_semaphore, #tpu.memory_space<semaphore_mem>>) src(%dma_wait3A_39 : memref<80x128xf32, #tpu.memory_space<hbm>>) dst(%arg12 : memref<80x128xf32, #tpu.memory_space<vmem>>)
      %add3A_40 = arith.constant 19840 : i32
      %add3A_41 = arith.addi %mul3A_2, %add3A_40 : i32
      %dma_wait3A_42 = tpu.memref_slice %arg5[%add3A_41] : memref<320000xi32, #tpu.memory_space<hbm>> -> memref<80xi32, #tpu.memory_space<hbm>>
      %dma_wait3A_43 = tpu.memref_slice %arg5[%add3A_41] : memref<320000xi32, #tpu.memory_space<hbm>> -> memref<80xi32, #tpu.memory_space<hbm>>
      tpu.wait_dma2 semaphore(%arg16 : memref<!tpu.dma_semaphore, #tpu.memory_space<semaphore_mem>>) src(%dma_wait3A_43 : memref<80xi32, #tpu.memory_space<hbm>>) dst(%arg10 : memref<80xi32, #tpu.memory_space<vmem>>)
      "tpu.region"() ({
        %run_scoped3A = tpu.sem_alloc : memref<!tpu.dma_semaphore, #tpu.memory_space<semaphore_mem>>
        %dma_start3A_60 = arith.constant 0 : i32
        %dma_start3A_61 = arith.constant 0 : i32
        %dma_start3A_62 = tpu.memref_slice %arg8[%dma_start3A_60, %dma_start3A_61] : memref<10240x128xf32, #tpu.memory_space<vmem_shared>> -> memref<10240x128xf32, #tpu.memory_space<vmem_shared>>
        tpu.enqueue_indirect_dma source(%arg12 : memref<80x128xf32, #tpu.memory_space<vmem>>) target(%dma_start3A_62 : memref<10240x128xf32, #tpu.memory_space<vmem_shared>>) offsets(%arg10 : memref<80xi32, #tpu.memory_space<vmem>>) semaphore(%run_scoped3A : memref<!tpu.dma_semaphore, #tpu.memory_space<semaphore_mem>>) {add = true}
        %dma_wait3A_63 = arith.constant 0 : i32
        %dma_wait3A_64 = arith.constant 0 : i32
        %dma_wait3A_65 = tpu.memref_slice %arg8[%dma_wait3A_63, %dma_wait3A_64] : memref<10240x128xf32, #tpu.memory_space<vmem_shared>> -> memref<10240x128xf32, #tpu.memory_space<vmem_shared>>
        tpu.wait_indirect_dma semaphore(%run_scoped3A : memref<!tpu.dma_semaphore, #tpu.memory_space<semaphore_mem>>) src(%arg12 : memref<80x128xf32, #tpu.memory_space<vmem>>) dst(%dma_wait3A_65 : memref<10240x128xf32, #tpu.memory_space<vmem_shared>>)
        tpu.yield
      }) : () -> ()
      %dma_wait3A_44 = arith.constant 0 : i32
      %dma_wait3A_45 = arith.constant 0 : i32
      %dma_wait3A_46 = tpu.memref_slice %arg3[%dma_wait3A_44, %dma_wait3A_45] : memref<10240x128xf32, #tpu.memory_space<hbm>> -> memref<80x128xf32, #tpu.memory_space<hbm>>
      %dma_wait3A_47 = arith.constant 0 : i32
      %dma_wait3A_48 = arith.constant 0 : i32
      %dma_wait3A_49 = tpu.memref_slice %arg3[%dma_wait3A_47, %dma_wait3A_48] : memref<10240x128xf32, #tpu.memory_space<hbm>> -> memref<80x128xf32, #tpu.memory_space<hbm>>
      tpu.wait_dma2 semaphore(%arg15 : memref<!tpu.dma_semaphore, #tpu.memory_space<semaphore_mem>>) src(%dma_wait3A_49 : memref<80x128xf32, #tpu.memory_space<hbm>>) dst(%arg13 : memref<80x128xf32, #tpu.memory_space<vmem>>)
      %add3A_50 = arith.constant 19920 : i32
      %add3A_51 = arith.addi %mul3A_2, %add3A_50 : i32
      %dma_wait3A_52 = tpu.memref_slice %arg5[%add3A_51] : memref<320000xi32, #tpu.memory_space<hbm>> -> memref<80xi32, #tpu.memory_space<hbm>>
      %dma_wait3A_53 = tpu.memref_slice %arg5[%add3A_51] : memref<320000xi32, #tpu.memory_space<hbm>> -> memref<80xi32, #tpu.memory_space<hbm>>
      tpu.wait_dma2 semaphore(%arg17 : memref<!tpu.dma_semaphore, #tpu.memory_space<semaphore_mem>>) src(%dma_wait3A_53 : memref<80xi32, #tpu.memory_space<hbm>>) dst(%arg11 : memref<80xi32, #tpu.memory_space<vmem>>)
      "tpu.region"() ({
        %run_scoped3A = tpu.sem_alloc : memref<!tpu.dma_semaphore, #tpu.memory_space<semaphore_mem>>
        %dma_start3A_60 = arith.constant 0 : i32
        %dma_start3A_61 = arith.constant 0 : i32
        %dma_start3A_62 = tpu.memref_slice %arg8[%dma_start3A_60, %dma_start3A_61] : memref<10240x128xf32, #tpu.memory_space<vmem_shared>> -> memref<10240x128xf32, #tpu.memory_space<vmem_shared>>
        tpu.enqueue_indirect_dma source(%arg13 : memref<80x128xf32, #tpu.memory_space<vmem>>) target(%dma_start3A_62 : memref<10240x128xf32, #tpu.memory_space<vmem_shared>>) offsets(%arg11 : memref<80xi32, #tpu.memory_space<vmem>>) semaphore(%run_scoped3A : memref<!tpu.dma_semaphore, #tpu.memory_space<semaphore_mem>>) {add = true}
        %dma_wait3A_63 = arith.constant 0 : i32
        %dma_wait3A_64 = arith.constant 0 : i32
        %dma_wait3A_65 = tpu.memref_slice %arg8[%dma_wait3A_63, %dma_wait3A_64] : memref<10240x128xf32, #tpu.memory_space<vmem_shared>> -> memref<10240x128xf32, #tpu.memory_space<vmem_shared>>
        tpu.wait_indirect_dma semaphore(%run_scoped3A : memref<!tpu.dma_semaphore, #tpu.memory_space<semaphore_mem>>) src(%arg13 : memref<80x128xf32, #tpu.memory_space<vmem>>) dst(%dma_wait3A_65 : memref<10240x128xf32, #tpu.memory_space<vmem_shared>>)
        tpu.yield
      }) : () -> ()
      %barrier3A_54 = arith.constant 0 : index
      tpu.barrier barrier_id(%barrier3A_54)
      %scan3A_55 = arith.constant 0 : i32
      %scan3A_56 = arith.constant 8 : i32
      %scan3A_57 = arith.addi %scan3A_55, %scan3A_56 : i32
      %scan3A_58 = arith.constant 1 : i32
      scf.for %scan3A_60 = %scan3A_55 to %scan3A_57 step %scan3A_58  : i32 {
        %mul3A_61 = arith.constant 80 : i32
        %mul3A_62 = arith.muli %scan3A_60, %mul3A_61 : i32
        %add3A_63 = arith.addi %mul3A_0, %mul3A_62 : i32
        "tpu.region"() ({
          %run_scoped3A = tpu.sem_alloc : memref<!tpu.dma_semaphore, #tpu.memory_space<semaphore_mem>>
          %dma_start3A_64 = arith.constant 0 : i32
          %dma_start3A_65 = tpu.memref_slice %arg8[%add3A_63, %dma_start3A_64] : memref<10240x128xf32, #tpu.memory_space<vmem_shared>> -> memref<80x128xf32, #tpu.memory_space<vmem_shared>>
          %dma_start3A_66 = arith.constant 0 : i32
          %dma_start3A_67 = tpu.memref_slice %arg8[%add3A_63, %dma_start3A_66] : memref<10240x128xf32, #tpu.memory_space<vmem_shared>> -> memref<80x128xf32, #tpu.memory_space<vmem_shared>>
          tpu.enqueue_dma source(%dma_start3A_67 : memref<80x128xf32, #tpu.memory_space<vmem_shared>>) target(%arg12 : memref<80x128xf32, #tpu.memory_space<vmem>>) target_semaphore(%run_scoped3A : memref<!tpu.dma_semaphore, #tpu.memory_space<semaphore_mem>>)
          %dma_wait3A_68 = arith.constant 0 : i32
          %dma_wait3A_69 = tpu.memref_slice %arg8[%add3A_63, %dma_wait3A_68] : memref<10240x128xf32, #tpu.memory_space<vmem_shared>> -> memref<80x128xf32, #tpu.memory_space<vmem_shared>>
          %dma_wait3A_70 = arith.constant 0 : i32
          %dma_wait3A_71 = tpu.memref_slice %arg8[%add3A_63, %dma_wait3A_70] : memref<10240x128xf32, #tpu.memory_space<vmem_shared>> -> memref<80x128xf32, #tpu.memory_space<vmem_shared>>
          tpu.wait_dma2 semaphore(%run_scoped3A : memref<!tpu.dma_semaphore, #tpu.memory_space<semaphore_mem>>) src(%dma_wait3A_71 : memref<80x128xf32, #tpu.memory_space<vmem_shared>>) dst(%arg12 : memref<80x128xf32, #tpu.memory_space<vmem>>)
          tpu.yield
        }) : () -> ()
        "tpu.region"() ({
          %run_scoped3A = tpu.sem_alloc : memref<!tpu.dma_semaphore, #tpu.memory_space<semaphore_mem>>
          %dma_start3A_64 = arith.constant 0 : i32
          %dma_start3A_65 = tpu.memref_slice %arg7[%add3A_63, %dma_start3A_64] : memref<10240x128xf32, #tpu.memory_space<hbm>> -> memref<80x128xf32, #tpu.memory_space<hbm>>
          %dma_start3A_66 = arith.constant 0 : i32
          %dma_start3A_67 = tpu.memref_slice %arg7[%add3A_63, %dma_start3A_66] : memref<10240x128xf32, #tpu.memory_space<hbm>> -> memref<80x128xf32, #tpu.memory_space<hbm>>
          tpu.enqueue_dma source(%arg12 : memref<80x128xf32, #tpu.memory_space<vmem>>) target(%dma_start3A_67 : memref<80x128xf32, #tpu.memory_space<hbm>>) target_semaphore(%run_scoped3A : memref<!tpu.dma_semaphore, #tpu.memory_space<semaphore_mem>>)
          %dma_wait3A_68 = arith.constant 0 : i32
          %dma_wait3A_69 = tpu.memref_slice %arg7[%add3A_63, %dma_wait3A_68] : memref<10240x128xf32, #tpu.memory_space<hbm>> -> memref<80x128xf32, #tpu.memory_space<hbm>>
          %dma_wait3A_70 = arith.constant 0 : i32
          %dma_wait3A_71 = tpu.memref_slice %arg7[%add3A_63, %dma_wait3A_70] : memref<10240x128xf32, #tpu.memory_space<hbm>> -> memref<80x128xf32, #tpu.memory_space<hbm>>
          tpu.wait_dma2 semaphore(%run_scoped3A : memref<!tpu.dma_semaphore, #tpu.memory_space<semaphore_mem>>) src(%arg12 : memref<80x128xf32, #tpu.memory_space<vmem>>) dst(%dma_wait3A_71 : memref<80x128xf32, #tpu.memory_space<hbm>>)
          tpu.yield
        }) : () -> ()
      }
      %scan3A_59 = arith.constant 8 : i32
    } else {
    }
    return
  }
}

module attributes {stable_mosaic.version = 14 : i64} {
  func.func @_tc1_body(%arg0: i32, %arg1: memref<2048x128xf32, #tpu.memory_space<vmem>>, %arg2: memref<128x256xf32, #tpu.memory_space<vmem>>, %arg3: memref<32x2048xf32, #tpu.memory_space<vmem>>, %arg4: memref<2048x128xf32, #tpu.memory_space<vmem>>, %arg5: memref<2048x128xf32, #tpu.memory_space<vmem>>) attributes {dimension_semantics = [#tpu.dimension_semantics<arbitrary>], iteration_bounds = array<i64: 5>, scalar_prefetch = 0 : i64, scratch_operands = 0 : i64, tpu.core_type = #tpu.core_type<tc>, window_params = [{transform_indices = @transform_0, window_bounds = array<i64: 2048, 128>}, {pipeline_mode = #tpu.pipeline_mode<synchronous>, transform_indices = @transform_1, window_bounds = array<i64: 128, 256>}, {transform_indices = @transform_2, window_bounds = array<i64: 32, 2048>}, {transform_indices = @transform_3, window_bounds = array<i64: 2048, 128>}, {transform_indices = @transform_4, window_bounds = array<i64: 2048, 128>}]} {
    %get3A = arith.constant 0 : index
    %get3A_0 = arith.constant 0 : index
    %get3A_1 = vector.load %arg3[%get3A, %get3A_0] : memref<32x2048xf32, #tpu.memory_space<vmem>>, vector<32x2048xf32>
    %reduce_sum3A = arith.constant dense<0.000000e+00> : vector<2048xf32>
    %reduce_sum3A_2 = vector.multi_reduction <add>, %get3A_1, %reduce_sum3A [0] : vector<32x2048xf32> to vector<2048xf32>
    %add3A = arith.constant 1.000000e+00 : f32
    %add3A_3 = vector.broadcast %add3A : f32 to vector<2048xf32>
    %add3A_4 = arith.addf %reduce_sum3A_2, %add3A_3 : vector<2048xf32>
    %rsqrt3A = math.rsqrt %add3A_4 : vector<2048xf32>
    %get3A_5 = arith.constant 0 : index
    %get3A_6 = arith.constant 0 : index
    %get3A_7 = vector.load %arg1[%get3A_5, %get3A_6] : memref<2048x128xf32, #tpu.memory_space<vmem>>, vector<2048x128xf32>
    %get3A_8 = arith.constant 0 : index
    %get3A_9 = arith.constant 0 : index
    %get3A_10 = vector.load %arg2[%get3A_8, %get3A_9] : memref<128x256xf32, #tpu.memory_space<vmem>>, vector<128x256xf32>
    %dot_general3A = arith.constant dense<0.000000e+00> : vector<2048x256xf32>
    %dot_general3A_11 = tpu.matmul %get3A_7, %get3A_10, %dot_general3A {dimension_numbers = #tpu.dot_dimension_numbers<[1], [0], [0], [1], [0, 0, 1, 1], [], []>, transpose_lhs_hint = false} : vector<2048x128xf32>, vector<128x256xf32>, vector<2048x256xf32> -> vector<2048x256xf32>
    %broadcast_in_dim3A = vector.shape_cast %rsqrt3A : vector<2048xf32> to vector<2048x1xf32>
    %mul3A = vector.broadcast %broadcast_in_dim3A : vector<2048x1xf32> to vector<2048x256xf32>
    %mul3A_12 = arith.mulf %dot_general3A_11, %mul3A : vector<2048x256xf32>
    %slice3A = vector.extract_strided_slice %mul3A_12 {offsets = [0, 0], sizes = [2048, 128], strides = [1, 1]} : vector<2048x256xf32> to vector<2048x128xf32>
    %swap3A = arith.constant 0 : index
    %swap3A_13 = arith.constant 0 : index
    %swap3A_14 = vector.load %arg4[%swap3A, %swap3A_13] : memref<2048x128xf32, #tpu.memory_space<vmem>>, vector<2048x128xf32>
    tpu.vector_store %arg4[%swap3A, %swap3A_13], %slice3A {strides = array<i32>} : memref<2048x128xf32, #tpu.memory_space<vmem>>, vector<2048x128xf32>,
    %slice3A_15 = vector.extract_strided_slice %mul3A_12 {offsets = [0, 128], sizes = [2048, 128], strides = [1, 1]} : vector<2048x256xf32> to vector<2048x128xf32>
    %swap3A_16 = arith.constant 0 : index
    %swap3A_17 = arith.constant 0 : index
    %swap3A_18 = vector.load %arg5[%swap3A_16, %swap3A_17] : memref<2048x128xf32, #tpu.memory_space<vmem>>, vector<2048x128xf32>
    tpu.vector_store %arg5[%swap3A_16, %swap3A_17], %slice3A_15 {strides = array<i32>} : memref<2048x128xf32, #tpu.memory_space<vmem>>, vector<2048x128xf32>,
    return
  }
  func.func @transform_0(%arg0: i32) -> (i32, i32) {
    %c0_i32 = arith.constant 0 : i32
    %c0_i32_0 = arith.constant 0 : i32
    return %arg0, %c0_i32 : i32, i32
  }
  func.func @transform_1(%arg0: i32) -> (i32, i32) {
    %c0_i32 = arith.constant 0 : i32
    %c0_i32_0 = arith.constant 0 : i32
    %c0_i32_1 = arith.constant 0 : i32
    return %c0_i32, %c0_i32_0 : i32, i32
  }
  func.func @transform_2(%arg0: i32) -> (i32, i32) {
    %c0_i32 = arith.constant 0 : i32
    %c0_i32_0 = arith.constant 0 : i32
    return %c0_i32, %arg0 : i32, i32
  }
  func.func @transform_3(%arg0: i32) -> (i32, i32) {
    %c0_i32 = arith.constant 0 : i32
    %c0_i32_0 = arith.constant 0 : i32
    return %arg0, %c0_i32 : i32, i32
  }
  func.func @transform_4(%arg0: i32) -> (i32, i32) {
    %c0_i32 = arith.constant 0 : i32
    %c0_i32_0 = arith.constant 0 : i32
    return %arg0, %c0_i32 : i32, i32
  }
}

module attributes {stable_mosaic.version = 14 : i64} {
  func.func @_tc3_body(%arg0: i32, %arg1: memref<2048x128xf32, #tpu.memory_space<vmem>>, %arg2: memref<2048x128xf32, #tpu.memory_space<vmem>>, %arg3: memref<32x2048xf32, #tpu.memory_space<vmem>>, %arg4: memref<1x256xf32, #tpu.memory_space<vmem>>, %arg5: memref<256x256xf32, #tpu.memory_space<vmem>>, %arg6: memref<1x256xf32, #tpu.memory_space<vmem>>, %arg7: memref<2048x256xf32, #tpu.memory_space<vmem>>) attributes {dimension_semantics = [#tpu.dimension_semantics<arbitrary>], iteration_bounds = array<i64: 5>, scalar_prefetch = 0 : i64, scratch_operands = 0 : i64, tpu.core_type = #tpu.core_type<tc>, window_params = [{transform_indices = @transform_0, window_bounds = array<i64: 2048, 128>}, {transform_indices = @transform_1, window_bounds = array<i64: 2048, 128>}, {transform_indices = @transform_2, window_bounds = array<i64: 32, 2048>}, {pipeline_mode = #tpu.pipeline_mode<synchronous>, transform_indices = @transform_3, window_bounds = array<i64: 1, 256>}, {pipeline_mode = #tpu.pipeline_mode<synchronous>, transform_indices = @transform_4, window_bounds = array<i64: 256, 256>}, {pipeline_mode = #tpu.pipeline_mode<synchronous>, transform_indices = @transform_5, window_bounds = array<i64: 1, 256>}, {transform_indices = @transform_6, window_bounds = array<i64: 2048, 256>}]} {
    %get3A = arith.constant 0 : index
    %get3A_0 = arith.constant 0 : index
    %get3A_1 = vector.load %arg3[%get3A, %get3A_0] : memref<32x2048xf32, #tpu.memory_space<vmem>>, vector<32x2048xf32>
    %reduce_sum3A = arith.constant dense<0.000000e+00> : vector<2048xf32>
    %reduce_sum3A_2 = vector.multi_reduction <add>, %get3A_1, %reduce_sum3A [0] : vector<32x2048xf32> to vector<2048xf32>
    %add3A = arith.constant 1.000000e+00 : f32
    %add3A_3 = vector.broadcast %add3A : f32 to vector<2048xf32>
    %add3A_4 = arith.addf %reduce_sum3A_2, %add3A_3 : vector<2048xf32>
    %rsqrt3A = math.rsqrt %add3A_4 : vector<2048xf32>
    %get3A_5 = arith.constant 0 : index
    %get3A_6 = arith.constant 0 : index
    %get3A_7 = vector.load %arg4[%get3A_5, %get3A_6] : memref<1x256xf32, #tpu.memory_space<vmem>>, vector<1x256xf32>
    %get3A_8 = arith.constant 0 : index
    %get3A_9 = arith.constant 0 : index
    %get3A_10 = vector.load %arg1[%get3A_8, %get3A_9] : memref<2048x128xf32, #tpu.memory_space<vmem>>, vector<2048x128xf32>
    %broadcast_in_dim3A = vector.shape_cast %rsqrt3A : vector<2048xf32> to vector<2048x1xf32>
    %mul3A = vector.broadcast %broadcast_in_dim3A : vector<2048x1xf32> to vector<2048x128xf32>
    %mul3A_11 = arith.mulf %get3A_10, %mul3A : vector<2048x128xf32>
    %slice3A = vector.extract_strided_slice %get3A_7 {offsets = [0, 0], sizes = [1, 128], strides = [1, 1]} : vector<1x256xf32> to vector<1x128xf32>
    %add3A_12 = vector.broadcast %slice3A : vector<1x128xf32> to vector<2048x128xf32>
    %add3A_13 = arith.addf %mul3A_11, %add3A_12 : vector<2048x128xf32>
    %max3A = arith.constant 0.000000e+00 : f32
    %max3A_14 = vector.broadcast %max3A : f32 to vector<2048x128xf32>
    %max3A_15 = arith.maximumf %add3A_13, %max3A_14 : vector<2048x128xf32>
    %get3A_16 = arith.constant 0 : index
    %get3A_17 = arith.constant 0 : index
    %get3A_18 = vector.load %arg2[%get3A_16, %get3A_17] : memref<2048x128xf32, #tpu.memory_space<vmem>>, vector<2048x128xf32>
    %broadcast_in_dim3A_19 = vector.shape_cast %rsqrt3A : vector<2048xf32> to vector<2048x1xf32>
    %mul3A_20 = vector.broadcast %broadcast_in_dim3A_19 : vector<2048x1xf32> to vector<2048x128xf32>
    %mul3A_21 = arith.mulf %get3A_18, %mul3A_20 : vector<2048x128xf32>
    %slice3A_22 = vector.extract_strided_slice %get3A_7 {offsets = [0, 128], sizes = [1, 128], strides = [1, 1]} : vector<1x256xf32> to vector<1x128xf32>
    %add3A_23 = vector.broadcast %slice3A_22 : vector<1x128xf32> to vector<2048x128xf32>
    %add3A_24 = arith.addf %mul3A_21, %add3A_23 : vector<2048x128xf32>
    %max3A_25 = arith.constant 0.000000e+00 : f32
    %max3A_26 = vector.broadcast %max3A_25 : f32 to vector<2048x128xf32>
    %max3A_27 = arith.maximumf %add3A_24, %max3A_26 : vector<2048x128xf32>
    %get3A_28 = arith.constant 0 : index
    %get3A_29 = arith.constant 0 : index
    %get3A_30 = vector.load %arg5[%get3A_28, %get3A_29] : memref<256x256xf32, #tpu.memory_space<vmem>>, vector<256x256xf32>
    %slice3A_31 = vector.extract_strided_slice %get3A_30 {offsets = [0, 0], sizes = [128, 256], strides = [1, 1]} : vector<256x256xf32> to vector<128x256xf32>
    %dot_general3A = arith.constant dense<0.000000e+00> : vector<2048x256xf32>
    %dot_general3A_32 = tpu.matmul %max3A_15, %slice3A_31, %dot_general3A {dimension_numbers = #tpu.dot_dimension_numbers<[1], [0], [0], [1], [0, 0, 1, 1], [], []>, transpose_lhs_hint = false} : vector<2048x128xf32>, vector<128x256xf32>, vector<2048x256xf32> -> vector<2048x256xf32>
    %slice3A_33 = vector.extract_strided_slice %get3A_30 {offsets = [128, 0], sizes = [128, 256], strides = [1, 1]} : vector<256x256xf32> to vector<128x256xf32>
    %dot_general3A_34 = arith.constant dense<0.000000e+00> : vector<2048x256xf32>
    %dot_general3A_35 = tpu.matmul %max3A_27, %slice3A_33, %dot_general3A_34 {dimension_numbers = #tpu.dot_dimension_numbers<[1], [0], [0], [1], [0, 0, 1, 1], [], []>, transpose_lhs_hint = false} : vector<2048x128xf32>, vector<128x256xf32>, vector<2048x256xf32> -> vector<2048x256xf32>
    %add3A_36 = arith.addf %dot_general3A_32, %dot_general3A_35 : vector<2048x256xf32>
    %get3A_37 = arith.constant 0 : index
    %get3A_38 = arith.constant 0 : index
    %get3A_39 = vector.load %arg6[%get3A_37, %get3A_38] : memref<1x256xf32, #tpu.memory_space<vmem>>, vector<1x256xf32>
    %add3A_40 = vector.broadcast %get3A_39 : vector<1x256xf32> to vector<2048x256xf32>
    %add3A_41 = arith.addf %add3A_36, %add3A_40 : vector<2048x256xf32>
    %swap3A = arith.constant 0 : index
    %swap3A_42 = arith.constant 0 : index
    %swap3A_43 = vector.load %arg7[%swap3A, %swap3A_42] : memref<2048x256xf32, #tpu.memory_space<vmem>>, vector<2048x256xf32>
    tpu.vector_store %arg7[%swap3A, %swap3A_42], %add3A_41 {strides = array<i32>} : memref<2048x256xf32, #tpu.memory_space<vmem>>, vector<2048x256xf32>,
    return
  }
  func.func @transform_0(%arg0: i32) -> (i32, i32) {
    %c0_i32 = arith.constant 0 : i32
    %c0_i32_0 = arith.constant 0 : i32
    return %arg0, %c0_i32 : i32, i32
  }
  func.func @transform_1(%arg0: i32) -> (i32, i32) {
    %c0_i32 = arith.constant 0 : i32
    %c0_i32_0 = arith.constant 0 : i32
    return %arg0, %c0_i32 : i32, i32
  }
  func.func @transform_2(%arg0: i32) -> (i32, i32) {
    %c0_i32 = arith.constant 0 : i32
    %c0_i32_0 = arith.constant 0 : i32
    return %c0_i32, %arg0 : i32, i32
  }
  func.func @transform_3(%arg0: i32) -> (i32, i32) {
    %c0_i32 = arith.constant 0 : i32
    %c0_i32_0 = arith.constant 0 : i32
    %c0_i32_1 = arith.constant 0 : i32
    return %c0_i32, %c0_i32_0 : i32, i32
  }
  func.func @transform_4(%arg0: i32) -> (i32, i32) {
    %c0_i32 = arith.constant 0 : i32
    %c0_i32_0 = arith.constant 0 : i32
    %c0_i32_1 = arith.constant 0 : i32
    return %c0_i32, %c0_i32_0 : i32, i32
  }
  func.func @transform_5(%arg0: i32) -> (i32, i32) {
    %c0_i32 = arith.constant 0 : i32
    %c0_i32_0 = arith.constant 0 : i32
    %c0_i32_1 = arith.constant 0 : i32
    return %c0_i32, %c0_i32_0 : i32, i32
  }
  func.func @transform_6(%arg0: i32) -> (i32, i32) {
    %c0_i32 = arith.constant 0 : i32
    %c0_i32_0 = arith.constant 0 : i32
    return %arg0, %c0_i32 : i32, i32
  }
}

module attributes {stable_mosaic.version = 14 : i64} {
  func.func @_tc2_body(%arg0: i32, %arg1: memref<2048x128xf32, #tpu.memory_space<vmem>>, %arg2: memref<2048x128xf32, #tpu.memory_space<vmem>>, %arg3: memref<32x2048xf32, #tpu.memory_space<vmem>>, %arg4: memref<1x256xf32, #tpu.memory_space<vmem>>, %arg5: memref<256x256xf32, #tpu.memory_space<vmem>>, %arg6: memref<2048x128xf32, #tpu.memory_space<vmem>>, %arg7: memref<2048x128xf32, #tpu.memory_space<vmem>>) attributes {dimension_semantics = [#tpu.dimension_semantics<arbitrary>], iteration_bounds = array<i64: 5>, scalar_prefetch = 0 : i64, scratch_operands = 0 : i64, tpu.core_type = #tpu.core_type<tc>, window_params = [{transform_indices = @transform_0, window_bounds = array<i64: 2048, 128>}, {transform_indices = @transform_1, window_bounds = array<i64: 2048, 128>}, {transform_indices = @transform_2, window_bounds = array<i64: 32, 2048>}, {pipeline_mode = #tpu.pipeline_mode<synchronous>, transform_indices = @transform_3, window_bounds = array<i64: 1, 256>}, {pipeline_mode = #tpu.pipeline_mode<synchronous>, transform_indices = @transform_4, window_bounds = array<i64: 256, 256>}, {transform_indices = @transform_5, window_bounds = array<i64: 2048, 128>}, {transform_indices = @transform_6, window_bounds = array<i64: 2048, 128>}]} {
    %get3A = arith.constant 0 : index
    %get3A_0 = arith.constant 0 : index
    %get3A_1 = vector.load %arg3[%get3A, %get3A_0] : memref<32x2048xf32, #tpu.memory_space<vmem>>, vector<32x2048xf32>
    %reduce_sum3A = arith.constant dense<0.000000e+00> : vector<2048xf32>
    %reduce_sum3A_2 = vector.multi_reduction <add>, %get3A_1, %reduce_sum3A [0] : vector<32x2048xf32> to vector<2048xf32>
    %add3A = arith.constant 1.000000e+00 : f32
    %add3A_3 = vector.broadcast %add3A : f32 to vector<2048xf32>
    %add3A_4 = arith.addf %reduce_sum3A_2, %add3A_3 : vector<2048xf32>
    %rsqrt3A = math.rsqrt %add3A_4 : vector<2048xf32>
    %get3A_5 = arith.constant 0 : index
    %get3A_6 = arith.constant 0 : index
    %get3A_7 = vector.load %arg4[%get3A_5, %get3A_6] : memref<1x256xf32, #tpu.memory_space<vmem>>, vector<1x256xf32>
    %get3A_8 = arith.constant 0 : index
    %get3A_9 = arith.constant 0 : index
    %get3A_10 = vector.load %arg1[%get3A_8, %get3A_9] : memref<2048x128xf32, #tpu.memory_space<vmem>>, vector<2048x128xf32>
    %broadcast_in_dim3A = vector.shape_cast %rsqrt3A : vector<2048xf32> to vector<2048x1xf32>
    %mul3A = vector.broadcast %broadcast_in_dim3A : vector<2048x1xf32> to vector<2048x128xf32>
    %mul3A_11 = arith.mulf %get3A_10, %mul3A : vector<2048x128xf32>
    %slice3A = vector.extract_strided_slice %get3A_7 {offsets = [0, 0], sizes = [1, 128], strides = [1, 1]} : vector<1x256xf32> to vector<1x128xf32>
    %add3A_12 = vector.broadcast %slice3A : vector<1x128xf32> to vector<2048x128xf32>
    %add3A_13 = arith.addf %mul3A_11, %add3A_12 : vector<2048x128xf32>
    %max3A = arith.constant 0.000000e+00 : f32
    %max3A_14 = vector.broadcast %max3A : f32 to vector<2048x128xf32>
    %max3A_15 = arith.maximumf %add3A_13, %max3A_14 : vector<2048x128xf32>
    %get3A_16 = arith.constant 0 : index
    %get3A_17 = arith.constant 0 : index
    %get3A_18 = vector.load %arg2[%get3A_16, %get3A_17] : memref<2048x128xf32, #tpu.memory_space<vmem>>, vector<2048x128xf32>
    %broadcast_in_dim3A_19 = vector.shape_cast %rsqrt3A : vector<2048xf32> to vector<2048x1xf32>
    %mul3A_20 = vector.broadcast %broadcast_in_dim3A_19 : vector<2048x1xf32> to vector<2048x128xf32>
    %mul3A_21 = arith.mulf %get3A_18, %mul3A_20 : vector<2048x128xf32>
    %slice3A_22 = vector.extract_strided_slice %get3A_7 {offsets = [0, 128], sizes = [1, 128], strides = [1, 1]} : vector<1x256xf32> to vector<1x128xf32>
    %add3A_23 = vector.broadcast %slice3A_22 : vector<1x128xf32> to vector<2048x128xf32>
    %add3A_24 = arith.addf %mul3A_21, %add3A_23 : vector<2048x128xf32>
    %max3A_25 = arith.constant 0.000000e+00 : f32
    %max3A_26 = vector.broadcast %max3A_25 : f32 to vector<2048x128xf32>
    %max3A_27 = arith.maximumf %add3A_24, %max3A_26 : vector<2048x128xf32>
    %get3A_28 = arith.constant 0 : index
    %get3A_29 = arith.constant 0 : index
    %get3A_30 = vector.load %arg5[%get3A_28, %get3A_29] : memref<256x256xf32, #tpu.memory_space<vmem>>, vector<256x256xf32>
    %slice3A_31 = vector.extract_strided_slice %get3A_30 {offsets = [0, 0], sizes = [128, 256], strides = [1, 1]} : vector<256x256xf32> to vector<128x256xf32>
    %dot_general3A = arith.constant dense<0.000000e+00> : vector<2048x256xf32>
    %dot_general3A_32 = tpu.matmul %max3A_15, %slice3A_31, %dot_general3A {dimension_numbers = #tpu.dot_dimension_numbers<[1], [0], [0], [1], [0, 0, 1, 1], [], []>, transpose_lhs_hint = false} : vector<2048x128xf32>, vector<128x256xf32>, vector<2048x256xf32> -> vector<2048x256xf32>
    %slice3A_33 = vector.extract_strided_slice %get3A_30 {offsets = [128, 0], sizes = [128, 256], strides = [1, 1]} : vector<256x256xf32> to vector<128x256xf32>
    %dot_general3A_34 = arith.constant dense<0.000000e+00> : vector<2048x256xf32>
    %dot_general3A_35 = tpu.matmul %max3A_27, %slice3A_33, %dot_general3A_34 {dimension_numbers = #tpu.dot_dimension_numbers<[1], [0], [0], [1], [0, 0, 1, 1], [], []>, transpose_lhs_hint = false} : vector<2048x128xf32>, vector<128x256xf32>, vector<2048x256xf32> -> vector<2048x256xf32>
    %add3A_36 = arith.addf %dot_general3A_32, %dot_general3A_35 : vector<2048x256xf32>
    %broadcast_in_dim3A_37 = vector.shape_cast %rsqrt3A : vector<2048xf32> to vector<2048x1xf32>
    %mul3A_38 = vector.broadcast %broadcast_in_dim3A_37 : vector<2048x1xf32> to vector<2048x256xf32>
    %mul3A_39 = arith.mulf %add3A_36, %mul3A_38 : vector<2048x256xf32>
    %slice3A_40 = vector.extract_strided_slice %mul3A_39 {offsets = [0, 0], sizes = [2048, 128], strides = [1, 1]} : vector<2048x256xf32> to vector<2048x128xf32>
    %swap3A = arith.constant 0 : index
    %swap3A_41 = arith.constant 0 : index
    %swap3A_42 = vector.load %arg6[%swap3A, %swap3A_41] : memref<2048x128xf32, #tpu.memory_space<vmem>>, vector<2048x128xf32>
    tpu.vector_store %arg6[%swap3A, %swap3A_41], %slice3A_40 {strides = array<i32>} : memref<2048x128xf32, #tpu.memory_space<vmem>>, vector<2048x128xf32>,
    %slice3A_43 = vector.extract_strided_slice %mul3A_39 {offsets = [0, 128], sizes = [2048, 128], strides = [1, 1]} : vector<2048x256xf32> to vector<2048x128xf32>
    %swap3A_44 = arith.constant 0 : index
    %swap3A_45 = arith.constant 0 : index
    %swap3A_46 = vector.load %arg7[%swap3A_44, %swap3A_45] : memref<2048x128xf32, #tpu.memory_space<vmem>>, vector<2048x128xf32>
    tpu.vector_store %arg7[%swap3A_44, %swap3A_45], %slice3A_43 {strides = array<i32>} : memref<2048x128xf32, #tpu.memory_space<vmem>>, vector<2048x128xf32>,
    return
  }
  func.func @transform_0(%arg0: i32) -> (i32, i32) {
    %c0_i32 = arith.constant 0 : i32
    %c0_i32_0 = arith.constant 0 : i32
    return %arg0, %c0_i32 : i32, i32
  }
  func.func @transform_1(%arg0: i32) -> (i32, i32) {
    %c0_i32 = arith.constant 0 : i32
    %c0_i32_0 = arith.constant 0 : i32
    return %arg0, %c0_i32 : i32, i32
  }
  func.func @transform_2(%arg0: i32) -> (i32, i32) {
    %c0_i32 = arith.constant 0 : i32
    %c0_i32_0 = arith.constant 0 : i32
    return %c0_i32, %arg0 : i32, i32
  }
  func.func @transform_3(%arg0: i32) -> (i32, i32) {
    %c0_i32 = arith.constant 0 : i32
    %c0_i32_0 = arith.constant 0 : i32
    %c0_i32_1 = arith.constant 0 : i32
    return %c0_i32, %c0_i32_0 : i32, i32
  }
  func.func @transform_4(%arg0: i32) -> (i32, i32) {
    %c0_i32 = arith.constant 0 : i32
    %c0_i32_0 = arith.constant 0 : i32
    %c0_i32_1 = arith.constant 0 : i32
    return %c0_i32, %c0_i32_0 : i32, i32
  }
  func.func @transform_5(%arg0: i32) -> (i32, i32) {
    %c0_i32 = arith.constant 0 : i32
    %c0_i32_0 = arith.constant 0 : i32
    return %arg0, %c0_i32 : i32, i32
  }
  func.func @transform_6(%arg0: i32) -> (i32, i32) {
    %c0_i32 = arith.constant 0 : i32
    %c0_i32_0 = arith.constant 0 : i32
    return %arg0, %c0_i32 : i32, i32
  }
}

</mosaic_0001>

<sc_bundles>
// kernel: kernel.11.cloned.1.call-start
scs
__scs_entry_jumppad:
0x0: {  	(pc) =	sbr.rel $0x88, $3  }
0x1: {  	(tag) =	ssettag $0x0;
	lr =	simm.s32 $0x1  }
0x2: {  	[smem:$0x3F99] =	sst lr;
	_ =	strace $0xD0000000  }
0x3: {  	_ = 	snop  }
0x4: {  	_ = 	snop  }
0x5: {  	_ = 	snop  }
0x6: {  	_ = 	snop  }
0x7: {  	_ = 	snop  }
__scs_overlays_trampoline_lowered:
0x8: {  	[smem:$0x3FA8] =	sst s0  }
0x9: {  	[smem:$0x3FA9] =	sst s1  }
0xa: {  	[smem:$0x3FAA] =	sst s2  }
0xb: {  	[smem:$0x3FAB] =	sst s3  }
0xc: {  	[smem:$0x3FAC] =	sst s4  }
0xd: {  	[smem:$0x3FAD] =	sst s5  }
0xe: {  	[smem:$0x3FAE] =	sst s6  }
0xf: {  	[smem:$0x3FAF] =	sst s7  }
0x10: {  	[smem:$0x3FB0] =	sst s8  }
0x11: {  	[smem:$0x3FB1] =	sst s9;
	s0 =	simm.s32 @!p0 $0x0  }
0x12: {  	s1 =	sld [smem:$0x3F97];
	s0 =	simm.s32 @p0 $0x1  }
0x13: {  	[smem:$0x3FB2] =	sst s0;
	s0 =	simm.s32 @!p1 $0x0  }
0x14: {  	s2 =	sld [smem:$0x3F96];
	s0 =	simm.s32 @p1 $0x1  }
0x15: {  	[smem:$0x3FB3] =	sst s0;
	s0 =	simm.s32 @!p2 $0x0  }
0x16: {  	s3 =	sld [smem:$0x3FDB];
	s0 =	simm.s32 @p2 $0x1  }
0x17: {  	s4 =	simm.s32 $0x1BF5;
	[smem:$0x3FB5] =	sst s0  }
0x18: {  	s0 =	sld [smem:$0x3F98];
	_ =	swait.ge [sflag:s4], $0x0  }
0x19: {  	s7 =	sld [smem:$0x3F99]  }
0x1a: {  	s8 =	sadd.s32 $0xFFFFE003, lr  }
0x1b: {  	s9 =	sadd.s32 $0xFFFFFEF7, lr;
	s5 =	simm.s32 $0xFFFFFFFF;
	p2 =	slt.u32 s8, $0xFFFFF086  }
0x1c: {  	p1 =	slt.u32 s9, $0xF7A;
	s5 =	simm.s32 @!p2 $0x0  }
0x1d: {  	s5 =	simm.s32 @p1 $0x1;
	p0 =	seq.s32 s7, s2  }
0x1e: {  	s7 =	smul.u32 @!p0 $0xF7A, s2;
	p2 =	seq.s32 @!p0 s5, $0x0  }
0x1f: {  	s9 =	smul.u32 $0xF7A, s1;
	s8 =	simm.s32 @!p0 $0x1BF5;
	p2 =	por !p2, p0  }
0x20: {  	[sflag:s8] =	ssyncset.s32 @!p0 $0xFFFFF086;
	s6 =	sadd.s32 @!p0 s3, s7;
	s7 =	simm.s32 @!p0 $0x108  }
0x21: {  	s3 =	sadd.s32 s3, s9;
	s6 =	sadd.s32 @!p0 $0x88, s6;
	s7 =	simm.s32 @p2 $0x1082  }
0x22: {  	[simem:s7], [sflag:s8] =	dma.local @!p0 [hbm:s6], $0xF7A  }
0x23: {  	s9 =	sor.u32 $0xD0000000, s2;
	s6 =	simm.s32 $0x108;
	_ =	swait.ge @!p0 [sflag:s8], $0x0  }
0x24: {  	s3 =	sadd.s32 $0x88, s3;
	s6 =	simm.s32 @!p1 $0x1082;
	[sflag:s4] =	ssyncset.s32 $0xFFFFF086  }
0x25: {  	[simem:s6], [sflag:s4] =	dma.local [hbm:s3], $0xF7A  }
0x26: {  	[smem:$0x3F99] =	sst s1;
	(tag) =	ssettag s2;
	_ =	strace s9  }
0x27: {  	s1 =	sld [smem:$0x3FA9]  }
0x28: {  	s2 =	sld [smem:$0x3FAA]  }
0x29: {  	s4 =	sld [smem:$0x3FAC]  }
0x2a: {  	p0 =	seq.s32 s5, $0x0;
	s5 =	sld [smem:$0x3FAD]  }
0x2b: {  	s6 =	sld [smem:$0x3FAE]  }
0x2c: {  	s7 =	sld [smem:$0x3FAF]  }
0x2d: {  	s3 =	simm.s32 $0x108;
	s8 =	sld [smem:$0x3FB0]  }
0x2e: {  	s3 =	simm.s32 @!p0 $0x1082;
	s9 =	sld [smem:$0x3FB1]  }
0x2f: {  	lr =	sadd.s32 s0, s3;
	s0 =	sld [smem:$0x3FA8]  }
0x30: {  	s3 =	sld [smem:$0x3FAB]  }
0x31: {  	[smem:$0x3FB4] =	sst s10  }
0x32: {  	s10 =	sld [smem:$0x3FB2];
	_ =	sdelay $0x3  }
0x33: {  	p0 =	seq.s32 s10, $0x1;
	s10 =	sld [smem:$0x3FB4];
	_ =	sdelay $0x3  }
0x34: {  	[smem:$0x3FB4] =	sst s10  }
0x35: {  	s10 =	sld [smem:$0x3FB3];
	_ =	sdelay $0x3  }
0x36: {  	p1 =	seq.s32 s10, $0x1;
	s10 =	sld [smem:$0x3FB4];
	_ =	sdelay $0x3  }
0x37: {  	[smem:$0x3FB4] =	sst s10  }
0x38: {  	s10 =	sld [smem:$0x3FB5]  }
0x39: {  	_ = 	snop;
	(pc) =	sbr.ind lr, $3  }
0x3a: {  	_ = 	snop  }
0x3b: {  	_ = 	snop  }
0x3c: {  	p2 =	seq.s32 s10, $0x1;
	s10 =	sld [smem:$0x3FB4]  }
0x3d: {  	_ =	shalt  }
0x3e: {  	_ =	shalt  }
0x3f: {  	_ =	shalt  }
0x40: {  	_ =	shalt  }
0x41: {  	_ =	shalt  }
0x42: {  	_ =	shalt  }
0x43: {  	_ =	shalt  }
0x44: {  	_ =	shalt  }
0x45: {  	_ =	shalt  }
0x46: {  	_ =	shalt  }
0x47: {  	_ =	shalt  }
0x48: {  	_ =	shalt  }
0x49: {  	_ =	shalt  }
0x4a: {  	_ =	shalt  }
0x4b: {  	_ =	shalt  }
0x4c: {  	_ =	shalt  }
0x4d: {  	_ =	shalt  }
0x4e: {  	_ =	shalt  }
0x4f: {  	_ =	shalt  }
0x50: {  	_ =	shalt  }
0x51: {  	_ =	shalt  }
0x52: {  	_ =	shalt  }
0x53: {  	_ =	shalt  }
0x54: {  	_ =	shalt  }
0x55: {  	_ =	shalt  }
0x56: {  	_ =	shalt  }
0x57: {  	_ =	shalt  }
0x58: {  	_ =	shalt  }
0x59: {  	_ =	shalt  }
0x5a: {  	_ =	shalt  }
0x5b: {  	_ =	shalt  }
0x5c: {  	_ =	shalt  }
0x5d: {  	_ =	shalt  }
0x5e: {  	_ =	shalt  }
0x5f: {  	_ =	shalt  }
0x60: {  	_ =	shalt  }
0x61: {  	_ =	shalt  }
0x62: {  	_ =	shalt  }
0x63: {  	_ =	shalt  }
0x64: {  	_ =	shalt  }
0x65: {  	_ =	shalt  }
0x66: {  	_ =	shalt  }
0x67: {  	_ =	shalt  }
0x68: {  	_ =	shalt  }
0x69: {  	_ =	shalt  }
0x6a: {  	_ =	shalt  }
0x6b: {  	_ =	shalt  }
0x6c: {  	_ =	shalt  }
0x6d: {  	_ =	shalt  }
0x6e: {  	_ =	shalt  }
0x6f: {  	_ =	shalt  }
0x70: {  	_ =	shalt  }
0x71: {  	_ =	shalt  }
0x72: {  	_ =	shalt  }
0x73: {  	_ =	shalt  }
0x74: {  	_ =	shalt  }
0x75: {  	_ =	shalt  }
0x76: {  	_ =	shalt  }
0x77: {  	_ =	shalt  }
0x78: {  	_ =	shalt  }
0x79: {  	_ =	shalt  }
0x7a: {  	_ =	shalt  }
0x7b: {  	_ =	shalt  }
0x7c: {  	_ =	shalt  }
0x7d: {  	_ =	shalt  }
0x7e: {  	_ =	shalt  }
0x7f: {  	_ =	shalt  }
0x80: {  	_ =	shalt  }
0x81: {  	_ =	shalt  }
0x82: {  	_ =	shalt  }
0x83: {  	_ =	shalt  }
0x84: {  	_ =	shalt  }
0x85: {  	_ =	shalt  }
0x86: {  	_ =	shalt  }
0x87: {  	_ =	shalt  }
.Lfunc_end0:
.L_simem_size_0:
called_computation.1_lowered:
.L_overlay_start_0:
0x88: {  	s2 =	sld [smem:$0x3FD9]  }
0x89: {  	s3 =	sld [smem:$0x3FFE];
	_ =	sdelay $0x1  }
0x8a: {  	s1 =	srdreg.scid  }
0x8b: {  	s0 =	sand.u32 $0x1, s1  }
0x8c: {  	s17 =	sshll.u32 s0, $0xA;
	s2 =	sadd.s32 s3, s2  }
0x8d: {  	s2 =	sadd.s32 s2, s17  }
0x8e: {  	[smem:$0x3FC0] =	sst s2  }
0x8f: {  	_ = 	snop  }
0x90: {  	s2 =	sld [smem:$0x3FD0];
	(tm) =	ssettm $0x1  }
0x91: {  	s18 =	sld [smem:$0x3FFB];
	_ =	sdelay $0x3  }
0x92: {  	_ =	strace s18  }
0x93: {  	s3 =	sld [smem:$0x3FFC];
	_ =	sdelay $0x3  }
0x94: {  	_ =	strace s3  }
0x95: {  	s3 =	sld [smem:$0x3FFD];
	_ =	sdelay $0x3  }
0x96: {  	_ =	strace s3  }
0x97: {  	_ =	strace $0x8FFFFFFF  }
0x98: {  	s19 =	sld [smem:$0x3FDB];
	_ =	sdelay $0x1  }
0x99: {  	s4 =	simm.s32 $_scs_section_size  }
0x9a: {  	s5 =	simm.s32 $_size__tile_overlayer_lowered;
	s6 =	simm.s32 $_tile_overlayer_lowered  }
0x9b: {  	s22 =	simm.s32 $0x1BFF;
	s21 =	sshll.u32 s6, $0x1;
	s3 =	sadd.s32 s4, s19  }
0x9c: {  	s7 =	simm.s32 $0x0;
	s20 =	sshll.u32 s5, $0x1;
	s5 =	sadd.s32 s21, s3  }
0x9d: {  	[timem:s7], [sflag:s22] =	dma.local [hbm:s5], s20  }
0x9e: {  	_ =	swait.ge [sflag:s22], s20  }
0x9f: {  	s4 =	ssub.s32 $0x0, s20;
	[sflag:s22] =	ssyncset.done $0x0  }
0xa0: {  	[sflag:s22] =	ssyncadd.s32 s4;
	_ =	sdelay $0x1  }
0xa1: {  	s23 =	simm.s32 $0x1B8B  }
0xa2: {  	_ =	swait.ge [sflag:s23], $0x1  }
0xa3: {  	[sflag:s23] =	ssyncset.done $0x0  }
0xa4: {  	s25 =	simm.s32 $0x1B8E;
	s24 =	sld [smem:$0x3FFE];
	[sflag:s23] =	ssyncadd.s32 $0xFFFFFFFF  }
0xa5: {  	s26 =	simm.s32 $execute0_lowered;
	[smem:$0x3FD2] =	sst s25  }
0xa6: {  	s5 =	sshll.u32 s26, $0x1;
	_ =	strace $0x80000049;
	[dreg:$0x1] =	wrdreg $0xFFFFFFFF  }
0xa7: {  	s28 =	simm.s32 $_size_execute0_lowered;
	s3 =	sadd.s32 s3, s5;
	[dreg:$0x0] =	wrdreg $0x0  }
0xa8: {  	s5 =	sshll.u32 s28, $0x1;
	[dreg:$0x2] =	wrdreg s3  }
0xa9: {  	[dreg:$0x3] =	wrdreg s5  }
0xaa: {  	[dreg:$0x4] =	wrdreg $0xC0  }
0xab: {  	_ =	task [dreg:s7], $0x5FFFF  }
0xac: {  	[dreg:$0x1] =	wrdreg $0xFFFFFFFF  }
0xad: {  	[dreg:$0x0] =	wrdreg $0x60  }
0xae: {  	[dreg:$0x2] =	wrdreg s2  }
0xaf: {  	[dreg:$0x3] =	wrdreg s24  }
0xb0: {  	[dreg:$0x4] =	wrdreg $0x0  }
0xb1: {  	[dreg:$0x5] =	wrdreg $0x9  }
0xb2: {  	_ =	task.clear_ibuf [dreg:s7], $0x6FFFF;
	_ =	strace $0x90000049  }
0xb3: {  	s29 =	simm.s32 $0x9;
	_ =	strace $0x8000004B  }
0xb4: {  	_ =	swait.ge [sflag:s29], $0x1  }
0xb5: {  	[sflag:s29] =	ssyncadd.s32 $0xFFFFFFFF  }
0xb6: {  	_ =	strace $0x9000004B  }
0xb7: {  	_ =	sfence  }
0xb8: {  	s30 =	sld [smem:$0x0];
	_ =	sdelay $0x2  }
0xb9: {  	s31 =	sshll.u32 s1, $0xD;
	s1 =	sshrl.u32 s1, $0x2  }
0xba: {  	s3 =	sand.u32 $0x4000, s31;
	s1 =	sadd.s32 s1, s30  }
0xbb: {  	s0 =	sor.u32 s3, s0;
	s1 =	sshll.u32 s1, $0x11  }
0xbc: {  	s0 =	sor.u32 s1, s0  }
0xbd: {  	s0 =	sadd.s32 $0x8F2B, s0  }
0xbe: {  	[sflag:s0] =	ssyncadd.remote.s32 $0x1  }
0xbf: {  	_ =	sfence.sel $0xFFFF  }
0xc0: {  	[dreg:$0x0] =	wrdreg $0xFFFFFFFF;
	(pc) =	sbr.abs _section_cstart, $3  }
0xc1: {  	[dreg:$0x1] =	wrdreg $0xFFFFFFFF  }
0xc2: {  	_ =	task.clear_ibuf [dreg:s7], $0x2FFFF;
	_ =	strace $0x9FFFFFFF  }
0xc3: {  	(tm) =	ssettm $0x7FFFFFFF  }
tec
execute0_lowered:
.L_overlay_start_1:
0x0: {  	(tag) =	ssettag $0x1  }
0x1: {  	s2 =	rddreg [dreg:$0x0]  }
0x2: {  	s0 =	rddreg [dreg:$0x1]  }
0x3: {  	s3 =	rddreg [dreg:$0x2];
	s12 =	stileid.u32  }
0x4: {  	s4 =	simm.s32 $0x0;
	s6 =	srdreg.scid;
	s31 =	simm.s32 $0x18E80  }
0x5: {  	s29 =	simm.s32 $0x2;
	s1 =	smul.u32 $0x4E20, s12;
	[smem:$0x7FF] =	sst s4  }
0x6: {  	s5 =	sadd.s32 $0x17200, s0;
	s6 =	sand.u32 $0x1, s6;
	s10 =	smul.u32 $0x50000, s12  }
0x7: {  	s8 =	sadd.s32 $0xD400, s0;
	s9 =	sadd.s32 $0x3F200, s0;
	s30 =	smul.u32 $0x280, s12  }
0x8: {  	s24 =	smul.u32 $0x9C4, s12;
	_ =	strace $0x8000004A;
	[dreg:$0x4] =	wrdreg s9  }
0x9: {  	s25 =	ssub.s32 $0x2, s6;
	p0 =	seq.s32 s6, $0x1;
	s1 =	sshrl.u32 s1, $0x3  }
0xa: {  	s26 =	sshrl.u32 s25, $0x1;
	s15 =	sshrl.u32 s10, $0x2;
	s16 =	sor.u32 $0x50, s30  }
0xb: {  	s17 =	sadd.s32 $0xA0, s30;
	s19 =	sadd.s32 $0xF0, s30;
	s21 =	sadd.s32 $0x140, s30  }
0xc: {  	s22 =	sadd.s32 $0x190, s30;
	s7 =	sadd.s32 s1, s0;
	s0 =	sadd.s32 $0x67200, s0  }
0xd: {  	s11 =	sadd.s32 s15, s3;
	s10 =	sshll.u32 s16, $0x4;
	s18 =	sshll.u32 s17, $0x7  }
0xe: {  	s20 =	sshll.u32 s19, $0x7;
	s23 =	sshll.u32 s22, $0x7;
	[dreg:$0x5] =	wrdreg s0  }
0xf: {  	s0 =	ssub.s32 s25, s26;
	s14 =	sadd.s32 $0x3600, s7;
	[dreg:$0x9] =	wrdreg s10  }
0x10: {  	s7 =	sadd.s32 s8, s1;
	s15 =	sadd.s32 s18, s3;
	[dreg:$0x6] =	wrdreg s14  }
0x11: {  	s18 =	sshll.u32 s21, $0x4;
	s9 =	sadd.s32 s2, s10;
	[dreg:$0x7] =	wrdreg s7  }
0x12: {  	s25 =	sadd.s32 $0x1E0, s30;
	s26 =	sadd.s32 $0x230, s30;
	[dreg:$0x11] =	wrdreg s9  }
0x13: {  	s0 =	smax.u32 s0, $0x1;
	s14 =	sshll.u32 s17, $0x4;
	[dreg:$0xc] =	wrdreg s18  }
0x14: {  	s17 =	sadd.s32 s20, s3;
	s6 =	sadd.s32 $0xA, s7;
	[dreg:$0x8] =	wrdreg s0  }
0x15: {  	s20 =	sshll.u32 s22, $0x4;
	s22 =	sadd.s32 s24, s8;
	[dreg:$0xf] =	wrdreg s6  }
0x16: {  	s8 =	sshll.u32 s25, $0x4;
	s24 =	smul.u32 $0x2800, s12;
	[dreg:$0xa] =	wrdreg s14  }
0x17: {  	s30 =	sshll.u32 s26, $0x7;
	s26 =	sshll.u32 s26, $0x4;
	[dreg:$0xd] =	wrdreg s20  }
0x18: {  	s0 =	sshll.u32 s16, $0x7;
	s12 =	sadd.s32 s2, s14;
	[dreg:$0xe] =	wrdreg s8  }
0x19: {  	s28 =	sadd.s32 s30, s3;
	s30 =	sadd.s32 s2, s18;
	[dreg:$0x12] =	wrdreg s12  }
0x1a: {  	s16 =	sshll.u32 s19, $0x4;
	s1 =	sadd.s32 s2, s20;
	[dreg:$0x14] =	wrdreg s30  }
0x1b: {  	s6 =	sadd.s32 s2, s8;
	s14 =	sadd.s32 s5, s14;
	[dreg:$0x15] =	wrdreg s1  }
0x1c: {  	s18 =	sadd.s32 s5, s18;
	s20 =	sadd.s32 s5, s20;
	[dreg:$0x16] =	wrdreg s6  }
0x1d: {  	s13 =	sadd.s32 s0, s3;
	s0 =	sshll.u32 s21, $0x7;
	[dreg:$0x1a] =	wrdreg s14  }
0x1e: {  	s21 =	sadd.s32 s23, s3;
	s7 =	sadd.s32 s2, s24;
	[dreg:$0xb] =	wrdreg s16  }
0x1f: {  	s23 =	sadd.s32 s2, s16;
	s9 =	sadd.s32 s5, s24;
	[dreg:$0x1c] =	wrdreg s18  }
0x20: {  	s12 =	sadd.s32 s5, s10;
	s16 =	sadd.s32 s5, s16;
	[dreg:$0x1d] =	wrdreg s20  }
0x21: {  	s30 =	sadd.s32 s5, s26;
	s6 =	simm.s32 $0x18F80;
	[dreg:$0x10] =	wrdreg s7  }
0x22: {  	s1 =	simm.s32 $0x18F00;
	s10 =	simm.s32 $0x1;
	[dreg:$0x13] =	wrdreg s23  }
0x23: {  	s14 =	simm.s32 $0x0;
	s19 =	sadd.s32 s0, s3;
	[dreg:$0x18] =	wrdreg s9  }
.Ltmp0:
0x24: {  	s0 =	sshll.u32 s25, $0x7;
	[dreg:$0x19] =	wrdreg s12;
	(pc) =	sbr.rel .LBB2_1-.Ltmp0, $4  }
0x25: {  	s7 =	sadd.s32 s2, s26;
	[dreg:$0x1b] =	wrdreg s16;
	s23 =	sadd.s32 s5, s8  }
0x26: {  	[dreg:$0x1f] =	wrdreg s30;
	s8 =	simm.s32 $0x1B780;
	s9 =	simm.s32 $0x3  }
0x27: {  	s12 =	simm.s32 $0x4;
	s25 =	sadd.s32 s0, s3;
	[dreg:$0x17] =	wrdreg s7  }
0x28: {  	[dreg:$0x1e] =	wrdreg s23;
	s7 =	simm.s32 $0x5;
	s0 =	simm.s32 $0x50  }
.LBB2_7:
0x29: {  	[tilespmem:s8], [sflag:$0x2] =	stream.indirect.gather [hbm4b:s5+s0], $0x80, s16, s0, $0xb8;
	[tilespmem:$0x1DF80] =	vst v63  }
0x2a: {  	s16 =	rddreg [dreg:$0x5]  }
.LBB2_8:
0x2b: {  	_ =	swait.ge [sflag:s10], $0x2800  }
0x2c: {  	[sflag:s10] =	ssyncset.done $0x0  }
0x2d: {  	[sflag:s10] =	ssyncadd.s32 $0xFFFFD800  }
0x2e: {  	_ =	swait.ge [sflag:s9], $0x50  }
0x2f: {  	[sflag:s9] =	ssyncset.done $0x0  }
0x30: {  	[sflag:s9] =	ssyncadd.s32 $0xFFFFFFB0  }
0x31: {  	[spmem:s3] =	stream.indirect.scatter.add.f32 [tilespmem:s6], [sflag:$0x5], $0x80, s31, s0, $0xb8;
	[tilespmem:$0x1DF80] =	vst v63  }
0x32: {  	_ =	swait.ge [sflag:s7], $0x2800  }
0x33: {  	[sflag:s7] =	ssyncset.done $0x0  }
0x34: {  	[sflag:s7] =	ssyncadd.s32 $0xFFFFD800  }
0x35: {  	_ =	swait.ge [sflag:s29], $0x2800  }
0x36: {  	[sflag:s29] =	ssyncset.done $0x0  }
0x37: {  	[sflag:s29] =	ssyncadd.s32 $0xFFFFD800  }
0x38: {  	_ =	swait.ge [sflag:s12], $0x50  }
0x39: {  	[sflag:s12] =	ssyncset.done $0x0  }
0x3a: {  	[sflag:s12] =	ssyncadd.s32 $0xFFFFFFB0  }
0x3b: {  	[spmem:s3] =	stream.indirect.scatter.add.f32 [tilespmem:s8], [sflag:$0x5], $0x80, s1, s0, $0xb8;
	[tilespmem:$0x1DF80] =	vst v63  }
0x3c: {  	_ =	swait.ge [sflag:s7], $0x2800  }
0x3d: {  	[sflag:s7] =	ssyncset.done $0x0  }
0x3e: {  	[sflag:s7] =	ssyncadd.s32 $0xFFFFD800  }
0x3f: {  	[bflag:$0x0] =	sbarrier.arrive $0xFFFF  }
0x40: {  	[tilespmem:s6], [sflag:$0x5] =	stream.linear.gather [spmem:s11], $0x2800, $0x38;
	[tilespmem:$0x1DF80] =	vst v63  }
0x41: {  	_ =	swait.ge [sflag:s7], $0x2800  }
0x42: {  	[sflag:s7] =	ssyncset.done $0x0  }
0x43: {  	s18 =	sadd.s32 s16, s24;
	[sflag:s7] =	ssyncadd.s32 $0xFFFFD800  }
0x44: {  	[hbm4b:s18+s4] =	stream.linear.scatter [tilespmem:s6], [sflag:$0x5], $0x2800, $0x38;
	[tilespmem:$0x1DF80] =	vst v63  }
0x45: {  	_ =	swait.ge [sflag:s7], $0x2800  }
0x46: {  	[sflag:s7] =	ssyncset.done $0x0  }
0x47: {  	[sflag:s7] =	ssyncadd.s32 $0xFFFFD800  }
0x48: {  	[tilespmem:s6], [sflag:$0x5] =	stream.linear.gather [spmem:s13], $0x2800, $0x38;
	[tilespmem:$0x1DF80] =	vst v63  }
0x49: {  	_ =	swait.ge [sflag:s7], $0x2800  }
0x4a: {  	[sflag:s7] =	ssyncset.done $0x0;
	s23 =	rddreg [dreg:$0x9]  }
0x4b: {  	s18 =	sadd.s32 s16, s23;
	[sflag:s7] =	ssyncadd.s32 $0xFFFFD800  }
0x4c: {  	[hbm4b:s18+s4] =	stream.linear.scatter [tilespmem:s6], [sflag:$0x5], $0x2800, $0x38;
	[tilespmem:$0x1DF80] =	vst v63  }
0x4d: {  	_ =	swait.ge [sflag:s7], $0x2800  }
0x4e: {  	[sflag:s7] =	ssyncset.done $0x0  }
0x4f: {  	[sflag:s7] =	ssyncadd.s32 $0xFFFFD800  }
0x50: {  	[tilespmem:s6], [sflag:$0x5] =	stream.linear.gather [spmem:s15], $0x2800, $0x38;
	[tilespmem:$0x1DF80] =	vst v63  }
0x51: {  	_ =	swait.ge [sflag:s7], $0x2800  }
0x52: {  	[sflag:s7] =	ssyncset.done $0x0;
	s30 =	rddreg [dreg:$0xa]  }
0x53: {  	s18 =	sadd.s32 s16, s30;
	[sflag:s7] =	ssyncadd.s32 $0xFFFFD800  }
0x54: {  	[hbm4b:s18+s4] =	stream.linear.scatter [tilespmem:s6], [sflag:$0x5], $0x2800, $0x38;
	[tilespmem:$0x1DF80] =	vst v63  }
0x55: {  	_ =	swait.ge [sflag:s7], $0x2800  }
0x56: {  	[sflag:s7] =	ssyncset.done $0x0  }
0x57: {  	[sflag:s7] =	ssyncadd.s32 $0xFFFFD800  }
0x58: {  	[tilespmem:s6], [sflag:$0x5] =	stream.linear.gather [spmem:s17], $0x2800, $0x38;
	[tilespmem:$0x1DF80] =	vst v63  }
0x59: {  	_ =	swait.ge [sflag:s7], $0x2800  }
0x5a: {  	[sflag:s7] =	ssyncset.done $0x0;
	s20 =	rddreg [dreg:$0xb]  }
0x5b: {  	s18 =	sadd.s32 s16, s20;
	[sflag:s7] =	ssyncadd.s32 $0xFFFFD800  }
0x5c: {  	[hbm4b:s18+s4] =	stream.linear.scatter [tilespmem:s6], [sflag:$0x5], $0x2800, $0x38;
	[tilespmem:$0x1DF80] =	vst v63  }
0x5d: {  	_ =	swait.ge [sflag:s7], $0x2800  }
0x5e: {  	[sflag:s7] =	ssyncset.done $0x0  }
0x5f: {  	[sflag:s7] =	ssyncadd.s32 $0xFFFFD800  }
0x60: {  	[tilespmem:s6], [sflag:$0x5] =	stream.linear.gather [spmem:s19], $0x2800, $0x38;
	[tilespmem:$0x1DF80] =	vst v63  }
0x61: {  	_ =	swait.ge [sflag:s7], $0x2800  }
0x62: {  	[sflag:s7] =	ssyncset.done $0x0;
	s23 =	rddreg [dreg:$0xc]  }
0x63: {  	s18 =	sadd.s32 s16, s23;
	[sflag:s7] =	ssyncadd.s32 $0xFFFFD800  }
0x64: {  	[hbm4b:s18+s4] =	stream.linear.scatter [tilespmem:s6], [sflag:$0x5], $0x2800, $0x38;
	[tilespmem:$0x1DF80] =	vst v63  }
0x65: {  	_ =	swait.ge [sflag:s7], $0x2800  }
0x66: {  	[sflag:s7] =	ssyncset.done $0x0  }
0x67: {  	[sflag:s7] =	ssyncadd.s32 $0xFFFFD800  }
0x68: {  	[tilespmem:s6], [sflag:$0x5] =	stream.linear.gather [spmem:s21], $0x2800, $0x38;
	[tilespmem:$0x1DF80] =	vst v63  }
0x69: {  	_ =	swait.ge [sflag:s7], $0x2800  }
0x6a: {  	[sflag:s7] =	ssyncset.done $0x0;
	s30 =	rddreg [dreg:$0xd]  }
0x6b: {  	s18 =	sadd.s32 s16, s30;
	[sflag:s7] =	ssyncadd.s32 $0xFFFFD800  }
0x6c: {  	[hbm4b:s18+s4] =	stream.linear.scatter [tilespmem:s6], [sflag:$0x5], $0x2800, $0x38;
	[tilespmem:$0x1DF80] =	vst v63  }
0x6d: {  	_ =	swait.ge [sflag:s7], $0x2800  }
0x6e: {  	[sflag:s7] =	ssyncset.done $0x0  }
0x6f: {  	[sflag:s7] =	ssyncadd.s32 $0xFFFFD800  }
0x70: {  	[tilespmem:s6], [sflag:$0x5] =	stream.linear.gather [spmem:s25], $0x2800, $0x38;
	[tilespmem:$0x1DF80] =	vst v63  }
0x71: {  	_ =	swait.ge [sflag:s7], $0x2800  }
0x72: {  	[sflag:s7] =	ssyncset.done $0x0;
	s20 =	rddreg [dreg:$0xe]  }
0x73: {  	s18 =	sadd.s32 s16, s20;
	[sflag:s7] =	ssyncadd.s32 $0xFFFFD800  }
0x74: {  	[hbm4b:s18+s4] =	stream.linear.scatter [tilespmem:s6], [sflag:$0x5], $0x2800, $0x38;
	[tilespmem:$0x1DF80] =	vst v63  }
0x75: {  	_ =	swait.ge [sflag:s7], $0x2800  }
0x76: {  	[sflag:s7] =	ssyncset.done $0x0  }
0x77: {  	[sflag:s7] =	ssyncadd.s32 $0xFFFFD800  }
0x78: {  	[tilespmem:s6], [sflag:$0x5] =	stream.linear.gather [spmem:s28], $0x2800, $0x38;
	[tilespmem:$0x1DF80] =	vst v63  }
0x79: {  	_ =	swait.ge [sflag:s7], $0x2800  }
0x7a: {  	[sflag:s7] =	ssyncset.done $0x0  }
0x7b: {  	s23 =	sadd.s32 s16, s26;
	[sflag:s7] =	ssyncadd.s32 $0xFFFFD800  }
0x7c: {  	[hbm4b:s23+s4] =	stream.linear.scatter [tilespmem:s6], [sflag:$0x5], $0x2800, $0x38;
	[tilespmem:$0x1DF80] =	vst v63  }
0x7d: {  	_ =	swait.ge [sflag:s7], $0x2800  }
0x7e: {  	s14 =	sadd.s32 $0x1, s14;
	s30 =	rddreg [dreg:$0x8]  }
0x7f: {  	p1 =	sne.s32 s14, s30  }
.Ltmp1:
0x80: {  	_ = 	snop;
	(pc) =	sbr.rel @!p1 .LBB2_9-.Ltmp1, $3  }
0x81: {  	_ =	sdelay $0x1  }
0x82: {  	[sflag:s7] =	ssyncset.done $0x0  }
0x83: {  	[sflag:s7] =	ssyncadd.s32 $0xFFFFD800  }
.LBB2_1:
.Ltmp2:
0x84: {  	(pc) =	sbr.rel @!p0 .LBB2_2-.Ltmp2, $1  }
0x85: {  	_ =	sdelay $0x3  }
0x86: {  	s16 =	rddreg [dreg:$0x18]  }
0x87: {  	[tilespmem:s6], [sflag:$0x5] =	stream.linear.gather [hbm4b:s16+s4], $0x2800, $0x38;
	[tilespmem:$0x1DF80] =	vst v63  }
0x88: {  	_ =	swait.ge [sflag:s7], $0x2800  }
0x89: {  	[sflag:s7] =	ssyncset.done $0x0  }
0x8a: {  	[sflag:s7] =	ssyncadd.s32 $0xFFFFD800  }
0x8b: {  	[spmem:s11] =	stream.linear.scatter [tilespmem:s6], [sflag:$0x5], $0x2800, $0x38;
	[tilespmem:$0x1DF80] =	vst v63  }
0x8c: {  	_ =	swait.ge [sflag:s7], $0x2800  }
0x8d: {  	[sflag:s7] =	ssyncset.done $0x0  }
0x8e: {  	s18 =	rddreg [dreg:$0x19];
	[sflag:s7] =	ssyncadd.s32 $0xFFFFD800  }
0x8f: {  	[tilespmem:s6], [sflag:$0x5] =	stream.linear.gather [hbm4b:s18+s4], $0x2800, $0x38;
	[tilespmem:$0x1DF80] =	vst v63  }
0x90: {  	_ =	swait.ge [sflag:s7], $0x2800  }
0x91: {  	[sflag:s7] =	ssyncset.done $0x0  }
0x92: {  	[sflag:s7] =	ssyncadd.s32 $0xFFFFD800  }
0x93: {  	[spmem:s13] =	stream.linear.scatter [tilespmem:s6], [sflag:$0x5], $0x2800, $0x38;
	[tilespmem:$0x1DF80] =	vst v63  }
0x94: {  	_ =	swait.ge [sflag:s7], $0x2800  }
0x95: {  	[sflag:s7] =	ssyncset.done $0x0  }
0x96: {  	s20 =	rddreg [dreg:$0x1a];
	[sflag:s7] =	ssyncadd.s32 $0xFFFFD800  }
0x97: {  	[tilespmem:s6], [sflag:$0x5] =	stream.linear.gather [hbm4b:s20+s4], $0x2800, $0x38;
	[tilespmem:$0x1DF80] =	vst v63  }
0x98: {  	_ =	swait.ge [sflag:s7], $0x2800  }
0x99: {  	[sflag:s7] =	ssyncset.done $0x0  }
0x9a: {  	[sflag:s7] =	ssyncadd.s32 $0xFFFFD800  }
0x9b: {  	[spmem:s15] =	stream.linear.scatter [tilespmem:s6], [sflag:$0x5], $0x2800, $0x38;
	[tilespmem:$0x1DF80] =	vst v63  }
0x9c: {  	_ =	swait.ge [sflag:s7], $0x2800  }
0x9d: {  	[sflag:s7] =	ssyncset.done $0x0  }
0x9e: {  	s23 =	rddreg [dreg:$0x1b];
	[sflag:s7] =	ssyncadd.s32 $0xFFFFD800  }
0x9f: {  	[tilespmem:s6], [sflag:$0x5] =	stream.linear.gather [hbm4b:s23+s4], $0x2800, $0x38;
	[tilespmem:$0x1DF80] =	vst v63  }
0xa0: {  	_ =	swait.ge [sflag:s7], $0x2800  }
0xa1: {  	[sflag:s7] =	ssyncset.done $0x0  }
0xa2: {  	[sflag:s7] =	ssyncadd.s32 $0xFFFFD800  }
0xa3: {  	[spmem:s17] =	stream.linear.scatter [tilespmem:s6], [sflag:$0x5], $0x2800, $0x38;
	[tilespmem:$0x1DF80] =	vst v63  }
0xa4: {  	_ =	swait.ge [sflag:s7], $0x2800  }
0xa5: {  	[sflag:s7] =	ssyncset.done $0x0  }
0xa6: {  	s18 =	rddreg [dreg:$0x1c];
	[sflag:s7] =	ssyncadd.s32 $0xFFFFD800  }
0xa7: {  	[tilespmem:s6], [sflag:$0x5] =	stream.linear.gather [hbm4b:s18+s4], $0x2800, $0x38;
	[tilespmem:$0x1DF80] =	vst v63  }
0xa8: {  	_ =	swait.ge [sflag:s7], $0x2800  }
0xa9: {  	[sflag:s7] =	ssyncset.done $0x0  }
0xaa: {  	[sflag:s7] =	ssyncadd.s32 $0xFFFFD800  }
0xab: {  	[spmem:s19] =	stream.linear.scatter [tilespmem:s6], [sflag:$0x5], $0x2800, $0x38;
	[tilespmem:$0x1DF80] =	vst v63  }
0xac: {  	_ =	swait.ge [sflag:s7], $0x2800  }
0xad: {  	[sflag:s7] =	ssyncset.done $0x0  }
0xae: {  	s20 =	rddreg [dreg:$0x1d];
	[sflag:s7] =	ssyncadd.s32 $0xFFFFD800  }
0xaf: {  	[tilespmem:s6], [sflag:$0x5] =	stream.linear.gather [hbm4b:s20+s4], $0x2800, $0x38;
	[tilespmem:$0x1DF80] =	vst v63  }
0xb0: {  	_ =	swait.ge [sflag:s7], $0x2800  }
0xb1: {  	[sflag:s7] =	ssyncset.done $0x0  }
0xb2: {  	[sflag:s7] =	ssyncadd.s32 $0xFFFFD800  }
0xb3: {  	[spmem:s21] =	stream.linear.scatter [tilespmem:s6], [sflag:$0x5], $0x2800, $0x38;
	[tilespmem:$0x1DF80] =	vst v63  }
0xb4: {  	_ =	swait.ge [sflag:s7], $0x2800  }
0xb5: {  	[sflag:s7] =	ssyncset.done $0x0  }
0xb6: {  	s23 =	rddreg [dreg:$0x1e];
	[sflag:s7] =	ssyncadd.s32 $0xFFFFD800  }
0xb7: {  	[tilespmem:s6], [sflag:$0x5] =	stream.linear.gather [hbm4b:s23+s4], $0x2800, $0x38;
	[tilespmem:$0x1DF80] =	vst v63  }
0xb8: {  	_ =	swait.ge [sflag:s7], $0x2800  }
0xb9: {  	[sflag:s7] =	ssyncset.done $0x0  }
0xba: {  	[sflag:s7] =	ssyncadd.s32 $0xFFFFD800  }
0xbb: {  	[spmem:s25] =	stream.linear.scatter [tilespmem:s6], [sflag:$0x5], $0x2800, $0x38;
	[tilespmem:$0x1DF80] =	vst v63  }
0xbc: {  	_ =	swait.ge [sflag:s7], $0x2800  }
0xbd: {  	[sflag:s7] =	ssyncset.done $0x0  }
0xbe: {  	s18 =	rddreg [dreg:$0x1f];
	[sflag:s7] =	ssyncadd.s32 $0xFFFFD800  }
0xbf: {  	[tilespmem:s6], [sflag:$0x5] =	stream.linear.gather [hbm4b:s18+s4], $0x2800, $0x38;
	[tilespmem:$0x1DF80] =	vst v63  }
0xc0: {  	_ =	swait.ge [sflag:s7], $0x2800  }
0xc1: {  	[sflag:s7] =	ssyncset.done $0x0  }
0xc2: {  	[sflag:s7] =	ssyncadd.s32 $0xFFFFD800  }
0xc3: {  	[spmem:s28] =	stream.linear.scatter [tilespmem:s6], [sflag:$0x5], $0x2800, $0x38;
	[tilespmem:$0x1DF80] =	vst v63  }
0xc4: {  	_ =	swait.ge [sflag:s7], $0x2800  }
0xc5: {  	[sflag:s7] =	ssyncset.done $0x0  }
0xc6: {  	[sflag:s7] =	ssyncadd.s32 $0xFFFFD800  }
0xc7: {  	[bflag:$0x0] =	sbarrier.arrive $0xFFFF  }
0xc8: {  	s18 =	simm.s32 $0x14000;
	s20 =	rddreg [dreg:$0x6]  }
0xc9: {  	[tilespmem:s18], [sflag:$0x5] =	stream.linear.gather [hbm4b:s20+s4], $0x4E20, $0x38;
	[tilespmem:$0x1DF80] =	vst v63  }
0xca: {  	_ =	swait.ge [sflag:s7], $0x4E20  }
0xcb: {  	[sflag:s7] =	ssyncset.done $0x0  }
0xcc: {  	s23 =	rddreg [dreg:$0x7];
	[sflag:s7] =	ssyncadd.s32 $0xFFFFB1E0  }
0xcd: {  	[tilespmem:s31], [sflag:$0x3] =	stream.linear.gather [hbm4b:s23+s4], $0x50, $0x38;
	[tilespmem:$0x1DF80] =	vst v63  }
0xce: {  	_ = 	snop  }
0xcf: {  	[tilespmem:s6], [sflag:$0x1] =	stream.indirect.gather [hbm4b:s5+s0], $0x80, s18, s0, $0xb8;
	[tilespmem:$0x1DF80] =	vst v63  }
0xd0: {  	s18 =	rddreg [dreg:$0xf]  }
0xd1: {  	[tilespmem:s1], [sflag:$0x4] =	stream.linear.gather [hbm4b:s18+s4], $0x50, $0x38;
	[tilespmem:$0x1DF80] =	vst v63  }
0xd2: {  	s20 =	simm.s32 $0x14050  }
0xd3: {  	[tilespmem:s8], [sflag:$0x2] =	stream.indirect.gather [hbm4b:s5+s0], $0x80, s20, s0, $0xb8;
	[tilespmem:$0x1DF80] =	vst v63  }
0xd4: {  	_ =	swait.ge [sflag:s10], $0x2800  }
0xd5: {  	[sflag:s10] =	ssyncset.done $0x0  }
0xd6: {  	[sflag:s10] =	ssyncadd.s32 $0xFFFFD800  }
0xd7: {  	_ =	swait.ge [sflag:s9], $0x50  }
0xd8: {  	[sflag:s9] =	ssyncset.done $0x0  }
0xd9: {  	[sflag:s9] =	ssyncadd.s32 $0xFFFFFFB0  }
0xda: {  	[spmem:s3] =	stream.indirect.scatter.add.f32 [tilespmem:s6], [sflag:$0x5], $0x80, s31, s0, $0xb8;
	[tilespmem:$0x1DF80] =	vst v63  }
0xdb: {  	_ =	swait.ge [sflag:s7], $0x2800  }
0xdc: {  	s18 =	sadd.s32 $0xFFFFF650, s22;
	[sflag:s7] =	ssyncset.done $0x0  }
0xdd: {  	s20 =	sadd.s32 $0x9C4, s18;
	[sflag:s7] =	ssyncadd.s32 $0xFFFFD800  }
0xde: {  	[tilespmem:s31], [sflag:$0x3] =	stream.linear.gather [hbm4b:s20+s4], $0x50, $0x38;
	[tilespmem:$0x1DF80] =	vst v63  }
0xdf: {  	s23 =	simm.s32 $0x140A0  }
0xe0: {  	[tilespmem:s6], [sflag:$0x1] =	stream.indirect.gather [hbm4b:s5+s0], $0x80, s23, s0, $0xb8;
	[tilespmem:$0x1DF80] =	vst v63  }
0xe1: {  	_ =	swait.ge [sflag:s29], $0x2800  }
0xe2: {  	[sflag:s29] =	ssyncset.done $0x0  }
0xe3: {  	[sflag:s29] =	ssyncadd.s32 $0xFFFFD800  }
0xe4: {  	_ =	swait.ge [sflag:s12], $0x50  }
0xe5: {  	[sflag:s12] =	ssyncset.done $0x0  }
0xe6: {  	[sflag:s12] =	ssyncadd.s32 $0xFFFFFFB0  }
0xe7: {  	[spmem:s3] =	stream.indirect.scatter.add.f32 [tilespmem:s8], [sflag:$0x5], $0x80, s1, s0, $0xb8;
	[tilespmem:$0x1DF80] =	vst v63  }
0xe8: {  	_ =	swait.ge [sflag:s7], $0x2800  }
0xe9: {  	[sflag:s7] =	ssyncset.done $0x0  }
0xea: {  	s18 =	sadd.s32 $0x9CE, s18;
	[sflag:s7] =	ssyncadd.s32 $0xFFFFD800  }
0xeb: {  	[tilespmem:s1], [sflag:$0x4] =	stream.linear.gather [hbm4b:s18+s4], $0x50, $0x38;
	[tilespmem:$0x1DF80] =	vst v63  }
0xec: {  	s30 =	simm.s32 $0x14190;
	s16 =	simm.s32 $0x140F0;
	s18 =	simm.s32 $0xFFFFF664  }
.LBB2_6:
0xed: {  	[tilespmem:s8], [sflag:$0x2] =	stream.indirect.gather [hbm4b:s5+s0], $0x80, s16, s0, $0xb8;
	[tilespmem:$0x1DF80] =	vst v63  }
0xee: {  	s20 =	smov.u32 s18;
	s16 =	smov.u32 s30  }
0xef: {  	p1 =	sne.s32 s18, $0xFFFFFFEC;
	s18 =	sadd.s32 $0x14, s18;
	_ =	swait.ge [sflag:s10], $0x2800  }
0xf0: {  	[sflag:s10] =	ssyncset.done $0x0  }
0xf1: {  	[sflag:s10] =	ssyncadd.s32 $0xFFFFD800  }
0xf2: {  	_ =	swait.ge [sflag:s9], $0x50  }
0xf3: {  	[sflag:s9] =	ssyncset.done $0x0  }
0xf4: {  	[sflag:s9] =	ssyncadd.s32 $0xFFFFFFB0  }
0xf5: {  	[spmem:s3] =	stream.indirect.scatter.add.f32 [tilespmem:s6], [sflag:$0x5], $0x80, s31, s0, $0xb8;
	[tilespmem:$0x1DF80] =	vst v63  }
0xf6: {  	_ =	swait.ge [sflag:s7], $0x2800  }
0xf7: {  	s20 =	sadd.s32 s20, s22;
	[sflag:s7] =	ssyncset.done $0x0  }
0xf8: {  	s23 =	sadd.s32 $0x9C4, s20;
	[sflag:s7] =	ssyncadd.s32 $0xFFFFD800  }
0xf9: {  	[tilespmem:s31], [sflag:$0x3] =	stream.linear.gather [hbm4b:s23+s4], $0x50, $0x38;
	[tilespmem:$0x1DF80] =	vst v63  }
0xfa: {  	s23 =	sadd.s32 $0xFFFFFFB0, s30  }
0xfb: {  	[tilespmem:s6], [sflag:$0x1] =	stream.indirect.gather [hbm4b:s5+s0], $0x80, s23, s0, $0xb8;
	[tilespmem:$0x1DF80] =	vst v63  }
0xfc: {  	_ =	swait.ge [sflag:s29], $0x2800  }
0xfd: {  	[sflag:s29] =	ssyncset.done $0x0  }
0xfe: {  	[sflag:s29] =	ssyncadd.s32 $0xFFFFD800  }
0xff: {  	_ =	swait.ge [sflag:s12], $0x50  }
0x100: {  	[sflag:s12] =	ssyncset.done $0x0  }
0x101: {  	[sflag:s12] =	ssyncadd.s32 $0xFFFFFFB0  }
0x102: {  	[spmem:s3] =	stream.indirect.scatter.add.f32 [tilespmem:s8], [sflag:$0x5], $0x80, s1, s0, $0xb8;
	[tilespmem:$0x1DF80] =	vst v63  }
.Ltmp3:
0x103: {  	_ =	swait.ge [sflag:s7], $0x2800;
	(pc) =	sbr.rel @p1 .LBB2_6-.Ltmp3, $4  }
0x104: {  	[sflag:s7] =	ssyncset.done $0x0  }
0x105: {  	s20 =	sadd.s32 $0x9CE, s20;
	[sflag:s7] =	ssyncadd.s32 $0xFFFFD800  }
0x106: {  	[tilespmem:s1], [sflag:$0x4] =	stream.linear.gather [hbm4b:s20+s4], $0x50, $0x38;
	[tilespmem:$0x1DF80] =	vst v63  }
0x107: {  	s30 =	sadd.s32 $0xA0, s30  }
.Ltmp4:
0x108: {  	_ = 	snop;
	(pc) =	sbr.rel .LBB2_7-.Ltmp4, $1  }
0x109: {  	_ =	sdelay $0x3  }
.LBB2_2:
0x10a: {  	s16 =	rddreg [dreg:$0x10]  }
0x10b: {  	[tilespmem:s6], [sflag:$0x5] =	stream.linear.gather [hbm4b:s16+s4], $0x2800, $0x38;
	[tilespmem:$0x1DF80] =	vst v63  }
0x10c: {  	_ =	swait.ge [sflag:s7], $0x2800  }
0x10d: {  	[sflag:s7] =	ssyncset.done $0x0  }
0x10e: {  	[sflag:s7] =	ssyncadd.s32 $0xFFFFD800  }
0x10f: {  	[spmem:s11] =	stream.linear.scatter [tilespmem:s6], [sflag:$0x5], $0x2800, $0x38;
	[tilespmem:$0x1DF80] =	vst v63  }
0x110: {  	_ =	swait.ge [sflag:s7], $0x2800  }
0x111: {  	[sflag:s7] =	ssyncset.done $0x0  }
0x112: {  	s18 =	rddreg [dreg:$0x11];
	[sflag:s7] =	ssyncadd.s32 $0xFFFFD800  }
0x113: {  	[tilespmem:s6], [sflag:$0x5] =	stream.linear.gather [hbm4b:s18+s4], $0x2800, $0x38;
	[tilespmem:$0x1DF80] =	vst v63  }
0x114: {  	_ =	swait.ge [sflag:s7], $0x2800  }
0x115: {  	[sflag:s7] =	ssyncset.done $0x0  }
0x116: {  	[sflag:s7] =	ssyncadd.s32 $0xFFFFD800  }
0x117: {  	[spmem:s13] =	stream.linear.scatter [tilespmem:s6], [sflag:$0x5], $0x2800, $0x38;
	[tilespmem:$0x1DF80] =	vst v63  }
0x118: {  	_ =	swait.ge [sflag:s7], $0x2800  }
0x119: {  	[sflag:s7] =	ssyncset.done $0x0  }
0x11a: {  	s20 =	rddreg [dreg:$0x12];
	[sflag:s7] =	ssyncadd.s32 $0xFFFFD800  }
0x11b: {  	[tilespmem:s6], [sflag:$0x5] =	stream.linear.gather [hbm4b:s20+s4], $0x2800, $0x38;
	[tilespmem:$0x1DF80] =	vst v63  }
0x11c: {  	_ =	swait.ge [sflag:s7], $0x2800  }
0x11d: {  	[sflag:s7] =	ssyncset.done $0x0  }
0x11e: {  	[sflag:s7] =	ssyncadd.s32 $0xFFFFD800  }
0x11f: {  	[spmem:s15] =	stream.linear.scatter [tilespmem:s6], [sflag:$0x5], $0x2800, $0x38;
	[tilespmem:$0x1DF80] =	vst v63  }
0x120: {  	_ =	swait.ge [sflag:s7], $0x2800  }
0x121: {  	[sflag:s7] =	ssyncset.done $0x0  }
0x122: {  	s23 =	rddreg [dreg:$0x13];
	[sflag:s7] =	ssyncadd.s32 $0xFFFFD800  }
0x123: {  	[tilespmem:s6], [sflag:$0x5] =	stream.linear.gather [hbm4b:s23+s4], $0x2800, $0x38;
	[tilespmem:$0x1DF80] =	vst v63  }
0x124: {  	_ =	swait.ge [sflag:s7], $0x2800  }
0x125: {  	[sflag:s7] =	ssyncset.done $0x0  }
0x126: {  	[sflag:s7] =	ssyncadd.s32 $0xFFFFD800  }
0x127: {  	[spmem:s17] =	stream.linear.scatter [tilespmem:s6], [sflag:$0x5], $0x2800, $0x38;
	[tilespmem:$0x1DF80] =	vst v63  }
0x128: {  	_ =	swait.ge [sflag:s7], $0x2800  }
0x129: {  	[sflag:s7] =	ssyncset.done $0x0  }
0x12a: {  	s18 =	rddreg [dreg:$0x14];
	[sflag:s7] =	ssyncadd.s32 $0xFFFFD800  }
0x12b: {  	[tilespmem:s6], [sflag:$0x5] =	stream.linear.gather [hbm4b:s18+s4], $0x2800, $0x38;
	[tilespmem:$0x1DF80] =	vst v63  }
0x12c: {  	_ =	swait.ge [sflag:s7], $0x2800  }
0x12d: {  	[sflag:s7] =	ssyncset.done $0x0  }
0x12e: {  	[sflag:s7] =	ssyncadd.s32 $0xFFFFD800  }
0x12f: {  	[spmem:s19] =	stream.linear.scatter [tilespmem:s6], [sflag:$0x5], $0x2800, $0x38;
	[tilespmem:$0x1DF80] =	vst v63  }
0x130: {  	_ =	swait.ge [sflag:s7], $0x2800  }
0x131: {  	[sflag:s7] =	ssyncset.done $0x0  }
0x132: {  	s20 =	rddreg [dreg:$0x15];
	[sflag:s7] =	ssyncadd.s32 $0xFFFFD800  }
0x133: {  	[tilespmem:s6], [sflag:$0x5] =	stream.linear.gather [hbm4b:s20+s4], $0x2800, $0x38;
	[tilespmem:$0x1DF80] =	vst v63  }
0x134: {  	_ =	swait.ge [sflag:s7], $0x2800  }
0x135: {  	[sflag:s7] =	ssyncset.done $0x0  }
0x136: {  	[sflag:s7] =	ssyncadd.s32 $0xFFFFD800  }
0x137: {  	[spmem:s21] =	stream.linear.scatter [tilespmem:s6], [sflag:$0x5], $0x2800, $0x38;
	[tilespmem:$0x1DF80] =	vst v63  }
0x138: {  	_ =	swait.ge [sflag:s7], $0x2800  }
0x139: {  	[sflag:s7] =	ssyncset.done $0x0  }
0x13a: {  	s23 =	rddreg [dreg:$0x16];
	[sflag:s7] =	ssyncadd.s32 $0xFFFFD800  }
0x13b: {  	[tilespmem:s6], [sflag:$0x5] =	stream.linear.gather [hbm4b:s23+s4], $0x2800, $0x38;
	[tilespmem:$0x1DF80] =	vst v63  }
0x13c: {  	_ =	swait.ge [sflag:s7], $0x2800  }
0x13d: {  	[sflag:s7] =	ssyncset.done $0x0  }
0x13e: {  	[sflag:s7] =	ssyncadd.s32 $0xFFFFD800  }
0x13f: {  	[spmem:s25] =	stream.linear.scatter [tilespmem:s6], [sflag:$0x5], $0x2800, $0x38;
	[tilespmem:$0x1DF80] =	vst v63  }
0x140: {  	_ =	swait.ge [sflag:s7], $0x2800  }
0x141: {  	[sflag:s7] =	ssyncset.done $0x0  }
0x142: {  	s18 =	rddreg [dreg:$0x17];
	[sflag:s7] =	ssyncadd.s32 $0xFFFFD800  }
0x143: {  	[tilespmem:s6], [sflag:$0x5] =	stream.linear.gather [hbm4b:s18+s4], $0x2800, $0x38;
	[tilespmem:$0x1DF80] =	vst v63  }
0x144: {  	_ =	swait.ge [sflag:s7], $0x2800  }
0x145: {  	[sflag:s7] =	ssyncset.done $0x0  }
0x146: {  	[sflag:s7] =	ssyncadd.s32 $0xFFFFD800  }
0x147: {  	[spmem:s28] =	stream.linear.scatter [tilespmem:s6], [sflag:$0x5], $0x2800, $0x38;
	[tilespmem:$0x1DF80] =	vst v63  }
0x148: {  	_ =	swait.ge [sflag:s7], $0x2800  }
0x149: {  	[sflag:s7] =	ssyncset.done $0x0  }
0x14a: {  	[sflag:s7] =	ssyncadd.s32 $0xFFFFD800  }
0x14b: {  	[bflag:$0x0] =	sbarrier.arrive $0xFFFF  }
0x14c: {  	s18 =	simm.s32 $0x14000;
	s20 =	rddreg [dreg:$0x6]  }
0x14d: {  	[tilespmem:s18], [sflag:$0x5] =	stream.linear.gather [hbm4b:s20+s4], $0x4E20, $0x38;
	[tilespmem:$0x1DF80] =	vst v63  }
0x14e: {  	_ =	swait.ge [sflag:s7], $0x4E20  }
0x14f: {  	[sflag:s7] =	ssyncset.done $0x0  }
0x150: {  	s23 =	rddreg [dreg:$0x7];
	[sflag:s7] =	ssyncadd.s32 $0xFFFFB1E0  }
0x151: {  	[tilespmem:s31], [sflag:$0x3] =	stream.linear.gather [hbm4b:s23+s4], $0x50, $0x38;
	[tilespmem:$0x1DF80] =	vst v63  }
0x152: {  	_ = 	snop  }
0x153: {  	[tilespmem:s6], [sflag:$0x1] =	stream.indirect.gather [hbm4b:s2+s0], $0x80, s18, s0, $0xb8;
	[tilespmem:$0x1DF80] =	vst v63  }
0x154: {  	s18 =	rddreg [dreg:$0xf]  }
0x155: {  	[tilespmem:s1], [sflag:$0x4] =	stream.linear.gather [hbm4b:s18+s4], $0x50, $0x38;
	[tilespmem:$0x1DF80] =	vst v63  }
0x156: {  	s20 =	simm.s32 $0x14050  }
0x157: {  	[tilespmem:s8], [sflag:$0x2] =	stream.indirect.gather [hbm4b:s2+s0], $0x80, s20, s0, $0xb8;
	[tilespmem:$0x1DF80] =	vst v63  }
0x158: {  	_ =	swait.ge [sflag:s10], $0x2800  }
0x159: {  	[sflag:s10] =	ssyncset.done $0x0  }
0x15a: {  	[sflag:s10] =	ssyncadd.s32 $0xFFFFD800  }
0x15b: {  	_ =	swait.ge [sflag:s9], $0x50  }
0x15c: {  	[sflag:s9] =	ssyncset.done $0x0  }
0x15d: {  	[sflag:s9] =	ssyncadd.s32 $0xFFFFFFB0  }
0x15e: {  	[spmem:s3] =	stream.indirect.scatter.add.f32 [tilespmem:s6], [sflag:$0x5], $0x80, s31, s0, $0xb8;
	[tilespmem:$0x1DF80] =	vst v63  }
0x15f: {  	_ =	swait.ge [sflag:s7], $0x2800  }
0x160: {  	s23 =	sadd.s32 $0xFFFFF650, s22;
	[sflag:s7] =	ssyncset.done $0x0  }
0x161: {  	s30 =	sadd.s32 $0x9C4, s23;
	[sflag:s7] =	ssyncadd.s32 $0xFFFFD800  }
0x162: {  	[tilespmem:s31], [sflag:$0x3] =	stream.linear.gather [hbm4b:s30+s4], $0x50, $0x38;
	[tilespmem:$0x1DF80] =	vst v63  }
0x163: {  	s30 =	simm.s32 $0x140A0  }
0x164: {  	[tilespmem:s6], [sflag:$0x1] =	stream.indirect.gather [hbm4b:s2+s0], $0x80, s30, s0, $0xb8;
	[tilespmem:$0x1DF80] =	vst v63  }
0x165: {  	_ =	swait.ge [sflag:s29], $0x2800  }
0x166: {  	[sflag:s29] =	ssyncset.done $0x0  }
0x167: {  	[sflag:s29] =	ssyncadd.s32 $0xFFFFD800  }
0x168: {  	_ =	swait.ge [sflag:s12], $0x50  }
0x169: {  	[sflag:s12] =	ssyncset.done $0x0  }
0x16a: {  	[sflag:s12] =	ssyncadd.s32 $0xFFFFFFB0  }
0x16b: {  	[spmem:s3] =	stream.indirect.scatter.add.f32 [tilespmem:s8], [sflag:$0x5], $0x80, s1, s0, $0xb8;
	[tilespmem:$0x1DF80] =	vst v63  }
0x16c: {  	_ =	swait.ge [sflag:s7], $0x2800  }
0x16d: {  	[sflag:s7] =	ssyncset.done $0x0  }
0x16e: {  	s18 =	sadd.s32 $0x9CE, s23;
	[sflag:s7] =	ssyncadd.s32 $0xFFFFD800  }
0x16f: {  	[tilespmem:s1], [sflag:$0x4] =	stream.linear.gather [hbm4b:s18+s4], $0x50, $0x38;
	[tilespmem:$0x1DF80] =	vst v63  }
0x170: {  	s16 =	simm.s32 $0x140F0;
	s30 =	simm.s32 $0x14190;
	s18 =	simm.s32 $0xFFFFF664  }
.LBB2_3:
0x171: {  	[tilespmem:s8], [sflag:$0x2] =	stream.indirect.gather [hbm4b:s2+s0], $0x80, s16, s0, $0xb8;
	[tilespmem:$0x1DF80] =	vst v63  }
0x172: {  	s20 =	smov.u32 s18;
	s16 =	smov.u32 s30  }
0x173: {  	p1 =	seq.s32 s18, $0xFFFFFFEC;
	s18 =	sadd.s32 $0x14, s18;
	_ =	swait.ge [sflag:s10], $0x2800  }
0x174: {  	[sflag:s10] =	ssyncset.done $0x0  }
0x175: {  	[sflag:s10] =	ssyncadd.s32 $0xFFFFD800  }
0x176: {  	_ =	swait.ge [sflag:s9], $0x50  }
0x177: {  	[sflag:s9] =	ssyncset.done $0x0  }
0x178: {  	[sflag:s9] =	ssyncadd.s32 $0xFFFFFFB0  }
0x179: {  	[spmem:s3] =	stream.indirect.scatter.add.f32 [tilespmem:s6], [sflag:$0x5], $0x80, s31, s0, $0xb8;
	[tilespmem:$0x1DF80] =	vst v63  }
0x17a: {  	_ =	swait.ge [sflag:s7], $0x2800  }
0x17b: {  	s20 =	sadd.s32 s20, s22;
	[sflag:s7] =	ssyncset.done $0x0  }
0x17c: {  	s23 =	sadd.s32 $0x9C4, s20;
	[sflag:s7] =	ssyncadd.s32 $0xFFFFD800  }
0x17d: {  	[tilespmem:s31], [sflag:$0x3] =	stream.linear.gather [hbm4b:s23+s4], $0x50, $0x38;
	[tilespmem:$0x1DF80] =	vst v63  }
0x17e: {  	s23 =	sadd.s32 $0xFFFFFFB0, s30  }
0x17f: {  	[tilespmem:s6], [sflag:$0x1] =	stream.indirect.gather [hbm4b:s2+s0], $0x80, s23, s0, $0xb8;
	[tilespmem:$0x1DF80] =	vst v63  }
0x180: {  	_ =	swait.ge [sflag:s29], $0x2800  }
0x181: {  	[sflag:s29] =	ssyncset.done $0x0  }
0x182: {  	[sflag:s29] =	ssyncadd.s32 $0xFFFFD800  }
0x183: {  	_ =	swait.ge [sflag:s12], $0x50  }
0x184: {  	[sflag:s12] =	ssyncset.done $0x0  }
0x185: {  	[sflag:s12] =	ssyncadd.s32 $0xFFFFFFB0  }
0x186: {  	[spmem:s3] =	stream.indirect.scatter.add.f32 [tilespmem:s8], [sflag:$0x5], $0x80, s1, s0, $0xb8;
	[tilespmem:$0x1DF80] =	vst v63  }
.Ltmp5:
0x187: {  	_ =	swait.ge [sflag:s7], $0x2800;
	(pc) =	sbr.rel @!p1 .LBB2_3-.Ltmp5, $4  }
0x188: {  	[sflag:s7] =	ssyncset.done $0x0  }
0x189: {  	s20 =	sadd.s32 $0x9CE, s20;
	[sflag:s7] =	ssyncadd.s32 $0xFFFFD800  }
0x18a: {  	[tilespmem:s1], [sflag:$0x4] =	stream.linear.gather [hbm4b:s20+s4], $0x50, $0x38;
	[tilespmem:$0x1DF80] =	vst v63  }
0x18b: {  	s30 =	sadd.s32 $0xA0, s30  }
.Ltmp6:
0x18c: {  	(pc) =	sbr.rel .LBB2_8-.Ltmp6, $3  }
0x18d: {  	_ =	sdelay $0x1  }
0x18e: {  	[tilespmem:s8], [sflag:$0x2] =	stream.indirect.gather [hbm4b:s2+s0], $0x80, s16, s0, $0xb8;
	[tilespmem:$0x1DF80] =	vst v63  }
0x18f: {  	s16 =	rddreg [dreg:$0x4]  }
.LBB2_9:
0x190: {  	_ =	sfence.sel $0x180000  }
0x191: {  	[bflag:$0x0] =	sbarrier.arrive $0xFFFF  }
0x192: {  	_ =	strace $0x9000004A  }
0x193: {  	s0 =	stileid.u32;
	[bflag:$0x2] =	sbarrier.arrive $0xFFFF  }
0x194: {  	p0 =	sne.s32 s0, $0x0;
	s0 =	rddreg [dreg:$0x3]  }
0x195: {  	s0 =	sadd.s32 @!p0 $0x100000, s0  }
0x196: {  	[sflag:s0] =	ssyncadd.tile.s32 @!p0 $0x1;
	_ =	shalt  }
.Lfunc_end2:
_tile_overlayer_lowered:
.L_overlay_start_2:
0x197: {  	(tag) =	ssettag $0x2  }
0x198: {  	s0 =	rddreg [dreg:$0x0];
	s2 =	stileid.u32  }
0x199: {  	s1 =	rddreg [dreg:$0x1];
	p0 =	sne.s32 s2, $0x0  }
0x19a: {  	s3 =	rddreg [dreg:$0x2];
	[bflag:$0x3] =	sbarrier.arrive $0xFFFF;
	s2 =	simm.s32 @!p0 $0x1C05  }
0x19b: {  	[timem:s3], [sflag:s2] =	dma.local @!p0 [hbm:s0], s1  }
0x19c: {  	s0 =	simm.s32 @!p0 $0x5  }
0x19d: {  	_ =	swait.ge @!p0 [sflag:s0], s1  }
0x19e: {  	s1 =	ssub.s32 @!p0 $0x0, s1;
	[sflag:s0] =	ssyncset.done @!p0 $0x0  }
0x19f: {  	[sflag:s0] =	ssyncadd.s32 @!p0 s1  }
0x1a0: {  	[bflag:$0x3] =	sbarrier.arrive $0xFFFF  }
0x1a1: {  	_ =	shalt  }

// kernel: kernel.14.cloned.1.call-start
scs
__scs_entry_jumppad:
0x0: {  	(pc) =	sbr.rel $0x88, $3  }
0x1: {  	(tag) =	ssettag $0x0;
	lr =	simm.s32 $0x1  }
0x2: {  	[smem:$0x3F99] =	sst lr;
	_ =	strace $0xD0000000  }
0x3: {  	_ = 	snop  }
0x4: {  	_ = 	snop  }
0x5: {  	_ = 	snop  }
0x6: {  	_ = 	snop  }
0x7: {  	_ = 	snop  }
__scs_overlays_trampoline_lowered:
0x8: {  	[smem:$0x3FA8] =	sst s0  }
0x9: {  	[smem:$0x3FA9] =	sst s1  }
0xa: {  	[smem:$0x3FAA] =	sst s2  }
0xb: {  	[smem:$0x3FAB] =	sst s3  }
0xc: {  	[smem:$0x3FAC] =	sst s4  }
0xd: {  	[smem:$0x3FAD] =	sst s5  }
0xe: {  	[smem:$0x3FAE] =	sst s6  }
0xf: {  	[smem:$0x3FAF] =	sst s7  }
0x10: {  	[smem:$0x3FB0] =	sst s8  }
0x11: {  	[smem:$0x3FB1] =	sst s9;
	s0 =	simm.s32 @!p0 $0x0  }
0x12: {  	s1 =	sld [smem:$0x3F97];
	s0 =	simm.s32 @p0 $0x1  }
0x13: {  	[smem:$0x3FB2] =	sst s0;
	s0 =	simm.s32 @!p1 $0x0  }
0x14: {  	s2 =	sld [smem:$0x3F96];
	s0 =	simm.s32 @p1 $0x1  }
0x15: {  	[smem:$0x3FB3] =	sst s0;
	s0 =	simm.s32 @!p2 $0x0  }
0x16: {  	s3 =	sld [smem:$0x3FDB];
	s0 =	simm.s32 @p2 $0x1  }
0x17: {  	s4 =	simm.s32 $0x1BF5;
	[smem:$0x3FB5] =	sst s0  }
0x18: {  	s0 =	sld [smem:$0x3F98];
	_ =	swait.ge [sflag:s4], $0x0  }
0x19: {  	s7 =	sld [smem:$0x3F99]  }
0x1a: {  	s8 =	sadd.s32 $0xFFFFE003, lr  }
0x1b: {  	s9 =	sadd.s32 $0xFFFFFEF7, lr;
	s5 =	simm.s32 $0xFFFFFFFF;
	p2 =	slt.u32 s8, $0xFFFFF086  }
0x1c: {  	p1 =	slt.u32 s9, $0xF7A;
	s5 =	simm.s32 @!p2 $0x0  }
0x1d: {  	s5 =	simm.s32 @p1 $0x1;
	p0 =	seq.s32 s7, s2  }
0x1e: {  	s7 =	smul.u32 @!p0 $0xF7A, s2;
	p2 =	seq.s32 @!p0 s5, $0x0  }
0x1f: {  	s9 =	smul.u32 $0xF7A, s1;
	s8 =	simm.s32 @!p0 $0x1BF5;
	p2 =	por !p2, p0  }
0x20: {  	[sflag:s8] =	ssyncset.s32 @!p0 $0xFFFFF086;
	s6 =	sadd.s32 @!p0 s3, s7;
	s7 =	simm.s32 @!p0 $0x108  }
0x21: {  	s3 =	sadd.s32 s3, s9;
	s6 =	sadd.s32 @!p0 $0x88, s6;
	s7 =	simm.s32 @p2 $0x1082  }
0x22: {  	[simem:s7], [sflag:s8] =	dma.local @!p0 [hbm:s6], $0xF7A  }
0x23: {  	s9 =	sor.u32 $0xD0000000, s2;
	s6 =	simm.s32 $0x108;
	_ =	swait.ge @!p0 [sflag:s8], $0x0  }
0x24: {  	s3 =	sadd.s32 $0x88, s3;
	s6 =	simm.s32 @!p1 $0x1082;
	[sflag:s4] =	ssyncset.s32 $0xFFFFF086  }
0x25: {  	[simem:s6], [sflag:s4] =	dma.local [hbm:s3], $0xF7A  }
0x26: {  	[smem:$0x3F99] =	sst s1;
	(tag) =	ssettag s2;
	_ =	strace s9  }
0x27: {  	s1 =	sld [smem:$0x3FA9]  }
0x28: {  	s2 =	sld [smem:$0x3FAA]  }
0x29: {  	s4 =	sld [smem:$0x3FAC]  }
0x2a: {  	p0 =	seq.s32 s5, $0x0;
	s5 =	sld [smem:$0x3FAD]  }
0x2b: {  	s6 =	sld [smem:$0x3FAE]  }
0x2c: {  	s7 =	sld [smem:$0x3FAF]  }
0x2d: {  	s3 =	simm.s32 $0x108;
	s8 =	sld [smem:$0x3FB0]  }
0x2e: {  	s3 =	simm.s32 @!p0 $0x1082;
	s9 =	sld [smem:$0x3FB1]  }
0x2f: {  	lr =	sadd.s32 s0, s3;
	s0 =	sld [smem:$0x3FA8]  }
0x30: {  	s3 =	sld [smem:$0x3FAB]  }
0x31: {  	[smem:$0x3FB4] =	sst s10  }
0x32: {  	s10 =	sld [smem:$0x3FB2];
	_ =	sdelay $0x3  }
0x33: {  	p0 =	seq.s32 s10, $0x1;
	s10 =	sld [smem:$0x3FB4];
	_ =	sdelay $0x3  }
0x34: {  	[smem:$0x3FB4] =	sst s10  }
0x35: {  	s10 =	sld [smem:$0x3FB3];
	_ =	sdelay $0x3  }
0x36: {  	p1 =	seq.s32 s10, $0x1;
	s10 =	sld [smem:$0x3FB4];
	_ =	sdelay $0x3  }
0x37: {  	[smem:$0x3FB4] =	sst s10  }
0x38: {  	s10 =	sld [smem:$0x3FB5]  }
0x39: {  	_ = 	snop;
	(pc) =	sbr.ind lr, $3  }
0x3a: {  	_ = 	snop  }
0x3b: {  	_ = 	snop  }
0x3c: {  	p2 =	seq.s32 s10, $0x1;
	s10 =	sld [smem:$0x3FB4]  }
0x3d: {  	_ =	shalt  }
0x3e: {  	_ =	shalt  }
0x3f: {  	_ =	shalt  }
0x40: {  	_ =	shalt  }
0x41: {  	_ =	shalt  }
0x42: {  	_ =	shalt  }
0x43: {  	_ =	shalt  }
0x44: {  	_ =	shalt  }
0x45: {  	_ =	shalt  }
0x46: {  	_ =	shalt  }
0x47: {  	_ =	shalt  }
0x48: {  	_ =	shalt  }
0x49: {  	_ =	shalt  }
0x4a: {  	_ =	shalt  }
0x4b: {  	_ =	shalt  }
0x4c: {  	_ =	shalt  }
0x4d: {  	_ =	shalt  }
0x4e: {  	_ =	shalt  }
0x4f: {  	_ =	shalt  }
0x50: {  	_ =	shalt  }
0x51: {  	_ =	shalt  }
0x52: {  	_ =	shalt  }
0x53: {  	_ =	shalt  }
0x54: {  	_ =	shalt  }
0x55: {  	_ =	shalt  }
0x56: {  	_ =	shalt  }
0x57: {  	_ =	shalt  }
0x58: {  	_ =	shalt  }
0x59: {  	_ =	shalt  }
0x5a: {  	_ =	shalt  }
0x5b: {  	_ =	shalt  }
0x5c: {  	_ =	shalt  }
0x5d: {  	_ =	shalt  }
0x5e: {  	_ =	shalt  }
0x5f: {  	_ =	shalt  }
0x60: {  	_ =	shalt  }
0x61: {  	_ =	shalt  }
0x62: {  	_ =	shalt  }
0x63: {  	_ =	shalt  }
0x64: {  	_ =	shalt  }
0x65: {  	_ =	shalt  }
0x66: {  	_ =	shalt  }
0x67: {  	_ =	shalt  }
0x68: {  	_ =	shalt  }
0x69: {  	_ =	shalt  }
0x6a: {  	_ =	shalt  }
0x6b: {  	_ =	shalt  }
0x6c: {  	_ =	shalt  }
0x6d: {  	_ =	shalt  }
0x6e: {  	_ =	shalt  }
0x6f: {  	_ =	shalt  }
0x70: {  	_ =	shalt  }
0x71: {  	_ =	shalt  }
0x72: {  	_ =	shalt  }
0x73: {  	_ =	shalt  }
0x74: {  	_ =	shalt  }
0x75: {  	_ =	shalt  }
0x76: {  	_ =	shalt  }
0x77: {  	_ =	shalt  }
0x78: {  	_ =	shalt  }
0x79: {  	_ =	shalt  }
0x7a: {  	_ =	shalt  }
0x7b: {  	_ =	shalt  }
0x7c: {  	_ =	shalt  }
0x7d: {  	_ =	shalt  }
0x7e: {  	_ =	shalt  }
0x7f: {  	_ =	shalt  }
0x80: {  	_ =	shalt  }
0x81: {  	_ =	shalt  }
0x82: {  	_ =	shalt  }
0x83: {  	_ =	shalt  }
0x84: {  	_ =	shalt  }
0x85: {  	_ =	shalt  }
0x86: {  	_ =	shalt  }
0x87: {  	_ =	shalt  }
.Lfunc_end0:
.L_simem_size_0:
called_computation.2_lowered:
.L_overlay_start_0:
0x88: {  	s2 =	sld [smem:$0x3FD9]  }
0x89: {  	s3 =	sld [smem:$0x3FFE];
	_ =	sdelay $0x1  }
0x8a: {  	s1 =	srdreg.scid  }
0x8b: {  	s0 =	sand.u32 $0x1, s1  }
0x8c: {  	s17 =	sshll.u32 s0, $0xA;
	s2 =	sadd.s32 s3, s2  }
0x8d: {  	s2 =	sadd.s32 s2, s17  }
0x8e: {  	[smem:$0x3FC0] =	sst s2  }
0x8f: {  	_ = 	snop  }
0x90: {  	s2 =	sld [smem:$0x3FD0];
	(tm) =	ssettm $0x1  }
0x91: {  	s18 =	sld [smem:$0x3FFB];
	_ =	sdelay $0x3  }
0x92: {  	_ =	strace s18  }
0x93: {  	s3 =	sld [smem:$0x3FFC];
	_ =	sdelay $0x3  }
0x94: {  	_ =	strace s3  }
0x95: {  	s3 =	sld [smem:$0x3FFD];
	_ =	sdelay $0x3  }
0x96: {  	_ =	strace s3  }
0x97: {  	_ =	strace $0x8FFFFFFF  }
0x98: {  	s19 =	sld [smem:$0x3FDB];
	_ =	sdelay $0x1  }
0x99: {  	s4 =	simm.s32 $_scs_section_size  }
0x9a: {  	s5 =	simm.s32 $_size__tile_overlayer_lowered;
	s6 =	simm.s32 $_tile_overlayer_lowered  }
0x9b: {  	s22 =	simm.s32 $0x1BFF;
	s21 =	sshll.u32 s6, $0x1;
	s3 =	sadd.s32 s4, s19  }
0x9c: {  	s7 =	simm.s32 $0x0;
	s20 =	sshll.u32 s5, $0x1;
	s5 =	sadd.s32 s21, s3  }
0x9d: {  	[timem:s7], [sflag:s22] =	dma.local [hbm:s5], s20  }
0x9e: {  	_ =	swait.ge [sflag:s22], s20  }
0x9f: {  	s4 =	ssub.s32 $0x0, s20;
	[sflag:s22] =	ssyncset.done $0x0  }
0xa0: {  	[sflag:s22] =	ssyncadd.s32 s4;
	_ =	sdelay $0x1  }
0xa1: {  	s23 =	simm.s32 $0x1B8B  }
0xa2: {  	_ =	swait.ge [sflag:s23], $0x1  }
0xa3: {  	[sflag:s23] =	ssyncset.done $0x0  }
0xa4: {  	s25 =	simm.s32 $0x1B8E;
	s24 =	sld [smem:$0x3FFE];
	[sflag:s23] =	ssyncadd.s32 $0xFFFFFFFF  }
0xa5: {  	s26 =	simm.s32 $execute0_lowered;
	[smem:$0x3FD2] =	sst s25  }
0xa6: {  	s5 =	sshll.u32 s26, $0x1;
	_ =	strace $0x8000004C;
	[dreg:$0x1] =	wrdreg $0xFFFFFFFF  }
0xa7: {  	s28 =	simm.s32 $_size_execute0_lowered;
	s3 =	sadd.s32 s3, s5;
	[dreg:$0x0] =	wrdreg $0x0  }
0xa8: {  	s5 =	sshll.u32 s28, $0x1;
	[dreg:$0x2] =	wrdreg s3  }
0xa9: {  	[dreg:$0x3] =	wrdreg s5  }
0xaa: {  	[dreg:$0x4] =	wrdreg $0xC0  }
0xab: {  	_ =	task [dreg:s7], $0x5FFFF  }
0xac: {  	[dreg:$0x1] =	wrdreg $0xFFFFFFFF  }
0xad: {  	[dreg:$0x0] =	wrdreg $0x60  }
0xae: {  	[dreg:$0x2] =	wrdreg s2  }
0xaf: {  	[dreg:$0x3] =	wrdreg s24  }
0xb0: {  	[dreg:$0x4] =	wrdreg $0x0  }
0xb1: {  	[dreg:$0x5] =	wrdreg $0x9  }
0xb2: {  	_ =	task.clear_ibuf [dreg:s7], $0x6FFFF;
	_ =	strace $0x9000004C  }
0xb3: {  	s29 =	simm.s32 $0x9;
	_ =	strace $0x8000004E  }
0xb4: {  	_ =	swait.ge [sflag:s29], $0x1  }
0xb5: {  	[sflag:s29] =	ssyncadd.s32 $0xFFFFFFFF  }
0xb6: {  	_ =	strace $0x9000004E  }
0xb7: {  	_ =	sfence  }
0xb8: {  	s30 =	sld [smem:$0x0];
	_ =	sdelay $0x2  }
0xb9: {  	s31 =	sshll.u32 s1, $0xD;
	s1 =	sshrl.u32 s1, $0x2  }
0xba: {  	s3 =	sand.u32 $0x4000, s31;
	s1 =	sadd.s32 s1, s30  }
0xbb: {  	s0 =	sor.u32 s3, s0;
	s1 =	sshll.u32 s1, $0x11  }
0xbc: {  	s0 =	sor.u32 s1, s0  }
0xbd: {  	s0 =	sadd.s32 $0x8F2B, s0  }
0xbe: {  	[sflag:s0] =	ssyncadd.remote.s32 $0x1  }
0xbf: {  	_ =	sfence.sel $0xFFFF  }
0xc0: {  	[dreg:$0x0] =	wrdreg $0xFFFFFFFF;
	(pc) =	sbr.abs _section_cstart, $3  }
0xc1: {  	[dreg:$0x1] =	wrdreg $0xFFFFFFFF  }
0xc2: {  	_ =	task.clear_ibuf [dreg:s7], $0x2FFFF;
	_ =	strace $0x9FFFFFFF  }
0xc3: {  	(tm) =	ssettm $0x7FFFFFFF  }
tec
execute0_lowered:
.L_overlay_start_1:
0x0: {  	(tag) =	ssettag $0x1  }
0x1: {  	s2 =	rddreg [dreg:$0x0]  }
0x2: {  	s0 =	rddreg [dreg:$0x1]  }
0x3: {  	s3 =	rddreg [dreg:$0x2];
	s12 =	stileid.u32  }
0x4: {  	s4 =	simm.s32 $0x0;
	s6 =	srdreg.scid;
	s31 =	simm.s32 $0x18E80  }
0x5: {  	s29 =	simm.s32 $0x2;
	s1 =	smul.u32 $0x4E20, s12;
	[smem:$0x7FF] =	sst s4  }
0x6: {  	s5 =	sadd.s32 $0x17200, s0;
	s6 =	sand.u32 $0x1, s6;
	s10 =	smul.u32 $0x50000, s12  }
0x7: {  	s8 =	sadd.s32 $0xD400, s0;
	s9 =	sadd.s32 $0x3F200, s0;
	s30 =	smul.u32 $0x280, s12  }
0x8: {  	s24 =	smul.u32 $0x9C4, s12;
	_ =	strace $0x8000004D;
	[dreg:$0x4] =	wrdreg s9  }
0x9: {  	s25 =	ssub.s32 $0x2, s6;
	p0 =	seq.s32 s6, $0x1;
	s1 =	sshrl.u32 s1, $0x3  }
0xa: {  	s26 =	sshrl.u32 s25, $0x1;
	s15 =	sshrl.u32 s10, $0x2;
	s16 =	sor.u32 $0x50, s30  }
0xb: {  	s17 =	sadd.s32 $0xA0, s30;
	s19 =	sadd.s32 $0xF0, s30;
	s21 =	sadd.s32 $0x140, s30  }
0xc: {  	s22 =	sadd.s32 $0x190, s30;
	s7 =	sadd.s32 s1, s0;
	s0 =	sadd.s32 $0x67200, s0  }
0xd: {  	s11 =	sadd.s32 s15, s3;
	s10 =	sshll.u32 s16, $0x4;
	s18 =	sshll.u32 s17, $0x7  }
0xe: {  	s20 =	sshll.u32 s19, $0x7;
	s23 =	sshll.u32 s22, $0x7;
	[dreg:$0x5] =	wrdreg s0  }
0xf: {  	s0 =	ssub.s32 s25, s26;
	s14 =	sadd.s32 $0x3600, s7;
	[dreg:$0x9] =	wrdreg s10  }
0x10: {  	s7 =	sadd.s32 s8, s1;
	s15 =	sadd.s32 s18, s3;
	[dreg:$0x6] =	wrdreg s14  }
0x11: {  	s18 =	sshll.u32 s21, $0x4;
	s9 =	sadd.s32 s2, s10;
	[dreg:$0x7] =	wrdreg s7  }
0x12: {  	s25 =	sadd.s32 $0x1E0, s30;
	s26 =	sadd.s32 $0x230, s30;
	[dreg:$0x11] =	wrdreg s9  }
0x13: {  	s0 =	smax.u32 s0, $0x1;
	s14 =	sshll.u32 s17, $0x4;
	[dreg:$0xc] =	wrdreg s18  }
0x14: {  	s17 =	sadd.s32 s20, s3;
	s6 =	sadd.s32 $0xA, s7;
	[dreg:$0x8] =	wrdreg s0  }
0x15: {  	s20 =	sshll.u32 s22, $0x4;
	s22 =	sadd.s32 s24, s8;
	[dreg:$0xf] =	wrdreg s6  }
0x16: {  	s8 =	sshll.u32 s25, $0x4;
	s24 =	smul.u32 $0x2800, s12;
	[dreg:$0xa] =	wrdreg s14  }
0x17: {  	s30 =	sshll.u32 s26, $0x7;
	s26 =	sshll.u32 s26, $0x4;
	[dreg:$0xd] =	wrdreg s20  }
0x18: {  	s0 =	sshll.u32 s16, $0x7;
	s12 =	sadd.s32 s2, s14;
	[dreg:$0xe] =	wrdreg s8  }
0x19: {  	s28 =	sadd.s32 s30, s3;
	s30 =	sadd.s32 s2, s18;
	[dreg:$0x12] =	wrdreg s12  }
0x1a: {  	s16 =	sshll.u32 s19, $0x4;
	s1 =	sadd.s32 s2, s20;
	[dreg:$0x14] =	wrdreg s30  }
0x1b: {  	s6 =	sadd.s32 s2, s8;
	s14 =	sadd.s32 s5, s14;
	[dreg:$0x15] =	wrdreg s1  }
0x1c: {  	s18 =	sadd.s32 s5, s18;
	s20 =	sadd.s32 s5, s20;
	[dreg:$0x16] =	wrdreg s6  }
0x1d: {  	s13 =	sadd.s32 s0, s3;
	s0 =	sshll.u32 s21, $0x7;
	[dreg:$0x1a] =	wrdreg s14  }
0x1e: {  	s21 =	sadd.s32 s23, s3;
	s7 =	sadd.s32 s2, s24;
	[dreg:$0xb] =	wrdreg s16  }
0x1f: {  	s23 =	sadd.s32 s2, s16;
	s9 =	sadd.s32 s5, s24;
	[dreg:$0x1c] =	wrdreg s18  }
0x20: {  	s12 =	sadd.s32 s5, s10;
	s16 =	sadd.s32 s5, s16;
	[dreg:$0x1d] =	wrdreg s20  }
0x21: {  	s30 =	sadd.s32 s5, s26;
	s6 =	simm.s32 $0x18F80;
	[dreg:$0x10] =	wrdreg s7  }
0x22: {  	s1 =	simm.s32 $0x18F00;
	s10 =	simm.s32 $0x1;
	[dreg:$0x13] =	wrdreg s23  }
0x23: {  	s14 =	simm.s32 $0x0;
	s19 =	sadd.s32 s0, s3;
	[dreg:$0x18] =	wrdreg s9  }
.Ltmp0:
0x24: {  	s0 =	sshll.u32 s25, $0x7;
	[dreg:$0x19] =	wrdreg s12;
	(pc) =	sbr.rel .LBB2_1-.Ltmp0, $4  }
0x25: {  	s7 =	sadd.s32 s2, s26;
	[dreg:$0x1b] =	wrdreg s16;
	s23 =	sadd.s32 s5, s8  }
0x26: {  	[dreg:$0x1f] =	wrdreg s30;
	s8 =	simm.s32 $0x1B780;
	s9 =	simm.s32 $0x3  }
0x27: {  	s12 =	simm.s32 $0x4;
	s25 =	sadd.s32 s0, s3;
	[dreg:$0x17] =	wrdreg s7  }
0x28: {  	[dreg:$0x1e] =	wrdreg s23;
	s7 =	simm.s32 $0x5;
	s0 =	simm.s32 $0x50  }
.LBB2_7:
0x29: {  	[tilespmem:s8], [sflag:$0x2] =	stream.indirect.gather [hbm4b:s5+s0], $0x80, s16, s0, $0xb8;
	[tilespmem:$0x1DF80] =	vst v63  }
0x2a: {  	s16 =	rddreg [dreg:$0x5]  }
.LBB2_8:
0x2b: {  	_ =	swait.ge [sflag:s10], $0x2800  }
0x2c: {  	[sflag:s10] =	ssyncset.done $0x0  }
0x2d: {  	[sflag:s10] =	ssyncadd.s32 $0xFFFFD800  }
0x2e: {  	_ =	swait.ge [sflag:s9], $0x50  }
0x2f: {  	[sflag:s9] =	ssyncset.done $0x0  }
0x30: {  	[sflag:s9] =	ssyncadd.s32 $0xFFFFFFB0  }
0x31: {  	[spmem:s3] =	stream.indirect.scatter.add.f32 [tilespmem:s6], [sflag:$0x5], $0x80, s31, s0, $0xb8;
	[tilespmem:$0x1DF80] =	vst v63  }
0x32: {  	_ =	swait.ge [sflag:s7], $0x2800  }
0x33: {  	[sflag:s7] =	ssyncset.done $0x0  }
0x34: {  	[sflag:s7] =	ssyncadd.s32 $0xFFFFD800  }
0x35: {  	_ =	swait.ge [sflag:s29], $0x2800  }
0x36: {  	[sflag:s29] =	ssyncset.done $0x0  }
0x37: {  	[sflag:s29] =	ssyncadd.s32 $0xFFFFD800  }
0x38: {  	_ =	swait.ge [sflag:s12], $0x50  }
0x39: {  	[sflag:s12] =	ssyncset.done $0x0  }
0x3a: {  	[sflag:s12] =	ssyncadd.s32 $0xFFFFFFB0  }
0x3b: {  	[spmem:s3] =	stream.indirect.scatter.add.f32 [tilespmem:s8], [sflag:$0x5], $0x80, s1, s0, $0xb8;
	[tilespmem:$0x1DF80] =	vst v63  }
0x3c: {  	_ =	swait.ge [sflag:s7], $0x2800  }
0x3d: {  	[sflag:s7] =	ssyncset.done $0x0  }
0x3e: {  	[sflag:s7] =	ssyncadd.s32 $0xFFFFD800  }
0x3f: {  	[bflag:$0x0] =	sbarrier.arrive $0xFFFF  }
0x40: {  	[tilespmem:s6], [sflag:$0x5] =	stream.linear.gather [spmem:s11], $0x2800, $0x38;
	[tilespmem:$0x1DF80] =	vst v63  }
0x41: {  	_ =	swait.ge [sflag:s7], $0x2800  }
0x42: {  	[sflag:s7] =	ssyncset.done $0x0  }
0x43: {  	s18 =	sadd.s32 s16, s24;
	[sflag:s7] =	ssyncadd.s32 $0xFFFFD800  }
0x44: {  	[hbm4b:s18+s4] =	stream.linear.scatter [tilespmem:s6], [sflag:$0x5], $0x2800, $0x38;
	[tilespmem:$0x1DF80] =	vst v63  }
0x45: {  	_ =	swait.ge [sflag:s7], $0x2800  }
0x46: {  	[sflag:s7] =	ssyncset.done $0x0  }
0x47: {  	[sflag:s7] =	ssyncadd.s32 $0xFFFFD800  }
0x48: {  	[tilespmem:s6], [sflag:$0x5] =	stream.linear.gather [spmem:s13], $0x2800, $0x38;
	[tilespmem:$0x1DF80] =	vst v63  }
0x49: {  	_ =	swait.ge [sflag:s7], $0x2800  }
0x4a: {  	[sflag:s7] =	ssyncset.done $0x0;
	s23 =	rddreg [dreg:$0x9]  }
0x4b: {  	s18 =	sadd.s32 s16, s23;
	[sflag:s7] =	ssyncadd.s32 $0xFFFFD800  }
0x4c: {  	[hbm4b:s18+s4] =	stream.linear.scatter [tilespmem:s6], [sflag:$0x5], $0x2800, $0x38;
	[tilespmem:$0x1DF80] =	vst v63  }
0x4d: {  	_ =	swait.ge [sflag:s7], $0x2800  }
0x4e: {  	[sflag:s7] =	ssyncset.done $0x0  }
0x4f: {  	[sflag:s7] =	ssyncadd.s32 $0xFFFFD800  }
0x50: {  	[tilespmem:s6], [sflag:$0x5] =	stream.linear.gather [spmem:s15], $0x2800, $0x38;
	[tilespmem:$0x1DF80] =	vst v63  }
0x51: {  	_ =	swait.ge [sflag:s7], $0x2800  }
0x52: {  	[sflag:s7] =	ssyncset.done $0x0;
	s30 =	rddreg [dreg:$0xa]  }
0x53: {  	s18 =	sadd.s32 s16, s30;
	[sflag:s7] =	ssyncadd.s32 $0xFFFFD800  }
0x54: {  	[hbm4b:s18+s4] =	stream.linear.scatter [tilespmem:s6], [sflag:$0x5], $0x2800, $0x38;
	[tilespmem:$0x1DF80] =	vst v63  }
0x55: {  	_ =	swait.ge [sflag:s7], $0x2800  }
0x56: {  	[sflag:s7] =	ssyncset.done $0x0  }
0x57: {  	[sflag:s7] =	ssyncadd.s32 $0xFFFFD800  }
0x58: {  	[tilespmem:s6], [sflag:$0x5] =	stream.linear.gather [spmem:s17], $0x2800, $0x38;
	[tilespmem:$0x1DF80] =	vst v63  }
0x59: {  	_ =	swait.ge [sflag:s7], $0x2800  }
0x5a: {  	[sflag:s7] =	ssyncset.done $0x0;
	s20 =	rddreg [dreg:$0xb]  }
0x5b: {  	s18 =	sadd.s32 s16, s20;
	[sflag:s7] =	ssyncadd.s32 $0xFFFFD800  }
0x5c: {  	[hbm4b:s18+s4] =	stream.linear.scatter [tilespmem:s6], [sflag:$0x5], $0x2800, $0x38;
	[tilespmem:$0x1DF80] =	vst v63  }
0x5d: {  	_ =	swait.ge [sflag:s7], $0x2800  }
0x5e: {  	[sflag:s7] =	ssyncset.done $0x0  }
0x5f: {  	[sflag:s7] =	ssyncadd.s32 $0xFFFFD800  }
0x60: {  	[tilespmem:s6], [sflag:$0x5] =	stream.linear.gather [spmem:s19], $0x2800, $0x38;
	[tilespmem:$0x1DF80] =	vst v63  }
0x61: {  	_ =	swait.ge [sflag:s7], $0x2800  }
0x62: {  	[sflag:s7] =	ssyncset.done $0x0;
	s23 =	rddreg [dreg:$0xc]  }
0x63: {  	s18 =	sadd.s32 s16, s23;
	[sflag:s7] =	ssyncadd.s32 $0xFFFFD800  }
0x64: {  	[hbm4b:s18+s4] =	stream.linear.scatter [tilespmem:s6], [sflag:$0x5], $0x2800, $0x38;
	[tilespmem:$0x1DF80] =	vst v63  }
0x65: {  	_ =	swait.ge [sflag:s7], $0x2800  }
0x66: {  	[sflag:s7] =	ssyncset.done $0x0  }
0x67: {  	[sflag:s7] =	ssyncadd.s32 $0xFFFFD800  }
0x68: {  	[tilespmem:s6], [sflag:$0x5] =	stream.linear.gather [spmem:s21], $0x2800, $0x38;
	[tilespmem:$0x1DF80] =	vst v63  }
0x69: {  	_ =	swait.ge [sflag:s7], $0x2800  }
0x6a: {  	[sflag:s7] =	ssyncset.done $0x0;
	s30 =	rddreg [dreg:$0xd]  }
0x6b: {  	s18 =	sadd.s32 s16, s30;
	[sflag:s7] =	ssyncadd.s32 $0xFFFFD800  }
0x6c: {  	[hbm4b:s18+s4] =	stream.linear.scatter [tilespmem:s6], [sflag:$0x5], $0x2800, $0x38;
	[tilespmem:$0x1DF80] =	vst v63  }
0x6d: {  	_ =	swait.ge [sflag:s7], $0x2800  }
0x6e: {  	[sflag:s7] =	ssyncset.done $0x0  }
0x6f: {  	[sflag:s7] =	ssyncadd.s32 $0xFFFFD800  }
0x70: {  	[tilespmem:s6], [sflag:$0x5] =	stream.linear.gather [spmem:s25], $0x2800, $0x38;
	[tilespmem:$0x1DF80] =	vst v63  }
0x71: {  	_ =	swait.ge [sflag:s7], $0x2800  }
0x72: {  	[sflag:s7] =	ssyncset.done $0x0;
	s20 =	rddreg [dreg:$0xe]  }
0x73: {  	s18 =	sadd.s32 s16, s20;
	[sflag:s7] =	ssyncadd.s32 $0xFFFFD800  }
0x74: {  	[hbm4b:s18+s4] =	stream.linear.scatter [tilespmem:s6], [sflag:$0x5], $0x2800, $0x38;
	[tilespmem:$0x1DF80] =	vst v63  }
0x75: {  	_ =	swait.ge [sflag:s7], $0x2800  }
0x76: {  	[sflag:s7] =	ssyncset.done $0x0  }
0x77: {  	[sflag:s7] =	ssyncadd.s32 $0xFFFFD800  }
0x78: {  	[tilespmem:s6], [sflag:$0x5] =	stream.linear.gather [spmem:s28], $0x2800, $0x38;
	[tilespmem:$0x1DF80] =	vst v63  }
0x79: {  	_ =	swait.ge [sflag:s7], $0x2800  }
0x7a: {  	[sflag:s7] =	ssyncset.done $0x0  }
0x7b: {  	s23 =	sadd.s32 s16, s26;
	[sflag:s7] =	ssyncadd.s32 $0xFFFFD800  }
0x7c: {  	[hbm4b:s23+s4] =	stream.linear.scatter [tilespmem:s6], [sflag:$0x5], $0x2800, $0x38;
	[tilespmem:$0x1DF80] =	vst v63  }
0x7d: {  	_ =	swait.ge [sflag:s7], $0x2800  }
0x7e: {  	s14 =	sadd.s32 $0x1, s14;
	s30 =	rddreg [dreg:$0x8]  }
0x7f: {  	p1 =	sne.s32 s14, s30  }
.Ltmp1:
0x80: {  	_ = 	snop;
	(pc) =	sbr.rel @!p1 .LBB2_9-.Ltmp1, $3  }
0x81: {  	_ =	sdelay $0x1  }
0x82: {  	[sflag:s7] =	ssyncset.done $0x0  }
0x83: {  	[sflag:s7] =	ssyncadd.s32 $0xFFFFD800  }
.LBB2_1:
.Ltmp2:
0x84: {  	(pc) =	sbr.rel @!p0 .LBB2_2-.Ltmp2, $1  }
0x85: {  	_ =	sdelay $0x3  }
0x86: {  	s16 =	rddreg [dreg:$0x18]  }
0x87: {  	[tilespmem:s6], [sflag:$0x5] =	stream.linear.gather [hbm4b:s16+s4], $0x2800, $0x38;
	[tilespmem:$0x1DF80] =	vst v63  }
0x88: {  	_ =	swait.ge [sflag:s7], $0x2800  }
0x89: {  	[sflag:s7] =	ssyncset.done $0x0  }
0x8a: {  	[sflag:s7] =	ssyncadd.s32 $0xFFFFD800  }
0x8b: {  	[spmem:s11] =	stream.linear.scatter [tilespmem:s6], [sflag:$0x5], $0x2800, $0x38;
	[tilespmem:$0x1DF80] =	vst v63  }
0x8c: {  	_ =	swait.ge [sflag:s7], $0x2800  }
0x8d: {  	[sflag:s7] =	ssyncset.done $0x0  }
0x8e: {  	s18 =	rddreg [dreg:$0x19];
	[sflag:s7] =	ssyncadd.s32 $0xFFFFD800  }
0x8f: {  	[tilespmem:s6], [sflag:$0x5] =	stream.linear.gather [hbm4b:s18+s4], $0x2800, $0x38;
	[tilespmem:$0x1DF80] =	vst v63  }
0x90: {  	_ =	swait.ge [sflag:s7], $0x2800  }
0x91: {  	[sflag:s7] =	ssyncset.done $0x0  }
0x92: {  	[sflag:s7] =	ssyncadd.s32 $0xFFFFD800  }
0x93: {  	[spmem:s13] =	stream.linear.scatter [tilespmem:s6], [sflag:$0x5], $0x2800, $0x38;
	[tilespmem:$0x1DF80] =	vst v63  }
0x94: {  	_ =	swait.ge [sflag:s7], $0x2800  }
0x95: {  	[sflag:s7] =	ssyncset.done $0x0  }
0x96: {  	s20 =	rddreg [dreg:$0x1a];
	[sflag:s7] =	ssyncadd.s32 $0xFFFFD800  }
0x97: {  	[tilespmem:s6], [sflag:$0x5] =	stream.linear.gather [hbm4b:s20+s4], $0x2800, $0x38;
	[tilespmem:$0x1DF80] =	vst v63  }
0x98: {  	_ =	swait.ge [sflag:s7], $0x2800  }
0x99: {  	[sflag:s7] =	ssyncset.done $0x0  }
0x9a: {  	[sflag:s7] =	ssyncadd.s32 $0xFFFFD800  }
0x9b: {  	[spmem:s15] =	stream.linear.scatter [tilespmem:s6], [sflag:$0x5], $0x2800, $0x38;
	[tilespmem:$0x1DF80] =	vst v63  }
0x9c: {  	_ =	swait.ge [sflag:s7], $0x2800  }
0x9d: {  	[sflag:s7] =	ssyncset.done $0x0  }
0x9e: {  	s23 =	rddreg [dreg:$0x1b];
	[sflag:s7] =	ssyncadd.s32 $0xFFFFD800  }
0x9f: {  	[tilespmem:s6], [sflag:$0x5] =	stream.linear.gather [hbm4b:s23+s4], $0x2800, $0x38;
	[tilespmem:$0x1DF80] =	vst v63  }
0xa0: {  	_ =	swait.ge [sflag:s7], $0x2800  }
0xa1: {  	[sflag:s7] =	ssyncset.done $0x0  }
0xa2: {  	[sflag:s7] =	ssyncadd.s32 $0xFFFFD800  }
0xa3: {  	[spmem:s17] =	stream.linear.scatter [tilespmem:s6], [sflag:$0x5], $0x2800, $0x38;
	[tilespmem:$0x1DF80] =	vst v63  }
0xa4: {  	_ =	swait.ge [sflag:s7], $0x2800  }
0xa5: {  	[sflag:s7] =	ssyncset.done $0x0  }
0xa6: {  	s18 =	rddreg [dreg:$0x1c];
	[sflag:s7] =	ssyncadd.s32 $0xFFFFD800  }
0xa7: {  	[tilespmem:s6], [sflag:$0x5] =	stream.linear.gather [hbm4b:s18+s4], $0x2800, $0x38;
	[tilespmem:$0x1DF80] =	vst v63  }
0xa8: {  	_ =	swait.ge [sflag:s7], $0x2800  }
0xa9: {  	[sflag:s7] =	ssyncset.done $0x0  }
0xaa: {  	[sflag:s7] =	ssyncadd.s32 $0xFFFFD800  }
0xab: {  	[spmem:s19] =	stream.linear.scatter [tilespmem:s6], [sflag:$0x5], $0x2800, $0x38;
	[tilespmem:$0x1DF80] =	vst v63  }
0xac: {  	_ =	swait.ge [sflag:s7], $0x2800  }
0xad: {  	[sflag:s7] =	ssyncset.done $0x0  }
0xae: {  	s20 =	rddreg [dreg:$0x1d];
	[sflag:s7] =	ssyncadd.s32 $0xFFFFD800  }
0xaf: {  	[tilespmem:s6], [sflag:$0x5] =	stream.linear.gather [hbm4b:s20+s4], $0x2800, $0x38;
	[tilespmem:$0x1DF80] =	vst v63  }
0xb0: {  	_ =	swait.ge [sflag:s7], $0x2800  }
0xb1: {  	[sflag:s7] =	ssyncset.done $0x0  }
0xb2: {  	[sflag:s7] =	ssyncadd.s32 $0xFFFFD800  }
0xb3: {  	[spmem:s21] =	stream.linear.scatter [tilespmem:s6], [sflag:$0x5], $0x2800, $0x38;
	[tilespmem:$0x1DF80] =	vst v63  }
0xb4: {  	_ =	swait.ge [sflag:s7], $0x2800  }
0xb5: {  	[sflag:s7] =	ssyncset.done $0x0  }
0xb6: {  	s23 =	rddreg [dreg:$0x1e];
	[sflag:s7] =	ssyncadd.s32 $0xFFFFD800  }
0xb7: {  	[tilespmem:s6], [sflag:$0x5] =	stream.linear.gather [hbm4b:s23+s4], $0x2800, $0x38;
	[tilespmem:$0x1DF80] =	vst v63  }
0xb8: {  	_ =	swait.ge [sflag:s7], $0x2800  }
0xb9: {  	[sflag:s7] =	ssyncset.done $0x0  }
0xba: {  	[sflag:s7] =	ssyncadd.s32 $0xFFFFD800  }
0xbb: {  	[spmem:s25] =	stream.linear.scatter [tilespmem:s6], [sflag:$0x5], $0x2800, $0x38;
	[tilespmem:$0x1DF80] =	vst v63  }
0xbc: {  	_ =	swait.ge [sflag:s7], $0x2800  }
0xbd: {  	[sflag:s7] =	ssyncset.done $0x0  }
0xbe: {  	s18 =	rddreg [dreg:$0x1f];
	[sflag:s7] =	ssyncadd.s32 $0xFFFFD800  }
0xbf: {  	[tilespmem:s6], [sflag:$0x5] =	stream.linear.gather [hbm4b:s18+s4], $0x2800, $0x38;
	[tilespmem:$0x1DF80] =	vst v63  }
0xc0: {  	_ =	swait.ge [sflag:s7], $0x2800  }
0xc1: {  	[sflag:s7] =	ssyncset.done $0x0  }
0xc2: {  	[sflag:s7] =	ssyncadd.s32 $0xFFFFD800  }
0xc3: {  	[spmem:s28] =	stream.linear.scatter [tilespmem:s6], [sflag:$0x5], $0x2800, $0x38;
	[tilespmem:$0x1DF80] =	vst v63  }
0xc4: {  	_ =	swait.ge [sflag:s7], $0x2800  }
0xc5: {  	[sflag:s7] =	ssyncset.done $0x0  }
0xc6: {  	[sflag:s7] =	ssyncadd.s32 $0xFFFFD800  }
0xc7: {  	[bflag:$0x0] =	sbarrier.arrive $0xFFFF  }
0xc8: {  	s18 =	simm.s32 $0x14000;
	s20 =	rddreg [dreg:$0x6]  }
0xc9: {  	[tilespmem:s18], [sflag:$0x5] =	stream.linear.gather [hbm4b:s20+s4], $0x4E20, $0x38;
	[tilespmem:$0x1DF80] =	vst v63  }
0xca: {  	_ =	swait.ge [sflag:s7], $0x4E20  }
0xcb: {  	[sflag:s7] =	ssyncset.done $0x0  }
0xcc: {  	s23 =	rddreg [dreg:$0x7];
	[sflag:s7] =	ssyncadd.s32 $0xFFFFB1E0  }
0xcd: {  	[tilespmem:s31], [sflag:$0x3] =	stream.linear.gather [hbm4b:s23+s4], $0x50, $0x38;
	[tilespmem:$0x1DF80] =	vst v63  }
0xce: {  	_ = 	snop  }
0xcf: {  	[tilespmem:s6], [sflag:$0x1] =	stream.indirect.gather [hbm4b:s5+s0], $0x80, s18, s0, $0xb8;
	[tilespmem:$0x1DF80] =	vst v63  }
0xd0: {  	s18 =	rddreg [dreg:$0xf]  }
0xd1: {  	[tilespmem:s1], [sflag:$0x4] =	stream.linear.gather [hbm4b:s18+s4], $0x50, $0x38;
	[tilespmem:$0x1DF80] =	vst v63  }
0xd2: {  	s20 =	simm.s32 $0x14050  }
0xd3: {  	[tilespmem:s8], [sflag:$0x2] =	stream.indirect.gather [hbm4b:s5+s0], $0x80, s20, s0, $0xb8;
	[tilespmem:$0x1DF80] =	vst v63  }
0xd4: {  	_ =	swait.ge [sflag:s10], $0x2800  }
0xd5: {  	[sflag:s10] =	ssyncset.done $0x0  }
0xd6: {  	[sflag:s10] =	ssyncadd.s32 $0xFFFFD800  }
0xd7: {  	_ =	swait.ge [sflag:s9], $0x50  }
0xd8: {  	[sflag:s9] =	ssyncset.done $0x0  }
0xd9: {  	[sflag:s9] =	ssyncadd.s32 $0xFFFFFFB0  }
0xda: {  	[spmem:s3] =	stream.indirect.scatter.add.f32 [tilespmem:s6], [sflag:$0x5], $0x80, s31, s0, $0xb8;
	[tilespmem:$0x1DF80] =	vst v63  }
0xdb: {  	_ =	swait.ge [sflag:s7], $0x2800  }
0xdc: {  	s18 =	sadd.s32 $0xFFFFF650, s22;
	[sflag:s7] =	ssyncset.done $0x0  }
0xdd: {  	s20 =	sadd.s32 $0x9C4, s18;
	[sflag:s7] =	ssyncadd.s32 $0xFFFFD800  }
0xde: {  	[tilespmem:s31], [sflag:$0x3] =	stream.linear.gather [hbm4b:s20+s4], $0x50, $0x38;
	[tilespmem:$0x1DF80] =	vst v63  }
0xdf: {  	s23 =	simm.s32 $0x140A0  }
0xe0: {  	[tilespmem:s6], [sflag:$0x1] =	stream.indirect.gather [hbm4b:s5+s0], $0x80, s23, s0, $0xb8;
	[tilespmem:$0x1DF80] =	vst v63  }
0xe1: {  	_ =	swait.ge [sflag:s29], $0x2800  }
0xe2: {  	[sflag:s29] =	ssyncset.done $0x0  }
0xe3: {  	[sflag:s29] =	ssyncadd.s32 $0xFFFFD800  }
0xe4: {  	_ =	swait.ge [sflag:s12], $0x50  }
0xe5: {  	[sflag:s12] =	ssyncset.done $0x0  }
0xe6: {  	[sflag:s12] =	ssyncadd.s32 $0xFFFFFFB0  }
0xe7: {  	[spmem:s3] =	stream.indirect.scatter.add.f32 [tilespmem:s8], [sflag:$0x5], $0x80, s1, s0, $0xb8;
	[tilespmem:$0x1DF80] =	vst v63  }
0xe8: {  	_ =	swait.ge [sflag:s7], $0x2800  }
0xe9: {  	[sflag:s7] =	ssyncset.done $0x0  }
0xea: {  	s18 =	sadd.s32 $0x9CE, s18;
	[sflag:s7] =	ssyncadd.s32 $0xFFFFD800  }
0xeb: {  	[tilespmem:s1], [sflag:$0x4] =	stream.linear.gather [hbm4b:s18+s4], $0x50, $0x38;
	[tilespmem:$0x1DF80] =	vst v63  }
0xec: {  	s30 =	simm.s32 $0x14190;
	s16 =	simm.s32 $0x140F0;
	s18 =	simm.s32 $0xFFFFF664  }
.LBB2_6:
0xed: {  	[tilespmem:s8], [sflag:$0x2] =	stream.indirect.gather [hbm4b:s5+s0], $0x80, s16, s0, $0xb8;
	[tilespmem:$0x1DF80] =	vst v63  }
0xee: {  	s20 =	smov.u32 s18;
	s16 =	smov.u32 s30  }
0xef: {  	p1 =	sne.s32 s18, $0xFFFFFFEC;
	s18 =	sadd.s32 $0x14, s18;
	_ =	swait.ge [sflag:s10], $0x2800  }
0xf0: {  	[sflag:s10] =	ssyncset.done $0x0  }
0xf1: {  	[sflag:s10] =	ssyncadd.s32 $0xFFFFD800  }
0xf2: {  	_ =	swait.ge [sflag:s9], $0x50  }
0xf3: {  	[sflag:s9] =	ssyncset.done $0x0  }
0xf4: {  	[sflag:s9] =	ssyncadd.s32 $0xFFFFFFB0  }
0xf5: {  	[spmem:s3] =	stream.indirect.scatter.add.f32 [tilespmem:s6], [sflag:$0x5], $0x80, s31, s0, $0xb8;
	[tilespmem:$0x1DF80] =	vst v63  }
0xf6: {  	_ =	swait.ge [sflag:s7], $0x2800  }
0xf7: {  	s20 =	sadd.s32 s20, s22;
	[sflag:s7] =	ssyncset.done $0x0  }
0xf8: {  	s23 =	sadd.s32 $0x9C4, s20;
	[sflag:s7] =	ssyncadd.s32 $0xFFFFD800  }
0xf9: {  	[tilespmem:s31], [sflag:$0x3] =	stream.linear.gather [hbm4b:s23+s4], $0x50, $0x38;
	[tilespmem:$0x1DF80] =	vst v63  }
0xfa: {  	s23 =	sadd.s32 $0xFFFFFFB0, s30  }
0xfb: {  	[tilespmem:s6], [sflag:$0x1] =	stream.indirect.gather [hbm4b:s5+s0], $0x80, s23, s0, $0xb8;
	[tilespmem:$0x1DF80] =	vst v63  }
0xfc: {  	_ =	swait.ge [sflag:s29], $0x2800  }
0xfd: {  	[sflag:s29] =	ssyncset.done $0x0  }
0xfe: {  	[sflag:s29] =	ssyncadd.s32 $0xFFFFD800  }
0xff: {  	_ =	swait.ge [sflag:s12], $0x50  }
0x100: {  	[sflag:s12] =	ssyncset.done $0x0  }
0x101: {  	[sflag:s12] =	ssyncadd.s32 $0xFFFFFFB0  }
0x102: {  	[spmem:s3] =	stream.indirect.scatter.add.f32 [tilespmem:s8], [sflag:$0x5], $0x80, s1, s0, $0xb8;
	[tilespmem:$0x1DF80] =	vst v63  }
.Ltmp3:
0x103: {  	_ =	swait.ge [sflag:s7], $0x2800;
	(pc) =	sbr.rel @p1 .LBB2_6-.Ltmp3, $4  }
0x104: {  	[sflag:s7] =	ssyncset.done $0x0  }
0x105: {  	s20 =	sadd.s32 $0x9CE, s20;
	[sflag:s7] =	ssyncadd.s32 $0xFFFFD800  }
0x106: {  	[tilespmem:s1], [sflag:$0x4] =	stream.linear.gather [hbm4b:s20+s4], $0x50, $0x38;
	[tilespmem:$0x1DF80] =	vst v63  }
0x107: {  	s30 =	sadd.s32 $0xA0, s30  }
.Ltmp4:
0x108: {  	_ = 	snop;
	(pc) =	sbr.rel .LBB2_7-.Ltmp4, $1  }
0x109: {  	_ =	sdelay $0x3  }
.LBB2_2:
0x10a: {  	s16 =	rddreg [dreg:$0x10]  }
0x10b: {  	[tilespmem:s6], [sflag:$0x5] =	stream.linear.gather [hbm4b:s16+s4], $0x2800, $0x38;
	[tilespmem:$0x1DF80] =	vst v63  }
0x10c: {  	_ =	swait.ge [sflag:s7], $0x2800  }
0x10d: {  	[sflag:s7] =	ssyncset.done $0x0  }
0x10e: {  	[sflag:s7] =	ssyncadd.s32 $0xFFFFD800  }
0x10f: {  	[spmem:s11] =	stream.linear.scatter [tilespmem:s6], [sflag:$0x5], $0x2800, $0x38;
	[tilespmem:$0x1DF80] =	vst v63  }
0x110: {  	_ =	swait.ge [sflag:s7], $0x2800  }
0x111: {  	[sflag:s7] =	ssyncset.done $0x0  }
0x112: {  	s18 =	rddreg [dreg:$0x11];
	[sflag:s7] =	ssyncadd.s32 $0xFFFFD800  }
0x113: {  	[tilespmem:s6], [sflag:$0x5] =	stream.linear.gather [hbm4b:s18+s4], $0x2800, $0x38;
	[tilespmem:$0x1DF80] =	vst v63  }
0x114: {  	_ =	swait.ge [sflag:s7], $0x2800  }
0x115: {  	[sflag:s7] =	ssyncset.done $0x0  }
0x116: {  	[sflag:s7] =	ssyncadd.s32 $0xFFFFD800  }
0x117: {  	[spmem:s13] =	stream.linear.scatter [tilespmem:s6], [sflag:$0x5], $0x2800, $0x38;
	[tilespmem:$0x1DF80] =	vst v63  }
0x118: {  	_ =	swait.ge [sflag:s7], $0x2800  }
0x119: {  	[sflag:s7] =	ssyncset.done $0x0  }
0x11a: {  	s20 =	rddreg [dreg:$0x12];
	[sflag:s7] =	ssyncadd.s32 $0xFFFFD800  }
0x11b: {  	[tilespmem:s6], [sflag:$0x5] =	stream.linear.gather [hbm4b:s20+s4], $0x2800, $0x38;
	[tilespmem:$0x1DF80] =	vst v63  }
0x11c: {  	_ =	swait.ge [sflag:s7], $0x2800  }
0x11d: {  	[sflag:s7] =	ssyncset.done $0x0  }
0x11e: {  	[sflag:s7] =	ssyncadd.s32 $0xFFFFD800  }
0x11f: {  	[spmem:s15] =	stream.linear.scatter [tilespmem:s6], [sflag:$0x5], $0x2800, $0x38;
	[tilespmem:$0x1DF80] =	vst v63  }
0x120: {  	_ =	swait.ge [sflag:s7], $0x2800  }
0x121: {  	[sflag:s7] =	ssyncset.done $0x0  }
0x122: {  	s23 =	rddreg [dreg:$0x13];
	[sflag:s7] =	ssyncadd.s32 $0xFFFFD800  }
0x123: {  	[tilespmem:s6], [sflag:$0x5] =	stream.linear.gather [hbm4b:s23+s4], $0x2800, $0x38;
	[tilespmem:$0x1DF80] =	vst v63  }
0x124: {  	_ =	swait.ge [sflag:s7], $0x2800  }
0x125: {  	[sflag:s7] =	ssyncset.done $0x0  }
0x126: {  	[sflag:s7] =	ssyncadd.s32 $0xFFFFD800  }
0x127: {  	[spmem:s17] =	stream.linear.scatter [tilespmem:s6], [sflag:$0x5], $0x2800, $0x38;
	[tilespmem:$0x1DF80] =	vst v63  }
0x128: {  	_ =	swait.ge [sflag:s7], $0x2800  }
0x129: {  	[sflag:s7] =	ssyncset.done $0x0  }
0x12a: {  	s18 =	rddreg [dreg:$0x14];
	[sflag:s7] =	ssyncadd.s32 $0xFFFFD800  }
0x12b: {  	[tilespmem:s6], [sflag:$0x5] =	stream.linear.gather [hbm4b:s18+s4], $0x2800, $0x38;
	[tilespmem:$0x1DF80] =	vst v63  }
0x12c: {  	_ =	swait.ge [sflag:s7], $0x2800  }
0x12d: {  	[sflag:s7] =	ssyncset.done $0x0  }
0x12e: {  	[sflag:s7] =	ssyncadd.s32 $0xFFFFD800  }
0x12f: {  	[spmem:s19] =	stream.linear.scatter [tilespmem:s6], [sflag:$0x5], $0x2800, $0x38;
	[tilespmem:$0x1DF80] =	vst v63  }
0x130: {  	_ =	swait.ge [sflag:s7], $0x2800  }
0x131: {  	[sflag:s7] =	ssyncset.done $0x0  }
0x132: {  	s20 =	rddreg [dreg:$0x15];
	[sflag:s7] =	ssyncadd.s32 $0xFFFFD800  }
0x133: {  	[tilespmem:s6], [sflag:$0x5] =	stream.linear.gather [hbm4b:s20+s4], $0x2800, $0x38;
	[tilespmem:$0x1DF80] =	vst v63  }
0x134: {  	_ =	swait.ge [sflag:s7], $0x2800  }
0x135: {  	[sflag:s7] =	ssyncset.done $0x0  }
0x136: {  	[sflag:s7] =	ssyncadd.s32 $0xFFFFD800  }
0x137: {  	[spmem:s21] =	stream.linear.scatter [tilespmem:s6], [sflag:$0x5], $0x2800, $0x38;
	[tilespmem:$0x1DF80] =	vst v63  }
0x138: {  	_ =	swait.ge [sflag:s7], $0x2800  }
0x139: {  	[sflag:s7] =	ssyncset.done $0x0  }
0x13a: {  	s23 =	rddreg [dreg:$0x16];
	[sflag:s7] =	ssyncadd.s32 $0xFFFFD800  }
0x13b: {  	[tilespmem:s6], [sflag:$0x5] =	stream.linear.gather [hbm4b:s23+s4], $0x2800, $0x38;
	[tilespmem:$0x1DF80] =	vst v63  }
0x13c: {  	_ =	swait.ge [sflag:s7], $0x2800  }
0x13d: {  	[sflag:s7] =	ssyncset.done $0x0  }
0x13e: {  	[sflag:s7] =	ssyncadd.s32 $0xFFFFD800  }
0x13f: {  	[spmem:s25] =	stream.linear.scatter [tilespmem:s6], [sflag:$0x5], $0x2800, $0x38;
	[tilespmem:$0x1DF80] =	vst v63  }
0x140: {  	_ =	swait.ge [sflag:s7], $0x2800  }
0x141: {  	[sflag:s7] =	ssyncset.done $0x0  }
0x142: {  	s18 =	rddreg [dreg:$0x17];
	[sflag:s7] =	ssyncadd.s32 $0xFFFFD800  }
0x143: {  	[tilespmem:s6], [sflag:$0x5] =	stream.linear.gather [hbm4b:s18+s4], $0x2800, $0x38;
	[tilespmem:$0x1DF80] =	vst v63  }
0x144: {  	_ =	swait.ge [sflag:s7], $0x2800  }
0x145: {  	[sflag:s7] =	ssyncset.done $0x0  }
0x146: {  	[sflag:s7] =	ssyncadd.s32 $0xFFFFD800  }
0x147: {  	[spmem:s28] =	stream.linear.scatter [tilespmem:s6], [sflag:$0x5], $0x2800, $0x38;
	[tilespmem:$0x1DF80] =	vst v63  }
0x148: {  	_ =	swait.ge [sflag:s7], $0x2800  }
0x149: {  	[sflag:s7] =	ssyncset.done $0x0  }
0x14a: {  	[sflag:s7] =	ssyncadd.s32 $0xFFFFD800  }
0x14b: {  	[bflag:$0x0] =	sbarrier.arrive $0xFFFF  }
0x14c: {  	s18 =	simm.s32 $0x14000;
	s20 =	rddreg [dreg:$0x6]  }
0x14d: {  	[tilespmem:s18], [sflag:$0x5] =	stream.linear.gather [hbm4b:s20+s4], $0x4E20, $0x38;
	[tilespmem:$0x1DF80] =	vst v63  }
0x14e: {  	_ =	swait.ge [sflag:s7], $0x4E20  }
0x14f: {  	[sflag:s7] =	ssyncset.done $0x0  }
0x150: {  	s23 =	rddreg [dreg:$0x7];
	[sflag:s7] =	ssyncadd.s32 $0xFFFFB1E0  }
0x151: {  	[tilespmem:s31], [sflag:$0x3] =	stream.linear.gather [hbm4b:s23+s4], $0x50, $0x38;
	[tilespmem:$0x1DF80] =	vst v63  }
0x152: {  	_ = 	snop  }
0x153: {  	[tilespmem:s6], [sflag:$0x1] =	stream.indirect.gather [hbm4b:s2+s0], $0x80, s18, s0, $0xb8;
	[tilespmem:$0x1DF80] =	vst v63  }
0x154: {  	s18 =	rddreg [dreg:$0xf]  }
0x155: {  	[tilespmem:s1], [sflag:$0x4] =	stream.linear.gather [hbm4b:s18+s4], $0x50, $0x38;
	[tilespmem:$0x1DF80] =	vst v63  }
0x156: {  	s20 =	simm.s32 $0x14050  }
0x157: {  	[tilespmem:s8], [sflag:$0x2] =	stream.indirect.gather [hbm4b:s2+s0], $0x80, s20, s0, $0xb8;
	[tilespmem:$0x1DF80] =	vst v63  }
0x158: {  	_ =	swait.ge [sflag:s10], $0x2800  }
0x159: {  	[sflag:s10] =	ssyncset.done $0x0  }
0x15a: {  	[sflag:s10] =	ssyncadd.s32 $0xFFFFD800  }
0x15b: {  	_ =	swait.ge [sflag:s9], $0x50  }
0x15c: {  	[sflag:s9] =	ssyncset.done $0x0  }
0x15d: {  	[sflag:s9] =	ssyncadd.s32 $0xFFFFFFB0  }
0x15e: {  	[spmem:s3] =	stream.indirect.scatter.add.f32 [tilespmem:s6], [sflag:$0x5], $0x80, s31, s0, $0xb8;
	[tilespmem:$0x1DF80] =	vst v63  }
0x15f: {  	_ =	swait.ge [sflag:s7], $0x2800  }
0x160: {  	s23 =	sadd.s32 $0xFFFFF650, s22;
	[sflag:s7] =	ssyncset.done $0x0  }
0x161: {  	s30 =	sadd.s32 $0x9C4, s23;
	[sflag:s7] =	ssyncadd.s32 $0xFFFFD800  }
0x162: {  	[tilespmem:s31], [sflag:$0x3] =	stream.linear.gather [hbm4b:s30+s4], $0x50, $0x38;
	[tilespmem:$0x1DF80] =	vst v63  }
0x163: {  	s30 =	simm.s32 $0x140A0  }
0x164: {  	[tilespmem:s6], [sflag:$0x1] =	stream.indirect.gather [hbm4b:s2+s0], $0x80, s30, s0, $0xb8;
	[tilespmem:$0x1DF80] =	vst v63  }
0x165: {  	_ =	swait.ge [sflag:s29], $0x2800  }
0x166: {  	[sflag:s29] =	ssyncset.done $0x0  }
0x167: {  	[sflag:s29] =	ssyncadd.s32 $0xFFFFD800  }
0x168: {  	_ =	swait.ge [sflag:s12], $0x50  }
0x169: {  	[sflag:s12] =	ssyncset.done $0x0  }
0x16a: {  	[sflag:s12] =	ssyncadd.s32 $0xFFFFFFB0  }
0x16b: {  	[spmem:s3] =	stream.indirect.scatter.add.f32 [tilespmem:s8], [sflag:$0x5], $0x80, s1, s0, $0xb8;
	[tilespmem:$0x1DF80] =	vst v63  }
0x16c: {  	_ =	swait.ge [sflag:s7], $0x2800  }
0x16d: {  	[sflag:s7] =	ssyncset.done $0x0  }
0x16e: {  	s18 =	sadd.s32 $0x9CE, s23;
	[sflag:s7] =	ssyncadd.s32 $0xFFFFD800  }
0x16f: {  	[tilespmem:s1], [sflag:$0x4] =	stream.linear.gather [hbm4b:s18+s4], $0x50, $0x38;
	[tilespmem:$0x1DF80] =	vst v63  }
0x170: {  	s16 =	simm.s32 $0x140F0;
	s30 =	simm.s32 $0x14190;
	s18 =	simm.s32 $0xFFFFF664  }
.LBB2_3:
0x171: {  	[tilespmem:s8], [sflag:$0x2] =	stream.indirect.gather [hbm4b:s2+s0], $0x80, s16, s0, $0xb8;
	[tilespmem:$0x1DF80] =	vst v63  }
0x172: {  	s20 =	smov.u32 s18;
	s16 =	smov.u32 s30  }
0x173: {  	p1 =	seq.s32 s18, $0xFFFFFFEC;
	s18 =	sadd.s32 $0x14, s18;
	_ =	swait.ge [sflag:s10], $0x2800  }
0x174: {  	[sflag:s10] =	ssyncset.done $0x0  }
0x175: {  	[sflag:s10] =	ssyncadd.s32 $0xFFFFD800  }
0x176: {  	_ =	swait.ge [sflag:s9], $0x50  }
0x177: {  	[sflag:s9] =	ssyncset.done $0x0  }
0x178: {  	[sflag:s9] =	ssyncadd.s32 $0xFFFFFFB0  }
0x179: {  	[spmem:s3] =	stream.indirect.scatter.add.f32 [tilespmem:s6], [sflag:$0x5], $0x80, s31, s0, $0xb8;
	[tilespmem:$0x1DF80] =	vst v63  }
0x17a: {  	_ =	swait.ge [sflag:s7], $0x2800  }
0x17b: {  	s20 =	sadd.s32 s20, s22;
	[sflag:s7] =	ssyncset.done $0x0  }
0x17c: {  	s23 =	sadd.s32 $0x9C4, s20;
	[sflag:s7] =	ssyncadd.s32 $0xFFFFD800  }
0x17d: {  	[tilespmem:s31], [sflag:$0x3] =	stream.linear.gather [hbm4b:s23+s4], $0x50, $0x38;
	[tilespmem:$0x1DF80] =	vst v63  }
0x17e: {  	s23 =	sadd.s32 $0xFFFFFFB0, s30  }
0x17f: {  	[tilespmem:s6], [sflag:$0x1] =	stream.indirect.gather [hbm4b:s2+s0], $0x80, s23, s0, $0xb8;
	[tilespmem:$0x1DF80] =	vst v63  }
0x180: {  	_ =	swait.ge [sflag:s29], $0x2800  }
0x181: {  	[sflag:s29] =	ssyncset.done $0x0  }
0x182: {  	[sflag:s29] =	ssyncadd.s32 $0xFFFFD800  }
0x183: {  	_ =	swait.ge [sflag:s12], $0x50  }
0x184: {  	[sflag:s12] =	ssyncset.done $0x0  }
0x185: {  	[sflag:s12] =	ssyncadd.s32 $0xFFFFFFB0  }
0x186: {  	[spmem:s3] =	stream.indirect.scatter.add.f32 [tilespmem:s8], [sflag:$0x5], $0x80, s1, s0, $0xb8;
	[tilespmem:$0x1DF80] =	vst v63  }
.Ltmp5:
0x187: {  	_ =	swait.ge [sflag:s7], $0x2800;
	(pc) =	sbr.rel @!p1 .LBB2_3-.Ltmp5, $4  }
0x188: {  	[sflag:s7] =	ssyncset.done $0x0  }
0x189: {  	s20 =	sadd.s32 $0x9CE, s20;
	[sflag:s7] =	ssyncadd.s32 $0xFFFFD800  }
0x18a: {  	[tilespmem:s1], [sflag:$0x4] =	stream.linear.gather [hbm4b:s20+s4], $0x50, $0x38;
	[tilespmem:$0x1DF80] =	vst v63  }
0x18b: {  	s30 =	sadd.s32 $0xA0, s30  }
.Ltmp6:
0x18c: {  	(pc) =	sbr.rel .LBB2_8-.Ltmp6, $3  }
0x18d: {  	_ =	sdelay $0x1  }
0x18e: {  	[tilespmem:s8], [sflag:$0x2] =	stream.indirect.gather [hbm4b:s2+s0], $0x80, s16, s0, $0xb8;
	[tilespmem:$0x1DF80] =	vst v63  }
0x18f: {  	s16 =	rddreg [dreg:$0x4]  }
.LBB2_9:
0x190: {  	_ =	sfence.sel $0x180000  }
0x191: {  	[bflag:$0x0] =	sbarrier.arrive $0xFFFF  }
0x192: {  	_ =	strace $0x9000004D  }
0x193: {  	s0 =	stileid.u32;
	[bflag:$0x2] =	sbarrier.arrive $0xFFFF  }
0x194: {  	p0 =	sne.s32 s0, $0x0;
	s0 =	rddreg [dreg:$0x3]  }
0x195: {  	s0 =	sadd.s32 @!p0 $0x100000, s0  }
0x196: {  	[sflag:s0] =	ssyncadd.tile.s32 @!p0 $0x1;
	_ =	shalt  }
.Lfunc_end2:
_tile_overlayer_lowered:
.L_overlay_start_2:
0x197: {  	(tag) =	ssettag $0x2  }
0x198: {  	s0 =	rddreg [dreg:$0x0];
	s2 =	stileid.u32  }
0x199: {  	s1 =	rddreg [dreg:$0x1];
	p0 =	sne.s32 s2, $0x0  }
0x19a: {  	s3 =	rddreg [dreg:$0x2];
	[bflag:$0x3] =	sbarrier.arrive $0xFFFF;
	s2 =	simm.s32 @!p0 $0x1C05  }
0x19b: {  	[timem:s3], [sflag:s2] =	dma.local @!p0 [hbm:s0], s1  }
0x19c: {  	s0 =	simm.s32 @!p0 $0x5  }
0x19d: {  	_ =	swait.ge @!p0 [sflag:s0], s1  }
0x19e: {  	s1 =	ssub.s32 @!p0 $0x0, s1;
	[sflag:s0] =	ssyncset.done @!p0 $0x0  }
0x19f: {  	[sflag:s0] =	ssyncadd.s32 @!p0 s1  }
0x1a0: {  	[bflag:$0x3] =	sbarrier.arrive $0xFFFF  }
0x1a1: {  	_ =	shalt  }

// kernel: kernel.8.cloned.1.call-start
scs
__scs_entry_jumppad:
0x0: {  	(pc) =	sbr.rel $0x88, $3  }
0x1: {  	(tag) =	ssettag $0x0;
	lr =	simm.s32 $0x1  }
0x2: {  	[smem:$0x3F99] =	sst lr;
	_ =	strace $0xD0000000  }
0x3: {  	_ = 	snop  }
0x4: {  	_ = 	snop  }
0x5: {  	_ = 	snop  }
0x6: {  	_ = 	snop  }
0x7: {  	_ = 	snop  }
__scs_overlays_trampoline_lowered:
0x8: {  	[smem:$0x3FA8] =	sst s0  }
0x9: {  	[smem:$0x3FA9] =	sst s1  }
0xa: {  	[smem:$0x3FAA] =	sst s2  }
0xb: {  	[smem:$0x3FAB] =	sst s3  }
0xc: {  	[smem:$0x3FAC] =	sst s4  }
0xd: {  	[smem:$0x3FAD] =	sst s5  }
0xe: {  	[smem:$0x3FAE] =	sst s6  }
0xf: {  	[smem:$0x3FAF] =	sst s7  }
0x10: {  	[smem:$0x3FB0] =	sst s8  }
0x11: {  	[smem:$0x3FB1] =	sst s9;
	s0 =	simm.s32 @!p0 $0x0  }
0x12: {  	s1 =	sld [smem:$0x3F97];
	s0 =	simm.s32 @p0 $0x1  }
0x13: {  	[smem:$0x3FB2] =	sst s0;
	s0 =	simm.s32 @!p1 $0x0  }
0x14: {  	s2 =	sld [smem:$0x3F96];
	s0 =	simm.s32 @p1 $0x1  }
0x15: {  	[smem:$0x3FB3] =	sst s0;
	s0 =	simm.s32 @!p2 $0x0  }
0x16: {  	s3 =	sld [smem:$0x3FDB];
	s0 =	simm.s32 @p2 $0x1  }
0x17: {  	s4 =	simm.s32 $0x1BF5;
	[smem:$0x3FB5] =	sst s0  }
0x18: {  	s0 =	sld [smem:$0x3F98];
	_ =	swait.ge [sflag:s4], $0x0  }
0x19: {  	s7 =	sld [smem:$0x3F99]  }
0x1a: {  	s8 =	sadd.s32 $0xFFFFE003, lr  }
0x1b: {  	s9 =	sadd.s32 $0xFFFFFEF7, lr;
	s5 =	simm.s32 $0xFFFFFFFF;
	p2 =	slt.u32 s8, $0xFFFFF086  }
0x1c: {  	p1 =	slt.u32 s9, $0xF7A;
	s5 =	simm.s32 @!p2 $0x0  }
0x1d: {  	s5 =	simm.s32 @p1 $0x1;
	p0 =	seq.s32 s7, s2  }
0x1e: {  	s7 =	smul.u32 @!p0 $0xF7A, s2;
	p2 =	seq.s32 @!p0 s5, $0x0  }
0x1f: {  	s9 =	smul.u32 $0xF7A, s1;
	s8 =	simm.s32 @!p0 $0x1BF5;
	p2 =	por !p2, p0  }
0x20: {  	[sflag:s8] =	ssyncset.s32 @!p0 $0xFFFFF086;
	s6 =	sadd.s32 @!p0 s3, s7;
	s7 =	simm.s32 @!p0 $0x108  }
0x21: {  	s3 =	sadd.s32 s3, s9;
	s6 =	sadd.s32 @!p0 $0x88, s6;
	s7 =	simm.s32 @p2 $0x1082  }
0x22: {  	[simem:s7], [sflag:s8] =	dma.local @!p0 [hbm:s6], $0xF7A  }
0x23: {  	s9 =	sor.u32 $0xD0000000, s2;
	s6 =	simm.s32 $0x108;
	_ =	swait.ge @!p0 [sflag:s8], $0x0  }
0x24: {  	s3 =	sadd.s32 $0x88, s3;
	s6 =	simm.s32 @!p1 $0x1082;
	[sflag:s4] =	ssyncset.s32 $0xFFFFF086  }
0x25: {  	[simem:s6], [sflag:s4] =	dma.local [hbm:s3], $0xF7A  }
0x26: {  	[smem:$0x3F99] =	sst s1;
	(tag) =	ssettag s2;
	_ =	strace s9  }
0x27: {  	s1 =	sld [smem:$0x3FA9]  }
0x28: {  	s2 =	sld [smem:$0x3FAA]  }
0x29: {  	s4 =	sld [smem:$0x3FAC]  }
0x2a: {  	p0 =	seq.s32 s5, $0x0;
	s5 =	sld [smem:$0x3FAD]  }
0x2b: {  	s6 =	sld [smem:$0x3FAE]  }
0x2c: {  	s7 =	sld [smem:$0x3FAF]  }
0x2d: {  	s3 =	simm.s32 $0x108;
	s8 =	sld [smem:$0x3FB0]  }
0x2e: {  	s3 =	simm.s32 @!p0 $0x1082;
	s9 =	sld [smem:$0x3FB1]  }
0x2f: {  	lr =	sadd.s32 s0, s3;
	s0 =	sld [smem:$0x3FA8]  }
0x30: {  	s3 =	sld [smem:$0x3FAB]  }
0x31: {  	[smem:$0x3FB4] =	sst s10  }
0x32: {  	s10 =	sld [smem:$0x3FB2];
	_ =	sdelay $0x3  }
0x33: {  	p0 =	seq.s32 s10, $0x1;
	s10 =	sld [smem:$0x3FB4];
	_ =	sdelay $0x3  }
0x34: {  	[smem:$0x3FB4] =	sst s10  }
0x35: {  	s10 =	sld [smem:$0x3FB3];
	_ =	sdelay $0x3  }
0x36: {  	p1 =	seq.s32 s10, $0x1;
	s10 =	sld [smem:$0x3FB4];
	_ =	sdelay $0x3  }
0x37: {  	[smem:$0x3FB4] =	sst s10  }
0x38: {  	s10 =	sld [smem:$0x3FB5]  }
0x39: {  	_ = 	snop;
	(pc) =	sbr.ind lr, $3  }
0x3a: {  	_ = 	snop  }
0x3b: {  	_ = 	snop  }
0x3c: {  	p2 =	seq.s32 s10, $0x1;
	s10 =	sld [smem:$0x3FB4]  }
0x3d: {  	_ =	shalt  }
0x3e: {  	_ =	shalt  }
0x3f: {  	_ =	shalt  }
0x40: {  	_ =	shalt  }
0x41: {  	_ =	shalt  }
0x42: {  	_ =	shalt  }
0x43: {  	_ =	shalt  }
0x44: {  	_ =	shalt  }
0x45: {  	_ =	shalt  }
0x46: {  	_ =	shalt  }
0x47: {  	_ =	shalt  }
0x48: {  	_ =	shalt  }
0x49: {  	_ =	shalt  }
0x4a: {  	_ =	shalt  }
0x4b: {  	_ =	shalt  }
0x4c: {  	_ =	shalt  }
0x4d: {  	_ =	shalt  }
0x4e: {  	_ =	shalt  }
0x4f: {  	_ =	shalt  }
0x50: {  	_ =	shalt  }
0x51: {  	_ =	shalt  }
0x52: {  	_ =	shalt  }
0x53: {  	_ =	shalt  }
0x54: {  	_ =	shalt  }
0x55: {  	_ =	shalt  }
0x56: {  	_ =	shalt  }
0x57: {  	_ =	shalt  }
0x58: {  	_ =	shalt  }
0x59: {  	_ =	shalt  }
0x5a: {  	_ =	shalt  }
0x5b: {  	_ =	shalt  }
0x5c: {  	_ =	shalt  }
0x5d: {  	_ =	shalt  }
0x5e: {  	_ =	shalt  }
0x5f: {  	_ =	shalt  }
0x60: {  	_ =	shalt  }
0x61: {  	_ =	shalt  }
0x62: {  	_ =	shalt  }
0x63: {  	_ =	shalt  }
0x64: {  	_ =	shalt  }
0x65: {  	_ =	shalt  }
0x66: {  	_ =	shalt  }
0x67: {  	_ =	shalt  }
0x68: {  	_ =	shalt  }
0x69: {  	_ =	shalt  }
0x6a: {  	_ =	shalt  }
0x6b: {  	_ =	shalt  }
0x6c: {  	_ =	shalt  }
0x6d: {  	_ =	shalt  }
0x6e: {  	_ =	shalt  }
0x6f: {  	_ =	shalt  }
0x70: {  	_ =	shalt  }
0x71: {  	_ =	shalt  }
0x72: {  	_ =	shalt  }
0x73: {  	_ =	shalt  }
0x74: {  	_ =	shalt  }
0x75: {  	_ =	shalt  }
0x76: {  	_ =	shalt  }
0x77: {  	_ =	shalt  }
0x78: {  	_ =	shalt  }
0x79: {  	_ =	shalt  }
0x7a: {  	_ =	shalt  }
0x7b: {  	_ =	shalt  }
0x7c: {  	_ =	shalt  }
0x7d: {  	_ =	shalt  }
0x7e: {  	_ =	shalt  }
0x7f: {  	_ =	shalt  }
0x80: {  	_ =	shalt  }
0x81: {  	_ =	shalt  }
0x82: {  	_ =	shalt  }
0x83: {  	_ =	shalt  }
0x84: {  	_ =	shalt  }
0x85: {  	_ =	shalt  }
0x86: {  	_ =	shalt  }
0x87: {  	_ =	shalt  }
.Lfunc_end0:
.L_simem_size_0:
called_computation_lowered:
.L_overlay_start_0:
0x88: {  	s2 =	sld [smem:$0x3FD9]  }
0x89: {  	s3 =	sld [smem:$0x3FFE];
	_ =	sdelay $0x1  }
0x8a: {  	s1 =	srdreg.scid  }
0x8b: {  	s0 =	sand.u32 $0x1, s1  }
0x8c: {  	s17 =	sshll.u32 s0, $0xA;
	s2 =	sadd.s32 s3, s2  }
0x8d: {  	s2 =	sadd.s32 s2, s17  }
0x8e: {  	[smem:$0x3FC0] =	sst s2  }
0x8f: {  	_ = 	snop  }
0x90: {  	s2 =	sld [smem:$0x3FD0];
	(tm) =	ssettm $0x1  }
0x91: {  	s18 =	sld [smem:$0x3FFB];
	_ =	sdelay $0x3  }
0x92: {  	_ =	strace s18  }
0x93: {  	s3 =	sld [smem:$0x3FFC];
	_ =	sdelay $0x3  }
0x94: {  	_ =	strace s3  }
0x95: {  	s3 =	sld [smem:$0x3FFD];
	_ =	sdelay $0x3  }
0x96: {  	_ =	strace s3  }
0x97: {  	_ =	strace $0x8FFFFFFF  }
0x98: {  	s19 =	sld [smem:$0x3FDB];
	_ =	sdelay $0x1  }
0x99: {  	s4 =	simm.s32 $_scs_section_size  }
0x9a: {  	s5 =	simm.s32 $_size__tile_overlayer_lowered;
	s6 =	simm.s32 $_tile_overlayer_lowered  }
0x9b: {  	s22 =	simm.s32 $0x1BFF;
	s21 =	sshll.u32 s6, $0x1;
	s3 =	sadd.s32 s4, s19  }
0x9c: {  	s7 =	simm.s32 $0x0;
	s20 =	sshll.u32 s5, $0x1;
	s5 =	sadd.s32 s21, s3  }
0x9d: {  	[timem:s7], [sflag:s22] =	dma.local [hbm:s5], s20  }
0x9e: {  	_ =	swait.ge [sflag:s22], s20  }
0x9f: {  	s4 =	ssub.s32 $0x0, s20;
	[sflag:s22] =	ssyncset.done $0x0  }
0xa0: {  	[sflag:s22] =	ssyncadd.s32 s4;
	_ =	sdelay $0x1  }
0xa1: {  	s23 =	simm.s32 $0x1B8B  }
0xa2: {  	_ =	swait.ge [sflag:s23], $0x1  }
0xa3: {  	[sflag:s23] =	ssyncset.done $0x0  }
0xa4: {  	s25 =	simm.s32 $0x1B8E;
	s24 =	sld [smem:$0x3FFE];
	[sflag:s23] =	ssyncadd.s32 $0xFFFFFFFF  }
0xa5: {  	s26 =	simm.s32 $execute0_lowered;
	[smem:$0x3FD2] =	sst s25  }
0xa6: {  	s5 =	sshll.u32 s26, $0x1;
	_ =	strace $0x80000046;
	[dreg:$0x1] =	wrdreg $0xFFFFFFFF  }
0xa7: {  	s28 =	simm.s32 $_size_execute0_lowered;
	s3 =	sadd.s32 s3, s5;
	[dreg:$0x0] =	wrdreg $0x0  }
0xa8: {  	s5 =	sshll.u32 s28, $0x1;
	[dreg:$0x2] =	wrdreg s3  }
0xa9: {  	[dreg:$0x3] =	wrdreg s5  }
0xaa: {  	[dreg:$0x4] =	wrdreg $0xC0  }
0xab: {  	_ =	task [dreg:s7], $0x5FFFF  }
0xac: {  	[dreg:$0x1] =	wrdreg $0xFFFFFFFF  }
0xad: {  	[dreg:$0x0] =	wrdreg $0x60  }
0xae: {  	[dreg:$0x2] =	wrdreg s24  }
0xaf: {  	[dreg:$0x3] =	wrdreg s2  }
0xb0: {  	[dreg:$0x4] =	wrdreg $0x9  }
0xb1: {  	_ =	task.clear_ibuf [dreg:s7], $0x5FFFF;
	_ =	strace $0x90000046  }
0xb2: {  	s29 =	simm.s32 $0x9;
	_ =	strace $0x80000048  }
0xb3: {  	_ =	swait.ge [sflag:s29], $0x1  }
0xb4: {  	[sflag:s29] =	ssyncadd.s32 $0xFFFFFFFF  }
0xb5: {  	_ =	strace $0x90000048  }
0xb6: {  	_ =	sfence  }
0xb7: {  	s30 =	sld [smem:$0x0];
	_ =	sdelay $0x2  }
0xb8: {  	s31 =	sshll.u32 s1, $0xD;
	s1 =	sshrl.u32 s1, $0x2  }
0xb9: {  	s3 =	sand.u32 $0x4000, s31;
	s1 =	sadd.s32 s1, s30  }
0xba: {  	s0 =	sor.u32 s3, s0;
	s1 =	sshll.u32 s1, $0x11  }
0xbb: {  	s0 =	sor.u32 s1, s0  }
0xbc: {  	s0 =	sadd.s32 $0x8F2B, s0  }
0xbd: {  	[sflag:s0] =	ssyncadd.remote.s32 $0x1  }
0xbe: {  	_ =	sfence.sel $0xFFFF  }
0xbf: {  	[dreg:$0x0] =	wrdreg $0xFFFFFFFF;
	(pc) =	sbr.abs _section_cstart, $3  }
0xc0: {  	[dreg:$0x1] =	wrdreg $0xFFFFFFFF  }
0xc1: {  	_ =	task.clear_ibuf [dreg:s7], $0x2FFFF;
	_ =	strace $0x9FFFFFFF  }
0xc2: {  	(tm) =	ssettm $0x7FFFFFFF  }
0xc3: {  	_ =	shalt  }
tec
execute0_lowered:
.L_overlay_start_1:
0x0: {  	(tag) =	ssettag $0x1  }
0x1: {  	s3 =	rddreg [dreg:$0x0];
	s1 =	srdreg.scid  }
0x2: {  	s0 =	stileid.u32;
	s4 =	rddreg [dreg:$0x1];
	s11 =	simm.s32 $0x1  }
0x3: {  	s12 =	simm.s32 $0x80;
	s13 =	simm.s32 $0x400;
	s14 =	simm.s32 $0x0  }
0x4: {  	s5 =	sand.u32 $0x1, s1;
	s2 =	sshll.u32 s0, $0x1;
	s8 =	sshrl.u32 s0, $0x2  }
0x5: {  	s1 =	rddreg [dreg:$0x2];
	s6 =	sor.u32 s5, s2;
	s8 =	smul.u32 $0x14000, s8  }
0x6: {  	s2 =	simm.s32 $0x0;
	s7 =	smul.u32 $0x2710, s6;
	s6 =	sshll.u32 s6, $0x7  }
0x7: {  	s5 =	ssub.s32 $0x2, s5;
	[smem:$0x7FF] =	sst s2;
	s6 =	sand.u32 $0x380, s6  }
0x8: {  	s9 =	sshrl.u32 s5, $0x1;
	_ =	strace $0x80000047;
	s6 =	sor.u32 s8, s6  }
0x9: {  	s5 =	ssub.s32 s5, s9;
	s7 =	sshrl.u32 s7, $0x3;
	s31 =	sshrl.u32 s6, $0x3  }
0xa: {  	s10 =	sadd.s32 s7, s3;
	s3 =	sadd.s32 s4, s31;
	s4 =	smax.u32 s5, $0x1  }
0xb: {  	s5 =	sadd.s32 $0xD400, s10;
	s6 =	sadd.s32 $0xD4FA, s10;
	s7 =	sadd.s32 $0xD5F4, s10  }
0xc: {  	v0 =	vimm.f32 $0.0e+00;
	v1 =	vimm.f32 $1.000000000e+00;
	s8 =	sadd.s32 $0xD6EE, s10;
	s9 =	sadd.s32 $0xD7E8, s10;
	s10 =	simm.s32 $0x2800  }
.LBB2_1:
0xd: {  	s15 =	simm.s32 $0x40;
	s16 =	simm.s32 $0x0  }
.LBB2_2:
0xe: {  	p0 =	sne.s32 s15, $0x9FC0;
	[tilespmem:s16+$0x0] =	vst v0;
	s16 =	smov.u32 s15;
	s15 =	sadd.s32 $0x40, s15  }
.Ltmp0:
0xf: {  	(pc) =	sbr.rel @p0 .LBB2_2-.Ltmp0, $2  }
0x10: {  	_ =	sdelay $0x2  }
0x11: {  	s16 =	sshra.s32 s16, $0x2  }
0x12: {  	[tilespmem:s16+$0x0] =	vst v0;
	s15 =	simm.s32 $0x0  }
0x13: {  	[tilespmem:s10], [sflag:$0x1] =	stream.linear.gather [hbm4b:s5+s15], $0x7D0, $0x38;
	[tilespmem:$0x3000] =	vst v63  }
0x14: {  	_ =	swait.ge [sflag:s11], $0x7D0  }
0x15: {  	[sflag:s11] =	ssyncset.done $0x0  }
0x16: {  	s16 =	simm.s32 $0x0;
	s15 =	simm.s32 $0x40;
	[sflag:s11] =	ssyncadd.s32 $0xFFFFF830  }
.LBB2_4:
0x17: {  	p0 =	sne.s32 s15, $0x1F00;
	v2 =	vld [tilespmem:s16+$0x2800];
	_ =	sdelay $0x3  }
.Ltmp1:
0x18: {  	(pc) =	sbr.rel @p0 .LBB2_4-.Ltmp1, $2  }
0x19: {  	_ =	sdelay $0x2  }
0x1a: {  	s16 =	sshra.s32 s15, $0x2;
	s15 =	sadd.s32 $0x40, s15;
	[tilespmem:v2+s2+$0x0] =	vst.idx.add.f32.msk $0xffff, v1  }
0x1b: {  	v2 =	vld [tilespmem:s16+$0x2800];
	_ =	sdelay $0x7  }
0x1c: {  	s15 =	simm.s32 $0x0;
	[tilespmem:v2+s2+$0x0] =	vst.idx.add.f32.msk $0xffff, v1  }
0x1d: {  	[tilespmem:s10], [sflag:$0x1] =	stream.linear.gather [hbm4b:s6+s15], $0x7D0, $0x38;
	[tilespmem:$0x3000] =	vst v63  }
0x1e: {  	_ =	swait.ge [sflag:s11], $0x7D0  }
0x1f: {  	[sflag:s11] =	ssyncset.done $0x0  }
0x20: {  	s16 =	simm.s32 $0x0;
	s15 =	simm.s32 $0x40;
	[sflag:s11] =	ssyncadd.s32 $0xFFFFF830  }
.LBB2_6:
0x21: {  	p0 =	sne.s32 s15, $0x1F00;
	v2 =	vld [tilespmem:s16+$0x2800];
	_ =	sdelay $0x3  }
.Ltmp2:
0x22: {  	(pc) =	sbr.rel @p0 .LBB2_6-.Ltmp2, $2  }
0x23: {  	_ =	sdelay $0x2  }
0x24: {  	s16 =	sshra.s32 s15, $0x2;
	s15 =	sadd.s32 $0x40, s15;
	[tilespmem:v2+s2+$0x0] =	vst.idx.add.f32.msk $0xffff, v1  }
0x25: {  	v2 =	vld [tilespmem:s16+$0x2800];
	_ =	sdelay $0x7  }
0x26: {  	s15 =	simm.s32 $0x0;
	[tilespmem:v2+s2+$0x0] =	vst.idx.add.f32.msk $0xffff, v1  }
0x27: {  	[tilespmem:s10], [sflag:$0x1] =	stream.linear.gather [hbm4b:s7+s15], $0x7D0, $0x38;
	[tilespmem:$0x3000] =	vst v63  }
0x28: {  	_ =	swait.ge [sflag:s11], $0x7D0  }
0x29: {  	[sflag:s11] =	ssyncset.done $0x0  }
0x2a: {  	s16 =	simm.s32 $0x0;
	s15 =	simm.s32 $0x40;
	[sflag:s11] =	ssyncadd.s32 $0xFFFFF830  }
.LBB2_8:
0x2b: {  	p0 =	sne.s32 s15, $0x1F00;
	v2 =	vld [tilespmem:s16+$0x2800];
	_ =	sdelay $0x3  }
.Ltmp3:
0x2c: {  	(pc) =	sbr.rel @p0 .LBB2_8-.Ltmp3, $2  }
0x2d: {  	_ =	sdelay $0x2  }
0x2e: {  	s16 =	sshra.s32 s15, $0x2;
	s15 =	sadd.s32 $0x40, s15;
	[tilespmem:v2+s2+$0x0] =	vst.idx.add.f32.msk $0xffff, v1  }
0x2f: {  	v2 =	vld [tilespmem:s16+$0x2800];
	_ =	sdelay $0x7  }
0x30: {  	s15 =	simm.s32 $0x0;
	[tilespmem:v2+s2+$0x0] =	vst.idx.add.f32.msk $0xffff, v1  }
0x31: {  	[tilespmem:s10], [sflag:$0x1] =	stream.linear.gather [hbm4b:s8+s15], $0x7D0, $0x38;
	[tilespmem:$0x3000] =	vst v63  }
0x32: {  	_ =	swait.ge [sflag:s11], $0x7D0  }
0x33: {  	[sflag:s11] =	ssyncset.done $0x0  }
0x34: {  	s16 =	simm.s32 $0x0;
	s15 =	simm.s32 $0x40;
	[sflag:s11] =	ssyncadd.s32 $0xFFFFF830  }
.LBB2_10:
0x35: {  	p0 =	sne.s32 s15, $0x1F00;
	v2 =	vld [tilespmem:s16+$0x2800];
	_ =	sdelay $0x3  }
.Ltmp4:
0x36: {  	(pc) =	sbr.rel @p0 .LBB2_10-.Ltmp4, $2  }
0x37: {  	_ =	sdelay $0x2  }
0x38: {  	s16 =	sshra.s32 s15, $0x2;
	s15 =	sadd.s32 $0x40, s15;
	[tilespmem:v2+s2+$0x0] =	vst.idx.add.f32.msk $0xffff, v1  }
0x39: {  	v2 =	vld [tilespmem:s16+$0x2800];
	_ =	sdelay $0x7  }
0x3a: {  	s15 =	simm.s32 $0x0;
	[tilespmem:v2+s2+$0x0] =	vst.idx.add.f32.msk $0xffff, v1  }
0x3b: {  	[tilespmem:s10], [sflag:$0x1] =	stream.linear.gather [hbm4b:s9+s15], $0x7D0, $0x38;
	[tilespmem:$0x3000] =	vst v63  }
0x3c: {  	_ =	swait.ge [sflag:s11], $0x7D0  }
0x3d: {  	[sflag:s11] =	ssyncset.done $0x0  }
0x3e: {  	s16 =	simm.s32 $0x0;
	s15 =	simm.s32 $0x40;
	[sflag:s11] =	ssyncadd.s32 $0xFFFFF830  }
.LBB2_12:
0x3f: {  	p0 =	sne.s32 s15, $0x1F00;
	v2 =	vld [tilespmem:s16+$0x2800];
	_ =	sdelay $0x3  }
.Ltmp5:
0x40: {  	(pc) =	sbr.rel @p0 .LBB2_12-.Ltmp5, $2  }
0x41: {  	_ =	sdelay $0x2  }
0x42: {  	s16 =	sshra.s32 s15, $0x2;
	s15 =	sadd.s32 $0x40, s15;
	[tilespmem:v2+s2+$0x0] =	vst.idx.add.f32.msk $0xffff, v1  }
0x43: {  	v2 =	vld [tilespmem:s16+$0x2800];
	_ =	sdelay $0x5  }
0x44: {  	s14 =	sadd.s32 $0x1, s14  }
0x45: {  	p0 =	sne.s32 s14, s4  }
.Ltmp6:
0x46: {  	[tilespmem:v2+s2+$0x0] =	vst.idx.add.f32.msk $0xffff, v1;
	(pc) =	sbr.rel @p0 .LBB2_1-.Ltmp6, $4  }
0x47: {  	[hbm4b:s3+s12] =	stream.strided.scatter [tilespmem:s2], [sflag:$0x1], $0x2800, s13, s12, $0x38;
	[tilespmem:$0x3000] =	vst v63  }
0x48: {  	_ =	swait.ge [sflag:s11], $0x2800  }
0x49: {  	[sflag:s11] =	ssyncset.done $0x0  }
0x4a: {  	[sflag:s11] =	ssyncadd.s32 $0xFFFFD800  }
0x4b: {  	_ =	sfence.sel $0x180000  }
0x4c: {  	[bflag:$0x0] =	sbarrier.arrive $0xFFFF  }
0x4d: {  	p0 =	sne.s32 s0, $0x0;
	_ =	strace $0x90000047  }
0x4e: {  	s0 =	sadd.s32 @!p0 $0x100000, s1;
	[bflag:$0x2] =	sbarrier.arrive $0xFFFF  }
0x4f: {  	[sflag:s0] =	ssyncadd.tile.s32 @!p0 $0x1;
	_ =	shalt  }
.Lfunc_end2:
_tile_overlayer_lowered:
.L_overlay_start_2:
0x50: {  	(tag) =	ssettag $0x2  }
0x51: {  	s0 =	rddreg [dreg:$0x0];
	s2 =	stileid.u32  }
0x52: {  	s1 =	rddreg [dreg:$0x1];
	p0 =	sne.s32 s2, $0x0  }
0x53: {  	s3 =	rddreg [dreg:$0x2];
	[bflag:$0x3] =	sbarrier.arrive $0xFFFF;
	s2 =	simm.s32 @!p0 $0x1C01  }
0x54: {  	[timem:s3], [sflag:s2] =	dma.local @!p0 [hbm:s0], s1  }
0x55: {  	s0 =	simm.s32 @!p0 $0x1  }
0x56: {  	_ =	swait.ge @!p0 [sflag:s0], s1  }
0x57: {  	s1 =	ssub.s32 @!p0 $0x0, s1;
	[sflag:s0] =	ssyncset.done @!p0 $0x0  }
0x58: {  	[sflag:s0] =	ssyncadd.s32 @!p0 s1  }
0x59: {  	[bflag:$0x3] =	sbarrier.arrive $0xFFFF  }
0x5a: {  	_ =	shalt  }

</sc_bundles>
